<compile_context>
chip_gen: v7x
topology: tpu7x:2x2x1
jax: 0.10.2.dev20260603
libtpu: 0.0.44.dev20260713+nightly
codegen_flags: <defaults>
</compile_context>

<pallas_src>
import functools

import jax
import jax.numpy as jnp
from jax import lax
from jax.experimental import pallas as pl
from jax.experimental.pallas import tpu as pltpu
from jax.experimental.pallas import tpu_sc as plsc

N = 500000
D = 5
P = 1000
P2 = 1024
SCALE = 100.0

NC = 2
NS = 16
NW = NC * NS

CHUNK = 2048
NFULL = N // CHUNK
TAIL = N - NFULL * CHUNK
TAIL_BASE = NFULL * CHUNK
FULL = NFULL // NW
EXTRA = NFULL % NW
TAIL_WID = EXTRA

_mesh = plsc.VectorSubcoreMesh(core_axis_name="c", subcore_axis_name="s")

_CHUNK_BUFS = [
    pltpu.VMEM((D, CHUNK), jnp.float32),
    pltpu.VMEM((D, CHUNK), jnp.float32),
    pltpu.VMEM((CHUNK,), jnp.int32),
    pltpu.VMEM((CHUNK,), jnp.int32),
]


@functools.partial(
    pl.kernel,
    mesh=_mesh,
    compiler_params=pltpu.CompilerParams(needs_layout_passes=False),
    out_type=[
        jax.ShapeDtypeStruct((NW, P2), jnp.float32),
        jax.ShapeDtypeStruct((NW, P2), jnp.float32),
    ],
    scratch_types=(
        _CHUNK_BUFS
        + _CHUNK_BUFS
        + _CHUNK_BUFS
        + [
            pltpu.VMEM((D, TAIL), jnp.float32),
            pltpu.VMEM((D, TAIL), jnp.float32),
            pltpu.VMEM((TAIL,), jnp.int32),
            pltpu.VMEM((TAIL,), jnp.int32),
            pltpu.VMEM((P2,), jnp.float32),
            pltpu.VMEM((P2,), jnp.float32),
            pltpu.SemaphoreType.DMA,
            pltpu.SemaphoreType.DMA,
            pltpu.SemaphoreType.DMA,
        ]
    ),
)
def _sc_accum(predt_hbm, tpt_hbm, pid_hbm, rec_hbm, sums_out, cnts_out,
              pbuf0, tbuf0, pidbuf0, recbuf0,
              pbuf1, tbuf1, pidbuf1, recbuf1,
              pbuf2, tbuf2, pidbuf2, recbuf2,
              pbuf_t, tbuf_t, pidbuf_t, recbuf_t,
              sums, cnts, sem0, sem1, sem2):
    wid = lax.axis_index("c") * NS + lax.axis_index("s")

    sets = [
        (pbuf0, tbuf0, pidbuf0, recbuf0, sem0),
        (pbuf1, tbuf1, pidbuf1, recbuf1, sem1),
    ]

    def _start(c, pb, tb, idb, rcb, sem):
        base = c * CHUNK
        return [
            pltpu.async_copy(predt_hbm.at[:, pl.ds(base, CHUNK)], pb, sem),
            pltpu.async_copy(tpt_hbm.at[:, pl.ds(base, CHUNK)], tb, sem),
            pltpu.async_copy(pid_hbm.at[pl.ds(base, CHUNK)], idb, sem),
            pltpu.async_copy(rec_hbm.at[pl.ds(base, CHUNK)], rcb, sem),
        ]

    @pl.when(wid < EXTRA)
    def _():
        _start(wid + FULL * NW, pbuf2, tbuf2, pidbuf2, recbuf2, sem2)

    handles = [None, None]
    handles[0] = _start(wid, *sets[0])

    zero16 = jnp.zeros((16,), jnp.float32)

    def _zero_body(i, _):
        sums[pl.ds(i * 16, 16)] = zero16
        cnts[pl.ds(i * 16, 16)] = zero16
        return 0

    lax.fori_loop(0, P2 // 16, _zero_body, 0)

    def _accum_groups(pb, tb, idb, rcb, groups):
        def _group_body(j, _):
            acc = jnp.zeros((16,), jnp.float32)
            for d in range(D):
                a = pb[d, pl.ds(j * 16, 16)]
                b = tb[d, pl.ds(j * 16, 16)]
                df = a - b
                acc = acc + df * df
            pid = idb[pl.ds(j * 16, 16)]
            rec = rcb[pl.ds(j * 16, 16)]
            valid = (rec > 0) & (pid > 0)
            pid_eff = jnp.where(valid, pid, 0)
            vf = valid.astype(jnp.float32)
            plsc.addupdate_scatter(sums, [pid_eff], acc * vf)
            plsc.addupdate_scatter(cnts, [pid_eff], vf)
            return 0

        lax.fori_loop(0, groups, _group_body, 0)

    for ci in range(FULL):
        b = ci % 2
        if ci + 1 < FULL:
            handles[1 - b] = _start(wid + (ci + 1) * NW, *sets[1 - b])
        for h in handles[b]:
            h.wait()
        pb, tb, idb, rcb, _ = sets[b]
        _accum_groups(pb, tb, idb, rcb, CHUNK // 16)

    @pl.when(wid < EXTRA)
    def _():
        pltpu.make_async_copy(
            predt_hbm.at[:, pl.ds(0, CHUNK)], pbuf2, sem2).wait()
        pltpu.make_async_copy(
            tpt_hbm.at[:, pl.ds(0, CHUNK)], tbuf2, sem2).wait()
        pltpu.make_async_copy(pid_hbm.at[pl.ds(0, CHUNK)], pidbuf2, sem2).wait()
        pltpu.make_async_copy(rec_hbm.at[pl.ds(0, CHUNK)], recbuf2, sem2).wait()
        _accum_groups(pbuf2, tbuf2, pidbuf2, recbuf2, CHUNK // 16)

    @pl.when(wid == TAIL_WID)
    def _():
        pltpu.sync_copy(predt_hbm.at[:, pl.ds(TAIL_BASE, TAIL)], pbuf_t)
        pltpu.sync_copy(tpt_hbm.at[:, pl.ds(TAIL_BASE, TAIL)], tbuf_t)
        pltpu.sync_copy(pid_hbm.at[pl.ds(TAIL_BASE, TAIL)], pidbuf_t)
        pltpu.sync_copy(rec_hbm.at[pl.ds(TAIL_BASE, TAIL)], recbuf_t)
        _accum_groups(pbuf_t, tbuf_t, pidbuf_t, recbuf_t, TAIL // 16)

    pltpu.sync_copy(sums, sums_out.at[wid])
    pltpu.sync_copy(cnts, cnts_out.at[wid])


def _finalize_body(sums_ref, cnts_ref, out_ref):
    s = jnp.sum(sums_ref[...], axis=0, keepdims=True)
    c = jnp.sum(cnts_ref[...], axis=0, keepdims=True)
    pid = lax.broadcasted_iota(jnp.int32, (1, P2), 1)
    present = (pid > 0) & (c > 0.0)
    denom = jnp.where(present, c, 1.0)
    terms = jnp.where(present, s / denom, 0.0)
    loss = jnp.sum(terms)
    k = jnp.sum(present.astype(jnp.float32))
    out_ref[...] = jnp.reshape(SCALE * loss / k, (1, 1))


def kernel(W, beta, H, pred, Y, particle_id, track_params, reconstructable):
    predt = jnp.transpose(pred)
    tpt = jnp.transpose(track_params)
    sums, cnts = _sc_accum(predt, tpt, particle_id, reconstructable)
    out = pl.pallas_call(
        _finalize_body,
        out_shape=jax.ShapeDtypeStruct((1, 1), jnp.float32),
    )(sums, cnts)
    return out[0, 0]

# --- scband reference (transcript-rebuilt; emitter-appended) ---
"""Pipeline reference for scband-object-loss-58248346469109 (READ-ONLY COPY).

The authoritative reference and input builder live on the scoring server;
editing this copy changes nothing except your own understanding.
"""

import jax, jax.numpy as jnp
import numpy as np

N = 500000
D = 5
P = 1000
SCALE = 100.0


def setup_inputs(seed: int = 0) -> dict:
    key = jax.random.key(seed)
    k1, k2, k3, k4, k5 = jax.random.split(key, 5)
    W = jnp.zeros((1,), dtype=jnp.float32)
    H = jnp.zeros((1,), dtype=jnp.float32)
    Y = jnp.zeros((1,), dtype=jnp.float32)
    beta = jax.random.uniform(k1, (N,), dtype=jnp.float32)
    pred = jax.random.normal(k2, (N, D), dtype=jnp.float32)
    track_params = jax.random.normal(k3, (N, D), dtype=jnp.float32)
    particle_id = jax.random.randint(k4, (N,), 0, P, dtype=jnp.int32)
    reconstructable = jax.random.randint(k5, (N,), 0, 2, dtype=jnp.int32)
    return {
        'W': W, 'beta': beta, 'H': H, 'pred': pred, 'Y': Y,
        'particle_id': particle_id, 'track_params': track_params,
        'reconstructable': reconstructable,
    }


def reference(W, beta, H, pred, Y, particle_id, track_params, reconstructable):
    # mask = reconstructable > 0; pred[mask] etc. We realize masking by zeroing
    # out contributions (pid_eff = 0 -> treated as noise), which is exactly
    # equivalent to the torch boolean indexing for this loss.
    mask = reconstructable > 0
    pid_eff = jnp.where(mask, particle_id, 0)

    # noise / xi term (computed for faithfulness; unused in 'efficiency' mode)
    noise_mask = pid_eff == 0
    xi = jnp.where(noise_mask, 0.0, jnp.arctanh(jnp.clip(beta, 0.0, 1.0 - 1e-7)) ** 2)

    # MSE per hit: sum over param dim of squared error
    mse = jnp.sum((pred - track_params) ** 2, axis=1)

    # pid values are statically bounded in [0, P); aggregate per pid with a
    # fixed number of segments and mask out pids that are absent or zero.
    valid = pid_eff > 0
    vf = valid.astype(jnp.float32)

    # For each pid i (torch loop): xi_p = M * pids[i]; weight = 1/sum(xi_p);
    # loss += weight * sum(mse * xi_p)
    counts = jax.ops.segment_sum(vf, pid_eff, num_segments=P)
    mse_sum = jax.ops.segment_sum(mse * vf, pid_eff, num_segments=P)
    pid_range = jnp.arange(P, dtype=jnp.int32)
    present = (pid_range > 0) & (counts > 0)
    pidsf = pid_range.astype(jnp.float32)
    weight = 1.0 / (pidsf * counts)
    terms = weight * (pidsf * mse_sum)
    loss = jnp.sum(jnp.where(present, terms, 0.0))
    K = jnp.sum(present.astype(jnp.float32))
    return SCALE * loss / K

if __name__ == "__main__":
    import jax
    _d = setup_inputs()
    print(jax.jit(kernel)(*tuple(_d.values())))

</pallas_src>

<mosaic_0001>
#map = affine_map<(d0, d1) -> (0, 0)>
#map1 = affine_map<(d0, d1) -> (0)>
module attributes {stable_mosaic.version = 14 : i64} {
  func.func @_sc_accum(%arg0: i32, %arg1: i32, %arg2: memref<5x500000xf32, #tpu.memory_space<hbm>>, %arg3: memref<5x500000xf32, #tpu.memory_space<hbm>>, %arg4: memref<500000xi32, #tpu.memory_space<hbm>>, %arg5: memref<500000xi32, #tpu.memory_space<hbm>>, %arg6: memref<32x1024xf32, #tpu.memory_space<hbm>>, %arg7: memref<32x1024xf32, #tpu.memory_space<hbm>>, %arg8: memref<5x2048xf32, #tpu.memory_space<vmem>>, %arg9: memref<5x2048xf32, #tpu.memory_space<vmem>>, %arg10: memref<2048xi32, #tpu.memory_space<vmem>>, %arg11: memref<2048xi32, #tpu.memory_space<vmem>>, %arg12: memref<5x2048xf32, #tpu.memory_space<vmem>>, %arg13: memref<5x2048xf32, #tpu.memory_space<vmem>>, %arg14: memref<2048xi32, #tpu.memory_space<vmem>>, %arg15: memref<2048xi32, #tpu.memory_space<vmem>>, %arg16: memref<5x2048xf32, #tpu.memory_space<vmem>>, %arg17: memref<5x2048xf32, #tpu.memory_space<vmem>>, %arg18: memref<2048xi32, #tpu.memory_space<vmem>>, %arg19: memref<2048xi32, #tpu.memory_space<vmem>>, %arg20: memref<5x288xf32, #tpu.memory_space<vmem>>, %arg21: memref<5x288xf32, #tpu.memory_space<vmem>>, %arg22: memref<288xi32, #tpu.memory_space<vmem>>, %arg23: memref<288xi32, #tpu.memory_space<vmem>>, %arg24: memref<1024xf32, #tpu.memory_space<vmem>>, %arg25: memref<1024xf32, #tpu.memory_space<vmem>>, %arg26: memref<!tpu.dma_semaphore, #tpu.memory_space<semaphore_mem>>, %arg27: memref<!tpu.dma_semaphore, #tpu.memory_space<semaphore_mem>>, %arg28: memref<!tpu.dma_semaphore, #tpu.memory_space<semaphore_mem>>) attributes {dimension_semantics = [#tpu.dimension_semantics<core_parallel>, #tpu.dimension_semantics<subcore_parallel>], iteration_bounds = array<i64: 2, 16>, scalar_prefetch = 0 : i64, scratch_operands = 21 : i64, tpu.core_type = #tpu.core_type<sc_vector_subcore>, window_params = [{transform_indices = #map}, {transform_indices = #map}, {transform_indices = #map1}, {transform_indices = #map1}, {transform_indices = #map}, {transform_indices = #map}]} {
    %mul3A = arith.constant 16 : i32
    %mul3A_0 = arith.muli %arg0, %mul3A : i32
    %add3A = arith.addi %mul3A_0, %arg1 : i32
    %lt3A = arith.constant 20 : i32
    %lt3A_1 = arith.cmpi slt, %add3A, %lt3A : i32
    %convert_element_type3A = arith.extui %lt3A_1 : i1 to i32
    %cond3A = arith.constant 0 : i32
    %cond3A_2 = arith.cmpi ne, %convert_element_type3A, %cond3A : i32
    scf.if %cond3A_2 {
      %add3A_260 = arith.constant 224 : i32
      %add3A_261 = arith.addi %add3A, %add3A_260 : i32
      %mul3A_262 = arith.constant 2048 : i32
      %mul3A_263 = arith.muli %add3A_261, %mul3A_262 : i32
      %dma_start3A_264 = arith.constant 0 : i32
      %dma_start3A_265 = tpu.memref_slice %arg2[%dma_start3A_264, %mul3A_263] : memref<5x500000xf32, #tpu.memory_space<hbm>> -> memref<5x2048xf32, #tpu.memory_space<hbm>>
      %dma_start3A_266 = arith.constant 0 : i32
      %dma_start3A_267 = tpu.memref_slice %arg2[%dma_start3A_266, %mul3A_263] : memref<5x500000xf32, #tpu.memory_space<hbm>> -> memref<5x2048xf32, #tpu.memory_space<hbm>>
      tpu.enqueue_dma source(%dma_start3A_267 : memref<5x2048xf32, #tpu.memory_space<hbm>>) target(%arg16 : memref<5x2048xf32, #tpu.memory_space<vmem>>) target_semaphore(%arg28 : memref<!tpu.dma_semaphore, #tpu.memory_space<semaphore_mem>>)
      %dma_start3A_268 = arith.constant 0 : i32
      %dma_start3A_269 = tpu.memref_slice %arg3[%dma_start3A_268, %mul3A_263] : memref<5x500000xf32, #tpu.memory_space<hbm>> -> memref<5x2048xf32, #tpu.memory_space<hbm>>
      %dma_start3A_270 = arith.constant 0 : i32
      %dma_start3A_271 = tpu.memref_slice %arg3[%dma_start3A_270, %mul3A_263] : memref<5x500000xf32, #tpu.memory_space<hbm>> -> memref<5x2048xf32, #tpu.memory_space<hbm>>
      tpu.enqueue_dma source(%dma_start3A_271 : memref<5x2048xf32, #tpu.memory_space<hbm>>) target(%arg17 : memref<5x2048xf32, #tpu.memory_space<vmem>>) target_semaphore(%arg28 : memref<!tpu.dma_semaphore, #tpu.memory_space<semaphore_mem>>)
      %dma_start3A_272 = tpu.memref_slice %arg4[%mul3A_263] : memref<500000xi32, #tpu.memory_space<hbm>> -> memref<2048xi32, #tpu.memory_space<hbm>>
      %dma_start3A_273 = tpu.memref_slice %arg4[%mul3A_263] : memref<500000xi32, #tpu.memory_space<hbm>> -> memref<2048xi32, #tpu.memory_space<hbm>>
      tpu.enqueue_dma source(%dma_start3A_273 : memref<2048xi32, #tpu.memory_space<hbm>>) target(%arg18 : memref<2048xi32, #tpu.memory_space<vmem>>) target_semaphore(%arg28 : memref<!tpu.dma_semaphore, #tpu.memory_space<semaphore_mem>>)
      %dma_start3A_274 = tpu.memref_slice %arg5[%mul3A_263] : memref<500000xi32, #tpu.memory_space<hbm>> -> memref<2048xi32, #tpu.memory_space<hbm>>
      %dma_start3A_275 = tpu.memref_slice %arg5[%mul3A_263] : memref<500000xi32, #tpu.memory_space<hbm>> -> memref<2048xi32, #tpu.memory_space<hbm>>
      tpu.enqueue_dma source(%dma_start3A_275 : memref<2048xi32, #tpu.memory_space<hbm>>) target(%arg19 : memref<2048xi32, #tpu.memory_space<vmem>>) target_semaphore(%arg28 : memref<!tpu.dma_semaphore, #tpu.memory_space<semaphore_mem>>)
    } else {
    }
    %mul3A_3 = arith.constant 2048 : i32
    %mul3A_4 = arith.muli %add3A, %mul3A_3 : i32
    %dma_start3A = arith.constant 0 : i32
    %dma_start3A_5 = tpu.memref_slice %arg2[%dma_start3A, %mul3A_4] : memref<5x500000xf32, #tpu.memory_space<hbm>> -> memref<5x2048xf32, #tpu.memory_space<hbm>>
    %dma_start3A_6 = arith.constant 0 : i32
    %dma_start3A_7 = tpu.memref_slice %arg2[%dma_start3A_6, %mul3A_4] : memref<5x500000xf32, #tpu.memory_space<hbm>> -> memref<5x2048xf32, #tpu.memory_space<hbm>>
    tpu.enqueue_dma source(%dma_start3A_7 : memref<5x2048xf32, #tpu.memory_space<hbm>>) target(%arg8 : memref<5x2048xf32, #tpu.memory_space<vmem>>) target_semaphore(%arg26 : memref<!tpu.dma_semaphore, #tpu.memory_space<semaphore_mem>>)
    %dma_start3A_8 = arith.constant 0 : i32
    %dma_start3A_9 = tpu.memref_slice %arg3[%dma_start3A_8, %mul3A_4] : memref<5x500000xf32, #tpu.memory_space<hbm>> -> memref<5x2048xf32, #tpu.memory_space<hbm>>
    %dma_start3A_10 = arith.constant 0 : i32
    %dma_start3A_11 = tpu.memref_slice %arg3[%dma_start3A_10, %mul3A_4] : memref<5x500000xf32, #tpu.memory_space<hbm>> -> memref<5x2048xf32, #tpu.memory_space<hbm>>
    tpu.enqueue_dma source(%dma_start3A_11 : memref<5x2048xf32, #tpu.memory_space<hbm>>) target(%arg9 : memref<5x2048xf32, #tpu.memory_space<vmem>>) target_semaphore(%arg26 : memref<!tpu.dma_semaphore, #tpu.memory_space<semaphore_mem>>)
    %dma_start3A_12 = tpu.memref_slice %arg4[%mul3A_4] : memref<500000xi32, #tpu.memory_space<hbm>> -> memref<2048xi32, #tpu.memory_space<hbm>>
    %dma_start3A_13 = tpu.memref_slice %arg4[%mul3A_4] : memref<500000xi32, #tpu.memory_space<hbm>> -> memref<2048xi32, #tpu.memory_space<hbm>>
    tpu.enqueue_dma source(%dma_start3A_13 : memref<2048xi32, #tpu.memory_space<hbm>>) target(%arg10 : memref<2048xi32, #tpu.memory_space<vmem>>) target_semaphore(%arg26 : memref<!tpu.dma_semaphore, #tpu.memory_space<semaphore_mem>>)
    %dma_start3A_14 = tpu.memref_slice %arg5[%mul3A_4] : memref<500000xi32, #tpu.memory_space<hbm>> -> memref<2048xi32, #tpu.memory_space<hbm>>
    %dma_start3A_15 = tpu.memref_slice %arg5[%mul3A_4] : memref<500000xi32, #tpu.memory_space<hbm>> -> memref<2048xi32, #tpu.memory_space<hbm>>
    tpu.enqueue_dma source(%dma_start3A_15 : memref<2048xi32, #tpu.memory_space<hbm>>) target(%arg11 : memref<2048xi32, #tpu.memory_space<vmem>>) target_semaphore(%arg26 : memref<!tpu.dma_semaphore, #tpu.memory_space<semaphore_mem>>)
    %broadcast_in_dim3A = arith.constant 0.000000e+00 : f32
    %broadcast_in_dim3A_16 = vector.broadcast %broadcast_in_dim3A : f32 to vector<16xf32>
    %scan3A = arith.constant 0 : i32
    %scan3A_17 = arith.constant 0 : i32
    %scan3A_18 = arith.constant 64 : i32
    %scan3A_19 = arith.addi %scan3A_17, %scan3A_18 : i32
    %scan3A_20 = arith.constant 1 : i32
    %scan3A_21 = scf.for %scan3A_260 = %scan3A_17 to %scan3A_19 step %scan3A_20 iter_args(%scan3A_261 = %scan3A) -> (i32)  : i32 {
      %mul3A_262 = arith.constant 16 : i32
      %mul3A_263 = arith.muli %scan3A_260, %mul3A_262 : i32
      %swap3A = arith.index_cast %mul3A_263 : i32 to index
      %swap3A_264 = tpu.vector_load %arg24[%swap3A] {strides = array<i32>} : memref<1024xf32, #tpu.memory_space<vmem>>, vector<16xf32>,
      tpu.vector_store %arg24[%swap3A], %broadcast_in_dim3A_16 {strides = array<i32>} : memref<1024xf32, #tpu.memory_space<vmem>>, vector<16xf32>,
      %mul3A_265 = arith.constant 16 : i32
      %mul3A_266 = arith.muli %scan3A_260, %mul3A_265 : i32
      %swap3A_267 = arith.index_cast %mul3A_266 : i32 to index
      %swap3A_268 = tpu.vector_load %arg25[%swap3A_267] {strides = array<i32>} : memref<1024xf32, #tpu.memory_space<vmem>>, vector<16xf32>,
      tpu.vector_store %arg25[%swap3A_267], %broadcast_in_dim3A_16 {strides = array<i32>} : memref<1024xf32, #tpu.memory_space<vmem>>, vector<16xf32>,
      %scan3A_269 = arith.constant 0 : i32
      scf.yield %scan3A_269 : i32
    }
    %scan3A_22 = arith.constant 64 : i32
    %add3A_23 = arith.constant 32 : i32
    %add3A_24 = arith.addi %add3A, %add3A_23 : i32
    %mul3A_25 = arith.constant 2048 : i32
    %mul3A_26 = arith.muli %add3A_24, %mul3A_25 : i32
    %dma_start3A_27 = arith.constant 0 : i32
    %dma_start3A_28 = tpu.memref_slice %arg2[%dma_start3A_27, %mul3A_26] : memref<5x500000xf32, #tpu.memory_space<hbm>> -> memref<5x2048xf32, #tpu.memory_space<hbm>>
    %dma_start3A_29 = arith.constant 0 : i32
    %dma_start3A_30 = tpu.memref_slice %arg2[%dma_start3A_29, %mul3A_26] : memref<5x500000xf32, #tpu.memory_space<hbm>> -> memref<5x2048xf32, #tpu.memory_space<hbm>>
    tpu.enqueue_dma source(%dma_start3A_30 : memref<5x2048xf32, #tpu.memory_space<hbm>>) target(%arg12 : memref<5x2048xf32, #tpu.memory_space<vmem>>) target_semaphore(%arg27 : memref<!tpu.dma_semaphore, #tpu.memory_space<semaphore_mem>>)
    %dma_start3A_31 = arith.constant 0 : i32
    %dma_start3A_32 = tpu.memref_slice %arg3[%dma_start3A_31, %mul3A_26] : memref<5x500000xf32, #tpu.memory_space<hbm>> -> memref<5x2048xf32, #tpu.memory_space<hbm>>
    %dma_start3A_33 = arith.constant 0 : i32
    %dma_start3A_34 = tpu.memref_slice %arg3[%dma_start3A_33, %mul3A_26] : memref<5x500000xf32, #tpu.memory_space<hbm>> -> memref<5x2048xf32, #tpu.memory_space<hbm>>
    tpu.enqueue_dma source(%dma_start3A_34 : memref<5x2048xf32, #tpu.memory_space<hbm>>) target(%arg13 : memref<5x2048xf32, #tpu.memory_space<vmem>>) target_semaphore(%arg27 : memref<!tpu.dma_semaphore, #tpu.memory_space<semaphore_mem>>)
    %dma_start3A_35 = tpu.memref_slice %arg4[%mul3A_26] : memref<500000xi32, #tpu.memory_space<hbm>> -> memref<2048xi32, #tpu.memory_space<hbm>>
    %dma_start3A_36 = tpu.memref_slice %arg4[%mul3A_26] : memref<500000xi32, #tpu.memory_space<hbm>> -> memref<2048xi32, #tpu.memory_space<hbm>>
    tpu.enqueue_dma source(%dma_start3A_36 : memref<2048xi32, #tpu.memory_space<hbm>>) target(%arg14 : memref<2048xi32, #tpu.memory_space<vmem>>) target_semaphore(%arg27 : memref<!tpu.dma_semaphore, #tpu.memory_space<semaphore_mem>>)
    %dma_start3A_37 = tpu.memref_slice %arg5[%mul3A_26] : memref<500000xi32, #tpu.memory_space<hbm>> -> memref<2048xi32, #tpu.memory_space<hbm>>
    %dma_start3A_38 = tpu.memref_slice %arg5[%mul3A_26] : memref<500000xi32, #tpu.memory_space<hbm>> -> memref<2048xi32, #tpu.memory_space<hbm>>
    tpu.enqueue_dma source(%dma_start3A_38 : memref<2048xi32, #tpu.memory_space<hbm>>) target(%arg15 : memref<2048xi32, #tpu.memory_space<vmem>>) target_semaphore(%arg27 : memref<!tpu.dma_semaphore, #tpu.memory_space<semaphore_mem>>)
    %dma_wait3A = arith.constant 0 : i32
    %dma_wait3A_39 = tpu.memref_slice %arg2[%dma_wait3A, %mul3A_4] : memref<5x500000xf32, #tpu.memory_space<hbm>> -> memref<5x2048xf32, #tpu.memory_space<hbm>>
    %dma_wait3A_40 = arith.constant 0 : i32
    %dma_wait3A_41 = tpu.memref_slice %arg2[%dma_wait3A_40, %mul3A_4] : memref<5x500000xf32, #tpu.memory_space<hbm>> -> memref<5x2048xf32, #tpu.memory_space<hbm>>
    tpu.wait_dma2 semaphore(%arg26 : memref<!tpu.dma_semaphore, #tpu.memory_space<semaphore_mem>>) src(%dma_wait3A_41 : memref<5x2048xf32, #tpu.memory_space<hbm>>) dst(%arg8 : memref<5x2048xf32, #tpu.memory_space<vmem>>)
    %dma_wait3A_42 = arith.constant 0 : i32
    %dma_wait3A_43 = tpu.memref_slice %arg3[%dma_wait3A_42, %mul3A_4] : memref<5x500000xf32, #tpu.memory_space<hbm>> -> memref<5x2048xf32, #tpu.memory_space<hbm>>
    %dma_wait3A_44 = arith.constant 0 : i32
    %dma_wait3A_45 = tpu.memref_slice %arg3[%dma_wait3A_44, %mul3A_4] : memref<5x500000xf32, #tpu.memory_space<hbm>> -> memref<5x2048xf32, #tpu.memory_space<hbm>>
    tpu.wait_dma2 semaphore(%arg26 : memref<!tpu.dma_semaphore, #tpu.memory_space<semaphore_mem>>) src(%dma_wait3A_45 : memref<5x2048xf32, #tpu.memory_space<hbm>>) dst(%arg9 : memref<5x2048xf32, #tpu.memory_space<vmem>>)
    %dma_wait3A_46 = tpu.memref_slice %arg4[%mul3A_4] : memref<500000xi32, #tpu.memory_space<hbm>> -> memref<2048xi32, #tpu.memory_space<hbm>>
    %dma_wait3A_47 = tpu.memref_slice %arg4[%mul3A_4] : memref<500000xi32, #tpu.memory_space<hbm>> -> memref<2048xi32, #tpu.memory_space<hbm>>
    tpu.wait_dma2 semaphore(%arg26 : memref<!tpu.dma_semaphore, #tpu.memory_space<semaphore_mem>>) src(%dma_wait3A_47 : memref<2048xi32, #tpu.memory_space<hbm>>) dst(%arg10 : memref<2048xi32, #tpu.memory_space<vmem>>)
    %dma_wait3A_48 = tpu.memref_slice %arg5[%mul3A_4] : memref<500000xi32, #tpu.memory_space<hbm>> -> memref<2048xi32, #tpu.memory_space<hbm>>
    %dma_wait3A_49 = tpu.memref_slice %arg5[%mul3A_4] : memref<500000xi32, #tpu.memory_space<hbm>> -> memref<2048xi32, #tpu.memory_space<hbm>>
    tpu.wait_dma2 semaphore(%arg26 : memref<!tpu.dma_semaphore, #tpu.memory_space<semaphore_mem>>) src(%dma_wait3A_49 : memref<2048xi32, #tpu.memory_space<hbm>>) dst(%arg11 : memref<2048xi32, #tpu.memory_space<vmem>>)
    %scan3A_50 = arith.constant 0 : i32
    %scan3A_51 = arith.constant 0 : i32
    %scan3A_52 = arith.constant 128 : i32
    %scan3A_53 = arith.addi %scan3A_51, %scan3A_52 : i32
    %scan3A_54 = arith.constant 1 : i32
    %scan3A_55 = scf.for %scan3A_260 = %scan3A_51 to %scan3A_53 step %scan3A_54 iter_args(%scan3A_261 = %scan3A_50) -> (i32)  : i32 {
      %broadcast_in_dim3A_262 = arith.constant 0.000000e+00 : f32
      %broadcast_in_dim3A_263 = vector.broadcast %broadcast_in_dim3A_262 : f32 to vector<16xf32>
      %mul3A_264 = arith.constant 16 : i32
      %mul3A_265 = arith.muli %scan3A_260, %mul3A_264 : i32
      %get3A = arith.constant 0 : i32
      %get3A_266 = arith.index_cast %get3A : i32 to index
      %get3A_267 = arith.index_cast %mul3A_265 : i32 to index
      %get3A_268 = tpu.vector_load %arg8[%get3A_266, %get3A_267] {strides = array<i32>} : memref<5x2048xf32, #tpu.memory_space<vmem>>, vector<16xf32>,
      %mul3A_269 = arith.constant 16 : i32
      %mul3A_270 = arith.muli %scan3A_260, %mul3A_269 : i32
      %get3A_271 = arith.constant 0 : i32
      %get3A_272 = arith.index_cast %get3A_271 : i32 to index
      %get3A_273 = arith.index_cast %mul3A_270 : i32 to index
      %get3A_274 = tpu.vector_load %arg9[%get3A_272, %get3A_273] {strides = array<i32>} : memref<5x2048xf32, #tpu.memory_space<vmem>>, vector<16xf32>,
      %sub3A = arith.subf %get3A_268, %get3A_274 : vector<16xf32>
      %mul3A_275 = arith.mulf %sub3A, %sub3A : vector<16xf32>
      %add3A_276 = arith.addf %broadcast_in_dim3A_263, %mul3A_275 : vector<16xf32>
      %mul3A_277 = arith.constant 16 : i32
      %mul3A_278 = arith.muli %scan3A_260, %mul3A_277 : i32
      %get3A_279 = arith.constant 1 : i32
      %get3A_280 = arith.index_cast %get3A_279 : i32 to index
      %get3A_281 = arith.index_cast %mul3A_278 : i32 to index
      %get3A_282 = tpu.vector_load %arg8[%get3A_280, %get3A_281] {strides = array<i32>} : memref<5x2048xf32, #tpu.memory_space<vmem>>, vector<16xf32>,
      %mul3A_283 = arith.constant 16 : i32
      %mul3A_284 = arith.muli %scan3A_260, %mul3A_283 : i32
      %get3A_285 = arith.constant 1 : i32
      %get3A_286 = arith.index_cast %get3A_285 : i32 to index
      %get3A_287 = arith.index_cast %mul3A_284 : i32 to index
      %get3A_288 = tpu.vector_load %arg9[%get3A_286, %get3A_287] {strides = array<i32>} : memref<5x2048xf32, #tpu.memory_space<vmem>>, vector<16xf32>,
      %sub3A_289 = arith.subf %get3A_282, %get3A_288 : vector<16xf32>
      %mul3A_290 = arith.mulf %sub3A_289, %sub3A_289 : vector<16xf32>
      %add3A_291 = arith.addf %add3A_276, %mul3A_290 : vector<16xf32>
      %mul3A_292 = arith.constant 16 : i32
      %mul3A_293 = arith.muli %scan3A_260, %mul3A_292 : i32
      %get3A_294 = arith.constant 2 : i32
      %get3A_295 = arith.index_cast %get3A_294 : i32 to index
      %get3A_296 = arith.index_cast %mul3A_293 : i32 to index
      %get3A_297 = tpu.vector_load %arg8[%get3A_295, %get3A_296] {strides = array<i32>} : memref<5x2048xf32, #tpu.memory_space<vmem>>, vector<16xf32>,
      %mul3A_298 = arith.constant 16 : i32
      %mul3A_299 = arith.muli %scan3A_260, %mul3A_298 : i32
      %get3A_300 = arith.constant 2 : i32
      %get3A_301 = arith.index_cast %get3A_300 : i32 to index
      %get3A_302 = arith.index_cast %mul3A_299 : i32 to index
      %get3A_303 = tpu.vector_load %arg9[%get3A_301, %get3A_302] {strides = array<i32>} : memref<5x2048xf32, #tpu.memory_space<vmem>>, vector<16xf32>,
      %sub3A_304 = arith.subf %get3A_297, %get3A_303 : vector<16xf32>
      %mul3A_305 = arith.mulf %sub3A_304, %sub3A_304 : vector<16xf32>
      %add3A_306 = arith.addf %add3A_291, %mul3A_305 : vector<16xf32>
      %mul3A_307 = arith.constant 16 : i32
      %mul3A_308 = arith.muli %scan3A_260, %mul3A_307 : i32
      %get3A_309 = arith.constant 3 : i32
      %get3A_310 = arith.index_cast %get3A_309 : i32 to index
      %get3A_311 = arith.index_cast %mul3A_308 : i32 to index
      %get3A_312 = tpu.vector_load %arg8[%get3A_310, %get3A_311] {strides = array<i32>} : memref<5x2048xf32, #tpu.memory_space<vmem>>, vector<16xf32>,
      %mul3A_313 = arith.constant 16 : i32
      %mul3A_314 = arith.muli %scan3A_260, %mul3A_313 : i32
      %get3A_315 = arith.constant 3 : i32
      %get3A_316 = arith.index_cast %get3A_315 : i32 to index
      %get3A_317 = arith.index_cast %mul3A_314 : i32 to index
      %get3A_318 = tpu.vector_load %arg9[%get3A_316, %get3A_317] {strides = array<i32>} : memref<5x2048xf32, #tpu.memory_space<vmem>>, vector<16xf32>,
      %sub3A_319 = arith.subf %get3A_312, %get3A_318 : vector<16xf32>
      %mul3A_320 = arith.mulf %sub3A_319, %sub3A_319 : vector<16xf32>
      %add3A_321 = arith.addf %add3A_306, %mul3A_320 : vector<16xf32>
      %mul3A_322 = arith.constant 16 : i32
      %mul3A_323 = arith.muli %scan3A_260, %mul3A_322 : i32
      %get3A_324 = arith.constant 4 : i32
      %get3A_325 = arith.index_cast %get3A_324 : i32 to index
      %get3A_326 = arith.index_cast %mul3A_323 : i32 to index
      %get3A_327 = tpu.vector_load %arg8[%get3A_325, %get3A_326] {strides = array<i32>} : memref<5x2048xf32, #tpu.memory_space<vmem>>, vector<16xf32>,
      %mul3A_328 = arith.constant 16 : i32
      %mul3A_329 = arith.muli %scan3A_260, %mul3A_328 : i32
      %get3A_330 = arith.constant 4 : i32
      %get3A_331 = arith.index_cast %get3A_330 : i32 to index
      %get3A_332 = arith.index_cast %mul3A_329 : i32 to index
      %get3A_333 = tpu.vector_load %arg9[%get3A_331, %get3A_332] {strides = array<i32>} : memref<5x2048xf32, #tpu.memory_space<vmem>>, vector<16xf32>,
      %sub3A_334 = arith.subf %get3A_327, %get3A_333 : vector<16xf32>
      %mul3A_335 = arith.mulf %sub3A_334, %sub3A_334 : vector<16xf32>
      %add3A_336 = arith.addf %add3A_321, %mul3A_335 : vector<16xf32>
      %mul3A_337 = arith.constant 16 : i32
      %mul3A_338 = arith.muli %scan3A_260, %mul3A_337 : i32
      %get3A_339 = arith.index_cast %mul3A_338 : i32 to index
      %get3A_340 = tpu.vector_load %arg10[%get3A_339] {strides = array<i32>} : memref<2048xi32, #tpu.memory_space<vmem>>, vector<16xi32>,
      %mul3A_341 = arith.constant 16 : i32
      %mul3A_342 = arith.muli %scan3A_260, %mul3A_341 : i32
      %get3A_343 = arith.index_cast %mul3A_342 : i32 to index
      %get3A_344 = tpu.vector_load %arg11[%get3A_343] {strides = array<i32>} : memref<2048xi32, #tpu.memory_space<vmem>>, vector<16xi32>,
      %gt3A = arith.constant 0 : i32
      %gt3A_345 = vector.broadcast %gt3A : i32 to vector<16xi32>
      %gt3A_346 = arith.cmpi sgt, %get3A_344, %gt3A_345 : vector<16xi32>
      %gt3A_347 = arith.constant 0 : i32
      %gt3A_348 = vector.broadcast %gt3A_347 : i32 to vector<16xi32>
      %gt3A_349 = arith.cmpi sgt, %get3A_340, %gt3A_348 : vector<16xi32>
      %and3A = arith.andi %gt3A_346, %gt3A_349 : vector<16xi1>
      %jit3A = arith.constant 0 : i32
      %broadcast_in_dim3A_350 = vector.broadcast %jit3A : i32 to vector<16xi32>
      %select_n3A = arith.select %and3A, %get3A_340, %broadcast_in_dim3A_350 : vector<16xi1>, vector<16xi32>
      %convert_element_type3A_351 = arith.extui %and3A : vector<16xi1> to vector<16xi32>
      %convert_element_type3A_352 = arith.sitofp %convert_element_type3A_351 : vector<16xi32> to vector<16xf32>
      %mul3A_353 = arith.mulf %add3A_336, %convert_element_type3A_352 : vector<16xf32>
      tpu.vector_store_idx %arg24[%select_n3A], %mul3A_353 {add = true} : memref<1024xf32, #tpu.memory_space<vmem>>[vector<16xi32>], vector<16xf32>,
      tpu.vector_store_idx %arg25[%select_n3A], %convert_element_type3A_352 {add = true} : memref<1024xf32, #tpu.memory_space<vmem>>[vector<16xi32>], vector<16xf32>,
      %scan3A_354 = arith.constant 0 : i32
      scf.yield %scan3A_354 : i32
    }
    %scan3A_56 = arith.constant 128 : i32
    %add3A_57 = arith.constant 64 : i32
    %add3A_58 = arith.addi %add3A, %add3A_57 : i32
    %mul3A_59 = arith.constant 2048 : i32
    %mul3A_60 = arith.muli %add3A_58, %mul3A_59 : i32
    %dma_start3A_61 = arith.constant 0 : i32
    %dma_start3A_62 = tpu.memref_slice %arg2[%dma_start3A_61, %mul3A_60] : memref<5x500000xf32, #tpu.memory_space<hbm>> -> memref<5x2048xf32, #tpu.memory_space<hbm>>
    %dma_start3A_63 = arith.constant 0 : i32
    %dma_start3A_64 = tpu.memref_slice %arg2[%dma_start3A_63, %mul3A_60] : memref<5x500000xf32, #tpu.memory_space<hbm>> -> memref<5x2048xf32, #tpu.memory_space<hbm>>
    tpu.enqueue_dma source(%dma_start3A_64 : memref<5x2048xf32, #tpu.memory_space<hbm>>) target(%arg8 : memref<5x2048xf32, #tpu.memory_space<vmem>>) target_semaphore(%arg26 : memref<!tpu.dma_semaphore, #tpu.memory_space<semaphore_mem>>)
    %dma_start3A_65 = arith.constant 0 : i32
    %dma_start3A_66 = tpu.memref_slice %arg3[%dma_start3A_65, %mul3A_60] : memref<5x500000xf32, #tpu.memory_space<hbm>> -> memref<5x2048xf32, #tpu.memory_space<hbm>>
    %dma_start3A_67 = arith.constant 0 : i32
    %dma_start3A_68 = tpu.memref_slice %arg3[%dma_start3A_67, %mul3A_60] : memref<5x500000xf32, #tpu.memory_space<hbm>> -> memref<5x2048xf32, #tpu.memory_space<hbm>>
    tpu.enqueue_dma source(%dma_start3A_68 : memref<5x2048xf32, #tpu.memory_space<hbm>>) target(%arg9 : memref<5x2048xf32, #tpu.memory_space<vmem>>) target_semaphore(%arg26 : memref<!tpu.dma_semaphore, #tpu.memory_space<semaphore_mem>>)
    %dma_start3A_69 = tpu.memref_slice %arg4[%mul3A_60] : memref<500000xi32, #tpu.memory_space<hbm>> -> memref<2048xi32, #tpu.memory_space<hbm>>
    %dma_start3A_70 = tpu.memref_slice %arg4[%mul3A_60] : memref<500000xi32, #tpu.memory_space<hbm>> -> memref<2048xi32, #tpu.memory_space<hbm>>
    tpu.enqueue_dma source(%dma_start3A_70 : memref<2048xi32, #tpu.memory_space<hbm>>) target(%arg10 : memref<2048xi32, #tpu.memory_space<vmem>>) target_semaphore(%arg26 : memref<!tpu.dma_semaphore, #tpu.memory_space<semaphore_mem>>)
    %dma_start3A_71 = tpu.memref_slice %arg5[%mul3A_60] : memref<500000xi32, #tpu.memory_space<hbm>> -> memref<2048xi32, #tpu.memory_space<hbm>>
    %dma_start3A_72 = tpu.memref_slice %arg5[%mul3A_60] : memref<500000xi32, #tpu.memory_space<hbm>> -> memref<2048xi32, #tpu.memory_space<hbm>>
    tpu.enqueue_dma source(%dma_start3A_72 : memref<2048xi32, #tpu.memory_space<hbm>>) target(%arg11 : memref<2048xi32, #tpu.memory_space<vmem>>) target_semaphore(%arg26 : memref<!tpu.dma_semaphore, #tpu.memory_space<semaphore_mem>>)
    %dma_wait3A_73 = arith.constant 0 : i32
    %dma_wait3A_74 = tpu.memref_slice %arg2[%dma_wait3A_73, %mul3A_26] : memref<5x500000xf32, #tpu.memory_space<hbm>> -> memref<5x2048xf32, #tpu.memory_space<hbm>>
    %dma_wait3A_75 = arith.constant 0 : i32
    %dma_wait3A_76 = tpu.memref_slice %arg2[%dma_wait3A_75, %mul3A_26] : memref<5x500000xf32, #tpu.memory_space<hbm>> -> memref<5x2048xf32, #tpu.memory_space<hbm>>
    tpu.wait_dma2 semaphore(%arg27 : memref<!tpu.dma_semaphore, #tpu.memory_space<semaphore_mem>>) src(%dma_wait3A_76 : memref<5x2048xf32, #tpu.memory_space<hbm>>) dst(%arg12 : memref<5x2048xf32, #tpu.memory_space<vmem>>)
    %dma_wait3A_77 = arith.constant 0 : i32
    %dma_wait3A_78 = tpu.memref_slice %arg3[%dma_wait3A_77, %mul3A_26] : memref<5x500000xf32, #tpu.memory_space<hbm>> -> memref<5x2048xf32, #tpu.memory_space<hbm>>
    %dma_wait3A_79 = arith.constant 0 : i32
    %dma_wait3A_80 = tpu.memref_slice %arg3[%dma_wait3A_79, %mul3A_26] : memref<5x500000xf32, #tpu.memory_space<hbm>> -> memref<5x2048xf32, #tpu.memory_space<hbm>>
    tpu.wait_dma2 semaphore(%arg27 : memref<!tpu.dma_semaphore, #tpu.memory_space<semaphore_mem>>) src(%dma_wait3A_80 : memref<5x2048xf32, #tpu.memory_space<hbm>>) dst(%arg13 : memref<5x2048xf32, #tpu.memory_space<vmem>>)
    %dma_wait3A_81 = tpu.memref_slice %arg4[%mul3A_26] : memref<500000xi32, #tpu.memory_space<hbm>> -> memref<2048xi32, #tpu.memory_space<hbm>>
    %dma_wait3A_82 = tpu.memref_slice %arg4[%mul3A_26] : memref<500000xi32, #tpu.memory_space<hbm>> -> memref<2048xi32, #tpu.memory_space<hbm>>
    tpu.wait_dma2 semaphore(%arg27 : memref<!tpu.dma_semaphore, #tpu.memory_space<semaphore_mem>>) src(%dma_wait3A_82 : memref<2048xi32, #tpu.memory_space<hbm>>) dst(%arg14 : memref<2048xi32, #tpu.memory_space<vmem>>)
    %dma_wait3A_83 = tpu.memref_slice %arg5[%mul3A_26] : memref<500000xi32, #tpu.memory_space<hbm>> -> memref<2048xi32, #tpu.memory_space<hbm>>
    %dma_wait3A_84 = tpu.memref_slice %arg5[%mul3A_26] : memref<500000xi32, #tpu.memory_space<hbm>> -> memref<2048xi32, #tpu.memory_space<hbm>>
    tpu.wait_dma2 semaphore(%arg27 : memref<!tpu.dma_semaphore, #tpu.memory_space<semaphore_mem>>) src(%dma_wait3A_84 : memref<2048xi32, #tpu.memory_space<hbm>>) dst(%arg15 : memref<2048xi32, #tpu.memory_space<vmem>>)
    %scan3A_85 = arith.constant 0 : i32
    %scan3A_86 = arith.constant 0 : i32
    %scan3A_87 = arith.constant 128 : i32
    %scan3A_88 = arith.addi %scan3A_86, %scan3A_87 : i32
    %scan3A_89 = arith.constant 1 : i32
    %scan3A_90 = scf.for %scan3A_260 = %scan3A_86 to %scan3A_88 step %scan3A_89 iter_args(%scan3A_261 = %scan3A_85) -> (i32)  : i32 {
      %broadcast_in_dim3A_262 = arith.constant 0.000000e+00 : f32
      %broadcast_in_dim3A_263 = vector.broadcast %broadcast_in_dim3A_262 : f32 to vector<16xf32>
      %mul3A_264 = arith.constant 16 : i32
      %mul3A_265 = arith.muli %scan3A_260, %mul3A_264 : i32
      %get3A = arith.constant 0 : i32
      %get3A_266 = arith.index_cast %get3A : i32 to index
      %get3A_267 = arith.index_cast %mul3A_265 : i32 to index
      %get3A_268 = tpu.vector_load %arg12[%get3A_266, %get3A_267] {strides = array<i32>} : memref<5x2048xf32, #tpu.memory_space<vmem>>, vector<16xf32>,
      %mul3A_269 = arith.constant 16 : i32
      %mul3A_270 = arith.muli %scan3A_260, %mul3A_269 : i32
      %get3A_271 = arith.constant 0 : i32
      %get3A_272 = arith.index_cast %get3A_271 : i32 to index
      %get3A_273 = arith.index_cast %mul3A_270 : i32 to index
      %get3A_274 = tpu.vector_load %arg13[%get3A_272, %get3A_273] {strides = array<i32>} : memref<5x2048xf32, #tpu.memory_space<vmem>>, vector<16xf32>,
      %sub3A = arith.subf %get3A_268, %get3A_274 : vector<16xf32>
      %mul3A_275 = arith.mulf %sub3A, %sub3A : vector<16xf32>
      %add3A_276 = arith.addf %broadcast_in_dim3A_263, %mul3A_275 : vector<16xf32>
      %mul3A_277 = arith.constant 16 : i32
      %mul3A_278 = arith.muli %scan3A_260, %mul3A_277 : i32
      %get3A_279 = arith.constant 1 : i32
      %get3A_280 = arith.index_cast %get3A_279 : i32 to index
      %get3A_281 = arith.index_cast %mul3A_278 : i32 to index
      %get3A_282 = tpu.vector_load %arg12[%get3A_280, %get3A_281] {strides = array<i32>} : memref<5x2048xf32, #tpu.memory_space<vmem>>, vector<16xf32>,
      %mul3A_283 = arith.constant 16 : i32
      %mul3A_284 = arith.muli %scan3A_260, %mul3A_283 : i32
      %get3A_285 = arith.constant 1 : i32
      %get3A_286 = arith.index_cast %get3A_285 : i32 to index
      %get3A_287 = arith.index_cast %mul3A_284 : i32 to index
      %get3A_288 = tpu.vector_load %arg13[%get3A_286, %get3A_287] {strides = array<i32>} : memref<5x2048xf32, #tpu.memory_space<vmem>>, vector<16xf32>,
      %sub3A_289 = arith.subf %get3A_282, %get3A_288 : vector<16xf32>
      %mul3A_290 = arith.mulf %sub3A_289, %sub3A_289 : vector<16xf32>
      %add3A_291 = arith.addf %add3A_276, %mul3A_290 : vector<16xf32>
      %mul3A_292 = arith.constant 16 : i32
      %mul3A_293 = arith.muli %scan3A_260, %mul3A_292 : i32
      %get3A_294 = arith.constant 2 : i32
      %get3A_295 = arith.index_cast %get3A_294 : i32 to index
      %get3A_296 = arith.index_cast %mul3A_293 : i32 to index
      %get3A_297 = tpu.vector_load %arg12[%get3A_295, %get3A_296] {strides = array<i32>} : memref<5x2048xf32, #tpu.memory_space<vmem>>, vector<16xf32>,
      %mul3A_298 = arith.constant 16 : i32
      %mul3A_299 = arith.muli %scan3A_260, %mul3A_298 : i32
      %get3A_300 = arith.constant 2 : i32
      %get3A_301 = arith.index_cast %get3A_300 : i32 to index
      %get3A_302 = arith.index_cast %mul3A_299 : i32 to index
      %get3A_303 = tpu.vector_load %arg13[%get3A_301, %get3A_302] {strides = array<i32>} : memref<5x2048xf32, #tpu.memory_space<vmem>>, vector<16xf32>,
      %sub3A_304 = arith.subf %get3A_297, %get3A_303 : vector<16xf32>
      %mul3A_305 = arith.mulf %sub3A_304, %sub3A_304 : vector<16xf32>
      %add3A_306 = arith.addf %add3A_291, %mul3A_305 : vector<16xf32>
      %mul3A_307 = arith.constant 16 : i32
      %mul3A_308 = arith.muli %scan3A_260, %mul3A_307 : i32
      %get3A_309 = arith.constant 3 : i32
      %get3A_310 = arith.index_cast %get3A_309 : i32 to index
      %get3A_311 = arith.index_cast %mul3A_308 : i32 to index
      %get3A_312 = tpu.vector_load %arg12[%get3A_310, %get3A_311] {strides = array<i32>} : memref<5x2048xf32, #tpu.memory_space<vmem>>, vector<16xf32>,
      %mul3A_313 = arith.constant 16 : i32
      %mul3A_314 = arith.muli %scan3A_260, %mul3A_313 : i32
      %get3A_315 = arith.constant 3 : i32
      %get3A_316 = arith.index_cast %get3A_315 : i32 to index
      %get3A_317 = arith.index_cast %mul3A_314 : i32 to index
      %get3A_318 = tpu.vector_load %arg13[%get3A_316, %get3A_317] {strides = array<i32>} : memref<5x2048xf32, #tpu.memory_space<vmem>>, vector<16xf32>,
      %sub3A_319 = arith.subf %get3A_312, %get3A_318 : vector<16xf32>
      %mul3A_320 = arith.mulf %sub3A_319, %sub3A_319 : vector<16xf32>
      %add3A_321 = arith.addf %add3A_306, %mul3A_320 : vector<16xf32>
      %mul3A_322 = arith.constant 16 : i32
      %mul3A_323 = arith.muli %scan3A_260, %mul3A_322 : i32
      %get3A_324 = arith.constant 4 : i32
      %get3A_325 = arith.index_cast %get3A_324 : i32 to index
      %get3A_326 = arith.index_cast %mul3A_323 : i32 to index
      %get3A_327 = tpu.vector_load %arg12[%get3A_325, %get3A_326] {strides = array<i32>} : memref<5x2048xf32, #tpu.memory_space<vmem>>, vector<16xf32>,
      %mul3A_328 = arith.constant 16 : i32
      %mul3A_329 = arith.muli %scan3A_260, %mul3A_328 : i32
      %get3A_330 = arith.constant 4 : i32
      %get3A_331 = arith.index_cast %get3A_330 : i32 to index
      %get3A_332 = arith.index_cast %mul3A_329 : i32 to index
      %get3A_333 = tpu.vector_load %arg13[%get3A_331, %get3A_332] {strides = array<i32>} : memref<5x2048xf32, #tpu.memory_space<vmem>>, vector<16xf32>,
      %sub3A_334 = arith.subf %get3A_327, %get3A_333 : vector<16xf32>
      %mul3A_335 = arith.mulf %sub3A_334, %sub3A_334 : vector<16xf32>
      %add3A_336 = arith.addf %add3A_321, %mul3A_335 : vector<16xf32>
      %mul3A_337 = arith.constant 16 : i32
      %mul3A_338 = arith.muli %scan3A_260, %mul3A_337 : i32
      %get3A_339 = arith.index_cast %mul3A_338 : i32 to index
      %get3A_340 = tpu.vector_load %arg14[%get3A_339] {strides = array<i32>} : memref<2048xi32, #tpu.memory_space<vmem>>, vector<16xi32>,
      %mul3A_341 = arith.constant 16 : i32
      %mul3A_342 = arith.muli %scan3A_260, %mul3A_341 : i32
      %get3A_343 = arith.index_cast %mul3A_342 : i32 to index
      %get3A_344 = tpu.vector_load %arg15[%get3A_343] {strides = array<i32>} : memref<2048xi32, #tpu.memory_space<vmem>>, vector<16xi32>,
      %gt3A = arith.constant 0 : i32
      %gt3A_345 = vector.broadcast %gt3A : i32 to vector<16xi32>
      %gt3A_346 = arith.cmpi sgt, %get3A_344, %gt3A_345 : vector<16xi32>
      %gt3A_347 = arith.constant 0 : i32
      %gt3A_348 = vector.broadcast %gt3A_347 : i32 to vector<16xi32>
      %gt3A_349 = arith.cmpi sgt, %get3A_340, %gt3A_348 : vector<16xi32>
      %and3A = arith.andi %gt3A_346, %gt3A_349 : vector<16xi1>
      %jit3A = arith.constant 0 : i32
      %broadcast_in_dim3A_350 = vector.broadcast %jit3A : i32 to vector<16xi32>
      %select_n3A = arith.select %and3A, %get3A_340, %broadcast_in_dim3A_350 : vector<16xi1>, vector<16xi32>
      %convert_element_type3A_351 = arith.extui %and3A : vector<16xi1> to vector<16xi32>
      %convert_element_type3A_352 = arith.sitofp %convert_element_type3A_351 : vector<16xi32> to vector<16xf32>
      %mul3A_353 = arith.mulf %add3A_336, %convert_element_type3A_352 : vector<16xf32>
      tpu.vector_store_idx %arg24[%select_n3A], %mul3A_353 {add = true} : memref<1024xf32, #tpu.memory_space<vmem>>[vector<16xi32>], vector<16xf32>,
      tpu.vector_store_idx %arg25[%select_n3A], %convert_element_type3A_352 {add = true} : memref<1024xf32, #tpu.memory_space<vmem>>[vector<16xi32>], vector<16xf32>,
      %scan3A_354 = arith.constant 0 : i32
      scf.yield %scan3A_354 : i32
    }
    %scan3A_91 = arith.constant 128 : i32
    %add3A_92 = arith.constant 96 : i32
    %add3A_93 = arith.addi %add3A, %add3A_92 : i32
    %mul3A_94 = arith.constant 2048 : i32
    %mul3A_95 = arith.muli %add3A_93, %mul3A_94 : i32
    %dma_start3A_96 = arith.constant 0 : i32
    %dma_start3A_97 = tpu.memref_slice %arg2[%dma_start3A_96, %mul3A_95] : memref<5x500000xf32, #tpu.memory_space<hbm>> -> memref<5x2048xf32, #tpu.memory_space<hbm>>
    %dma_start3A_98 = arith.constant 0 : i32
    %dma_start3A_99 = tpu.memref_slice %arg2[%dma_start3A_98, %mul3A_95] : memref<5x500000xf32, #tpu.memory_space<hbm>> -> memref<5x2048xf32, #tpu.memory_space<hbm>>
    tpu.enqueue_dma source(%dma_start3A_99 : memref<5x2048xf32, #tpu.memory_space<hbm>>) target(%arg12 : memref<5x2048xf32, #tpu.memory_space<vmem>>) target_semaphore(%arg27 : memref<!tpu.dma_semaphore, #tpu.memory_space<semaphore_mem>>)
    %dma_start3A_100 = arith.constant 0 : i32
    %dma_start3A_101 = tpu.memref_slice %arg3[%dma_start3A_100, %mul3A_95] : memref<5x500000xf32, #tpu.memory_space<hbm>> -> memref<5x2048xf32, #tpu.memory_space<hbm>>
    %dma_start3A_102 = arith.constant 0 : i32
    %dma_start3A_103 = tpu.memref_slice %arg3[%dma_start3A_102, %mul3A_95] : memref<5x500000xf32, #tpu.memory_space<hbm>> -> memref<5x2048xf32, #tpu.memory_space<hbm>>
    tpu.enqueue_dma source(%dma_start3A_103 : memref<5x2048xf32, #tpu.memory_space<hbm>>) target(%arg13 : memref<5x2048xf32, #tpu.memory_space<vmem>>) target_semaphore(%arg27 : memref<!tpu.dma_semaphore, #tpu.memory_space<semaphore_mem>>)
    %dma_start3A_104 = tpu.memref_slice %arg4[%mul3A_95] : memref<500000xi32, #tpu.memory_space<hbm>> -> memref<2048xi32, #tpu.memory_space<hbm>>
    %dma_start3A_105 = tpu.memref_slice %arg4[%mul3A_95] : memref<500000xi32, #tpu.memory_space<hbm>> -> memref<2048xi32, #tpu.memory_space<hbm>>
    tpu.enqueue_dma source(%dma_start3A_105 : memref<2048xi32, #tpu.memory_space<hbm>>) target(%arg14 : memref<2048xi32, #tpu.memory_space<vmem>>) target_semaphore(%arg27 : memref<!tpu.dma_semaphore, #tpu.memory_space<semaphore_mem>>)
    %dma_start3A_106 = tpu.memref_slice %arg5[%mul3A_95] : memref<500000xi32, #tpu.memory_space<hbm>> -> memref<2048xi32, #tpu.memory_space<hbm>>
    %dma_start3A_107 = tpu.memref_slice %arg5[%mul3A_95] : memref<500000xi32, #tpu.memory_space<hbm>> -> memref<2048xi32, #tpu.memory_space<hbm>>
    tpu.enqueue_dma source(%dma_start3A_107 : memref<2048xi32, #tpu.memory_space<hbm>>) target(%arg15 : memref<2048xi32, #tpu.memory_space<vmem>>) target_semaphore(%arg27 : memref<!tpu.dma_semaphore, #tpu.memory_space<semaphore_mem>>)
    %dma_wait3A_108 = arith.constant 0 : i32
    %dma_wait3A_109 = tpu.memref_slice %arg2[%dma_wait3A_108, %mul3A_60] : memref<5x500000xf32, #tpu.memory_space<hbm>> -> memref<5x2048xf32, #tpu.memory_space<hbm>>
    %dma_wait3A_110 = arith.constant 0 : i32
    %dma_wait3A_111 = tpu.memref_slice %arg2[%dma_wait3A_110, %mul3A_60] : memref<5x500000xf32, #tpu.memory_space<hbm>> -> memref<5x2048xf32, #tpu.memory_space<hbm>>
    tpu.wait_dma2 semaphore(%arg26 : memref<!tpu.dma_semaphore, #tpu.memory_space<semaphore_mem>>) src(%dma_wait3A_111 : memref<5x2048xf32, #tpu.memory_space<hbm>>) dst(%arg8 : memref<5x2048xf32, #tpu.memory_space<vmem>>)
    %dma_wait3A_112 = arith.constant 0 : i32
    %dma_wait3A_113 = tpu.memref_slice %arg3[%dma_wait3A_112, %mul3A_60] : memref<5x500000xf32, #tpu.memory_space<hbm>> -> memref<5x2048xf32, #tpu.memory_space<hbm>>
    %dma_wait3A_114 = arith.constant 0 : i32
    %dma_wait3A_115 = tpu.memref_slice %arg3[%dma_wait3A_114, %mul3A_60] : memref<5x500000xf32, #tpu.memory_space<hbm>> -> memref<5x2048xf32, #tpu.memory_space<hbm>>
    tpu.wait_dma2 semaphore(%arg26 : memref<!tpu.dma_semaphore, #tpu.memory_space<semaphore_mem>>) src(%dma_wait3A_115 : memref<5x2048xf32, #tpu.memory_space<hbm>>) dst(%arg9 : memref<5x2048xf32, #tpu.memory_space<vmem>>)
    %dma_wait3A_116 = tpu.memref_slice %arg4[%mul3A_60] : memref<500000xi32, #tpu.memory_space<hbm>> -> memref<2048xi32, #tpu.memory_space<hbm>>
    %dma_wait3A_117 = tpu.memref_slice %arg4[%mul3A_60] : memref<500000xi32, #tpu.memory_space<hbm>> -> memref<2048xi32, #tpu.memory_space<hbm>>
    tpu.wait_dma2 semaphore(%arg26 : memref<!tpu.dma_semaphore, #tpu.memory_space<semaphore_mem>>) src(%dma_wait3A_117 : memref<2048xi32, #tpu.memory_space<hbm>>) dst(%arg10 : memref<2048xi32, #tpu.memory_space<vmem>>)
    %dma_wait3A_118 = tpu.memref_slice %arg5[%mul3A_60] : memref<500000xi32, #tpu.memory_space<hbm>> -> memref<2048xi32, #tpu.memory_space<hbm>>
    %dma_wait3A_119 = tpu.memref_slice %arg5[%mul3A_60] : memref<500000xi32, #tpu.memory_space<hbm>> -> memref<2048xi32, #tpu.memory_space<hbm>>
    tpu.wait_dma2 semaphore(%arg26 : memref<!tpu.dma_semaphore, #tpu.memory_space<semaphore_mem>>) src(%dma_wait3A_119 : memref<2048xi32, #tpu.memory_space<hbm>>) dst(%arg11 : memref<2048xi32, #tpu.memory_space<vmem>>)
    %scan3A_120 = arith.constant 0 : i32
    %scan3A_121 = arith.constant 0 : i32
    %scan3A_122 = arith.constant 128 : i32
    %scan3A_123 = arith.addi %scan3A_121, %scan3A_122 : i32
    %scan3A_124 = arith.constant 1 : i32
    %scan3A_125 = scf.for %scan3A_260 = %scan3A_121 to %scan3A_123 step %scan3A_124 iter_args(%scan3A_261 = %scan3A_120) -> (i32)  : i32 {
      %broadcast_in_dim3A_262 = arith.constant 0.000000e+00 : f32
      %broadcast_in_dim3A_263 = vector.broadcast %broadcast_in_dim3A_262 : f32 to vector<16xf32>
      %mul3A_264 = arith.constant 16 : i32
      %mul3A_265 = arith.muli %scan3A_260, %mul3A_264 : i32
      %get3A = arith.constant 0 : i32
      %get3A_266 = arith.index_cast %get3A : i32 to index
      %get3A_267 = arith.index_cast %mul3A_265 : i32 to index
      %get3A_268 = tpu.vector_load %arg8[%get3A_266, %get3A_267] {strides = array<i32>} : memref<5x2048xf32, #tpu.memory_space<vmem>>, vector<16xf32>,
      %mul3A_269 = arith.constant 16 : i32
      %mul3A_270 = arith.muli %scan3A_260, %mul3A_269 : i32
      %get3A_271 = arith.constant 0 : i32
      %get3A_272 = arith.index_cast %get3A_271 : i32 to index
      %get3A_273 = arith.index_cast %mul3A_270 : i32 to index
      %get3A_274 = tpu.vector_load %arg9[%get3A_272, %get3A_273] {strides = array<i32>} : memref<5x2048xf32, #tpu.memory_space<vmem>>, vector<16xf32>,
      %sub3A = arith.subf %get3A_268, %get3A_274 : vector<16xf32>
      %mul3A_275 = arith.mulf %sub3A, %sub3A : vector<16xf32>
      %add3A_276 = arith.addf %broadcast_in_dim3A_263, %mul3A_275 : vector<16xf32>
      %mul3A_277 = arith.constant 16 : i32
      %mul3A_278 = arith.muli %scan3A_260, %mul3A_277 : i32
      %get3A_279 = arith.constant 1 : i32
      %get3A_280 = arith.index_cast %get3A_279 : i32 to index
      %get3A_281 = arith.index_cast %mul3A_278 : i32 to index
      %get3A_282 = tpu.vector_load %arg8[%get3A_280, %get3A_281] {strides = array<i32>} : memref<5x2048xf32, #tpu.memory_space<vmem>>, vector<16xf32>,
      %mul3A_283 = arith.constant 16 : i32
      %mul3A_284 = arith.muli %scan3A_260, %mul3A_283 : i32
      %get3A_285 = arith.constant 1 : i32
      %get3A_286 = arith.index_cast %get3A_285 : i32 to index
      %get3A_287 = arith.index_cast %mul3A_284 : i32 to index
      %get3A_288 = tpu.vector_load %arg9[%get3A_286, %get3A_287] {strides = array<i32>} : memref<5x2048xf32, #tpu.memory_space<vmem>>, vector<16xf32>,
      %sub3A_289 = arith.subf %get3A_282, %get3A_288 : vector<16xf32>
      %mul3A_290 = arith.mulf %sub3A_289, %sub3A_289 : vector<16xf32>
      %add3A_291 = arith.addf %add3A_276, %mul3A_290 : vector<16xf32>
      %mul3A_292 = arith.constant 16 : i32
      %mul3A_293 = arith.muli %scan3A_260, %mul3A_292 : i32
      %get3A_294 = arith.constant 2 : i32
      %get3A_295 = arith.index_cast %get3A_294 : i32 to index
      %get3A_296 = arith.index_cast %mul3A_293 : i32 to index
      %get3A_297 = tpu.vector_load %arg8[%get3A_295, %get3A_296] {strides = array<i32>} : memref<5x2048xf32, #tpu.memory_space<vmem>>, vector<16xf32>,
      %mul3A_298 = arith.constant 16 : i32
      %mul3A_299 = arith.muli %scan3A_260, %mul3A_298 : i32
      %get3A_300 = arith.constant 2 : i32
      %get3A_301 = arith.index_cast %get3A_300 : i32 to index
      %get3A_302 = arith.index_cast %mul3A_299 : i32 to index
      %get3A_303 = tpu.vector_load %arg9[%get3A_301, %get3A_302] {strides = array<i32>} : memref<5x2048xf32, #tpu.memory_space<vmem>>, vector<16xf32>,
      %sub3A_304 = arith.subf %get3A_297, %get3A_303 : vector<16xf32>
      %mul3A_305 = arith.mulf %sub3A_304, %sub3A_304 : vector<16xf32>
      %add3A_306 = arith.addf %add3A_291, %mul3A_305 : vector<16xf32>
      %mul3A_307 = arith.constant 16 : i32
      %mul3A_308 = arith.muli %scan3A_260, %mul3A_307 : i32
      %get3A_309 = arith.constant 3 : i32
      %get3A_310 = arith.index_cast %get3A_309 : i32 to index
      %get3A_311 = arith.index_cast %mul3A_308 : i32 to index
      %get3A_312 = tpu.vector_load %arg8[%get3A_310, %get3A_311] {strides = array<i32>} : memref<5x2048xf32, #tpu.memory_space<vmem>>, vector<16xf32>,
      %mul3A_313 = arith.constant 16 : i32
      %mul3A_314 = arith.muli %scan3A_260, %mul3A_313 : i32
      %get3A_315 = arith.constant 3 : i32
      %get3A_316 = arith.index_cast %get3A_315 : i32 to index
      %get3A_317 = arith.index_cast %mul3A_314 : i32 to index
      %get3A_318 = tpu.vector_load %arg9[%get3A_316, %get3A_317] {strides = array<i32>} : memref<5x2048xf32, #tpu.memory_space<vmem>>, vector<16xf32>,
      %sub3A_319 = arith.subf %get3A_312, %get3A_318 : vector<16xf32>
      %mul3A_320 = arith.mulf %sub3A_319, %sub3A_319 : vector<16xf32>
      %add3A_321 = arith.addf %add3A_306, %mul3A_320 : vector<16xf32>
      %mul3A_322 = arith.constant 16 : i32
      %mul3A_323 = arith.muli %scan3A_260, %mul3A_322 : i32
      %get3A_324 = arith.constant 4 : i32
      %get3A_325 = arith.index_cast %get3A_324 : i32 to index
      %get3A_326 = arith.index_cast %mul3A_323 : i32 to index
      %get3A_327 = tpu.vector_load %arg8[%get3A_325, %get3A_326] {strides = array<i32>} : memref<5x2048xf32, #tpu.memory_space<vmem>>, vector<16xf32>,
      %mul3A_328 = arith.constant 16 : i32
      %mul3A_329 = arith.muli %scan3A_260, %mul3A_328 : i32
      %get3A_330 = arith.constant 4 : i32
      %get3A_331 = arith.index_cast %get3A_330 : i32 to index
      %get3A_332 = arith.index_cast %mul3A_329 : i32 to index
      %get3A_333 = tpu.vector_load %arg9[%get3A_331, %get3A_332] {strides = array<i32>} : memref<5x2048xf32, #tpu.memory_space<vmem>>, vector<16xf32>,
      %sub3A_334 = arith.subf %get3A_327, %get3A_333 : vector<16xf32>
      %mul3A_335 = arith.mulf %sub3A_334, %sub3A_334 : vector<16xf32>
      %add3A_336 = arith.addf %add3A_321, %mul3A_335 : vector<16xf32>
      %mul3A_337 = arith.constant 16 : i32
      %mul3A_338 = arith.muli %scan3A_260, %mul3A_337 : i32
      %get3A_339 = arith.index_cast %mul3A_338 : i32 to index
      %get3A_340 = tpu.vector_load %arg10[%get3A_339] {strides = array<i32>} : memref<2048xi32, #tpu.memory_space<vmem>>, vector<16xi32>,
      %mul3A_341 = arith.constant 16 : i32
      %mul3A_342 = arith.muli %scan3A_260, %mul3A_341 : i32
      %get3A_343 = arith.index_cast %mul3A_342 : i32 to index
      %get3A_344 = tpu.vector_load %arg11[%get3A_343] {strides = array<i32>} : memref<2048xi32, #tpu.memory_space<vmem>>, vector<16xi32>,
      %gt3A = arith.constant 0 : i32
      %gt3A_345 = vector.broadcast %gt3A : i32 to vector<16xi32>
      %gt3A_346 = arith.cmpi sgt, %get3A_344, %gt3A_345 : vector<16xi32>
      %gt3A_347 = arith.constant 0 : i32
      %gt3A_348 = vector.broadcast %gt3A_347 : i32 to vector<16xi32>
      %gt3A_349 = arith.cmpi sgt, %get3A_340, %gt3A_348 : vector<16xi32>
      %and3A = arith.andi %gt3A_346, %gt3A_349 : vector<16xi1>
      %jit3A = arith.constant 0 : i32
      %broadcast_in_dim3A_350 = vector.broadcast %jit3A : i32 to vector<16xi32>
      %select_n3A = arith.select %and3A, %get3A_340, %broadcast_in_dim3A_350 : vector<16xi1>, vector<16xi32>
      %convert_element_type3A_351 = arith.extui %and3A : vector<16xi1> to vector<16xi32>
      %convert_element_type3A_352 = arith.sitofp %convert_element_type3A_351 : vector<16xi32> to vector<16xf32>
      %mul3A_353 = arith.mulf %add3A_336, %convert_element_type3A_352 : vector<16xf32>
      tpu.vector_store_idx %arg24[%select_n3A], %mul3A_353 {add = true} : memref<1024xf32, #tpu.memory_space<vmem>>[vector<16xi32>], vector<16xf32>,
      tpu.vector_store_idx %arg25[%select_n3A], %convert_element_type3A_352 {add = true} : memref<1024xf32, #tpu.memory_space<vmem>>[vector<16xi32>], vector<16xf32>,
      %scan3A_354 = arith.constant 0 : i32
      scf.yield %scan3A_354 : i32
    }
    %scan3A_126 = arith.constant 128 : i32
    %add3A_127 = arith.constant 128 : i32
    %add3A_128 = arith.addi %add3A, %add3A_127 : i32
    %mul3A_129 = arith.constant 2048 : i32
    %mul3A_130 = arith.muli %add3A_128, %mul3A_129 : i32
    %dma_start3A_131 = arith.constant 0 : i32
    %dma_start3A_132 = tpu.memref_slice %arg2[%dma_start3A_131, %mul3A_130] : memref<5x500000xf32, #tpu.memory_space<hbm>> -> memref<5x2048xf32, #tpu.memory_space<hbm>>
    %dma_start3A_133 = arith.constant 0 : i32
    %dma_start3A_134 = tpu.memref_slice %arg2[%dma_start3A_133, %mul3A_130] : memref<5x500000xf32, #tpu.memory_space<hbm>> -> memref<5x2048xf32, #tpu.memory_space<hbm>>
    tpu.enqueue_dma source(%dma_start3A_134 : memref<5x2048xf32, #tpu.memory_space<hbm>>) target(%arg8 : memref<5x2048xf32, #tpu.memory_space<vmem>>) target_semaphore(%arg26 : memref<!tpu.dma_semaphore, #tpu.memory_space<semaphore_mem>>)
    %dma_start3A_135 = arith.constant 0 : i32
    %dma_start3A_136 = tpu.memref_slice %arg3[%dma_start3A_135, %mul3A_130] : memref<5x500000xf32, #tpu.memory_space<hbm>> -> memref<5x2048xf32, #tpu.memory_space<hbm>>
    %dma_start3A_137 = arith.constant 0 : i32
    %dma_start3A_138 = tpu.memref_slice %arg3[%dma_start3A_137, %mul3A_130] : memref<5x500000xf32, #tpu.memory_space<hbm>> -> memref<5x2048xf32, #tpu.memory_space<hbm>>
    tpu.enqueue_dma source(%dma_start3A_138 : memref<5x2048xf32, #tpu.memory_space<hbm>>) target(%arg9 : memref<5x2048xf32, #tpu.memory_space<vmem>>) target_semaphore(%arg26 : memref<!tpu.dma_semaphore, #tpu.memory_space<semaphore_mem>>)
    %dma_start3A_139 = tpu.memref_slice %arg4[%mul3A_130] : memref<500000xi32, #tpu.memory_space<hbm>> -> memref<2048xi32, #tpu.memory_space<hbm>>
    %dma_start3A_140 = tpu.memref_slice %arg4[%mul3A_130] : memref<500000xi32, #tpu.memory_space<hbm>> -> memref<2048xi32, #tpu.memory_space<hbm>>
    tpu.enqueue_dma source(%dma_start3A_140 : memref<2048xi32, #tpu.memory_space<hbm>>) target(%arg10 : memref<2048xi32, #tpu.memory_space<vmem>>) target_semaphore(%arg26 : memref<!tpu.dma_semaphore, #tpu.memory_space<semaphore_mem>>)
    %dma_start3A_141 = tpu.memref_slice %arg5[%mul3A_130] : memref<500000xi32, #tpu.memory_space<hbm>> -> memref<2048xi32, #tpu.memory_space<hbm>>
    %dma_start3A_142 = tpu.memref_slice %arg5[%mul3A_130] : memref<500000xi32, #tpu.memory_space<hbm>> -> memref<2048xi32, #tpu.memory_space<hbm>>
    tpu.enqueue_dma source(%dma_start3A_142 : memref<2048xi32, #tpu.memory_space<hbm>>) target(%arg11 : memref<2048xi32, #tpu.memory_space<vmem>>) target_semaphore(%arg26 : memref<!tpu.dma_semaphore, #tpu.memory_space<semaphore_mem>>)
    %dma_wait3A_143 = arith.constant 0 : i32
    %dma_wait3A_144 = tpu.memref_slice %arg2[%dma_wait3A_143, %mul3A_95] : memref<5x500000xf32, #tpu.memory_space<hbm>> -> memref<5x2048xf32, #tpu.memory_space<hbm>>
    %dma_wait3A_145 = arith.constant 0 : i32
    %dma_wait3A_146 = tpu.memref_slice %arg2[%dma_wait3A_145, %mul3A_95] : memref<5x500000xf32, #tpu.memory_space<hbm>> -> memref<5x2048xf32, #tpu.memory_space<hbm>>
    tpu.wait_dma2 semaphore(%arg27 : memref<!tpu.dma_semaphore, #tpu.memory_space<semaphore_mem>>) src(%dma_wait3A_146 : memref<5x2048xf32, #tpu.memory_space<hbm>>) dst(%arg12 : memref<5x2048xf32, #tpu.memory_space<vmem>>)
    %dma_wait3A_147 = arith.constant 0 : i32
    %dma_wait3A_148 = tpu.memref_slice %arg3[%dma_wait3A_147, %mul3A_95] : memref<5x500000xf32, #tpu.memory_space<hbm>> -> memref<5x2048xf32, #tpu.memory_space<hbm>>
    %dma_wait3A_149 = arith.constant 0 : i32
    %dma_wait3A_150 = tpu.memref_slice %arg3[%dma_wait3A_149, %mul3A_95] : memref<5x500000xf32, #tpu.memory_space<hbm>> -> memref<5x2048xf32, #tpu.memory_space<hbm>>
    tpu.wait_dma2 semaphore(%arg27 : memref<!tpu.dma_semaphore, #tpu.memory_space<semaphore_mem>>) src(%dma_wait3A_150 : memref<5x2048xf32, #tpu.memory_space<hbm>>) dst(%arg13 : memref<5x2048xf32, #tpu.memory_space<vmem>>)
    %dma_wait3A_151 = tpu.memref_slice %arg4[%mul3A_95] : memref<500000xi32, #tpu.memory_space<hbm>> -> memref<2048xi32, #tpu.memory_space<hbm>>
    %dma_wait3A_152 = tpu.memref_slice %arg4[%mul3A_95] : memref<500000xi32, #tpu.memory_space<hbm>> -> memref<2048xi32, #tpu.memory_space<hbm>>
    tpu.wait_dma2 semaphore(%arg27 : memref<!tpu.dma_semaphore, #tpu.memory_space<semaphore_mem>>) src(%dma_wait3A_152 : memref<2048xi32, #tpu.memory_space<hbm>>) dst(%arg14 : memref<2048xi32, #tpu.memory_space<vmem>>)
    %dma_wait3A_153 = tpu.memref_slice %arg5[%mul3A_95] : memref<500000xi32, #tpu.memory_space<hbm>> -> memref<2048xi32, #tpu.memory_space<hbm>>
    %dma_wait3A_154 = tpu.memref_slice %arg5[%mul3A_95] : memref<500000xi32, #tpu.memory_space<hbm>> -> memref<2048xi32, #tpu.memory_space<hbm>>
    tpu.wait_dma2 semaphore(%arg27 : memref<!tpu.dma_semaphore, #tpu.memory_space<semaphore_mem>>) src(%dma_wait3A_154 : memref<2048xi32, #tpu.memory_space<hbm>>) dst(%arg15 : memref<2048xi32, #tpu.memory_space<vmem>>)
    %scan3A_155 = arith.constant 0 : i32
    %scan3A_156 = arith.constant 0 : i32
    %scan3A_157 = arith.constant 128 : i32
    %scan3A_158 = arith.addi %scan3A_156, %scan3A_157 : i32
    %scan3A_159 = arith.constant 1 : i32
    %scan3A_160 = scf.for %scan3A_260 = %scan3A_156 to %scan3A_158 step %scan3A_159 iter_args(%scan3A_261 = %scan3A_155) -> (i32)  : i32 {
      %broadcast_in_dim3A_262 = arith.constant 0.000000e+00 : f32
      %broadcast_in_dim3A_263 = vector.broadcast %broadcast_in_dim3A_262 : f32 to vector<16xf32>
      %mul3A_264 = arith.constant 16 : i32
      %mul3A_265 = arith.muli %scan3A_260, %mul3A_264 : i32
      %get3A = arith.constant 0 : i32
      %get3A_266 = arith.index_cast %get3A : i32 to index
      %get3A_267 = arith.index_cast %mul3A_265 : i32 to index
      %get3A_268 = tpu.vector_load %arg12[%get3A_266, %get3A_267] {strides = array<i32>} : memref<5x2048xf32, #tpu.memory_space<vmem>>, vector<16xf32>,
      %mul3A_269 = arith.constant 16 : i32
      %mul3A_270 = arith.muli %scan3A_260, %mul3A_269 : i32
      %get3A_271 = arith.constant 0 : i32
      %get3A_272 = arith.index_cast %get3A_271 : i32 to index
      %get3A_273 = arith.index_cast %mul3A_270 : i32 to index
      %get3A_274 = tpu.vector_load %arg13[%get3A_272, %get3A_273] {strides = array<i32>} : memref<5x2048xf32, #tpu.memory_space<vmem>>, vector<16xf32>,
      %sub3A = arith.subf %get3A_268, %get3A_274 : vector<16xf32>
      %mul3A_275 = arith.mulf %sub3A, %sub3A : vector<16xf32>
      %add3A_276 = arith.addf %broadcast_in_dim3A_263, %mul3A_275 : vector<16xf32>
      %mul3A_277 = arith.constant 16 : i32
      %mul3A_278 = arith.muli %scan3A_260, %mul3A_277 : i32
      %get3A_279 = arith.constant 1 : i32
      %get3A_280 = arith.index_cast %get3A_279 : i32 to index
      %get3A_281 = arith.index_cast %mul3A_278 : i32 to index
      %get3A_282 = tpu.vector_load %arg12[%get3A_280, %get3A_281] {strides = array<i32>} : memref<5x2048xf32, #tpu.memory_space<vmem>>, vector<16xf32>,
      %mul3A_283 = arith.constant 16 : i32
      %mul3A_284 = arith.muli %scan3A_260, %mul3A_283 : i32
      %get3A_285 = arith.constant 1 : i32
      %get3A_286 = arith.index_cast %get3A_285 : i32 to index
      %get3A_287 = arith.index_cast %mul3A_284 : i32 to index
      %get3A_288 = tpu.vector_load %arg13[%get3A_286, %get3A_287] {strides = array<i32>} : memref<5x2048xf32, #tpu.memory_space<vmem>>, vector<16xf32>,
      %sub3A_289 = arith.subf %get3A_282, %get3A_288 : vector<16xf32>
      %mul3A_290 = arith.mulf %sub3A_289, %sub3A_289 : vector<16xf32>
      %add3A_291 = arith.addf %add3A_276, %mul3A_290 : vector<16xf32>
      %mul3A_292 = arith.constant 16 : i32
      %mul3A_293 = arith.muli %scan3A_260, %mul3A_292 : i32
      %get3A_294 = arith.constant 2 : i32
      %get3A_295 = arith.index_cast %get3A_294 : i32 to index
      %get3A_296 = arith.index_cast %mul3A_293 : i32 to index
      %get3A_297 = tpu.vector_load %arg12[%get3A_295, %get3A_296] {strides = array<i32>} : memref<5x2048xf32, #tpu.memory_space<vmem>>, vector<16xf32>,
      %mul3A_298 = arith.constant 16 : i32
      %mul3A_299 = arith.muli %scan3A_260, %mul3A_298 : i32
      %get3A_300 = arith.constant 2 : i32
      %get3A_301 = arith.index_cast %get3A_300 : i32 to index
      %get3A_302 = arith.index_cast %mul3A_299 : i32 to index
      %get3A_303 = tpu.vector_load %arg13[%get3A_301, %get3A_302] {strides = array<i32>} : memref<5x2048xf32, #tpu.memory_space<vmem>>, vector<16xf32>,
      %sub3A_304 = arith.subf %get3A_297, %get3A_303 : vector<16xf32>
      %mul3A_305 = arith.mulf %sub3A_304, %sub3A_304 : vector<16xf32>
      %add3A_306 = arith.addf %add3A_291, %mul3A_305 : vector<16xf32>
      %mul3A_307 = arith.constant 16 : i32
      %mul3A_308 = arith.muli %scan3A_260, %mul3A_307 : i32
      %get3A_309 = arith.constant 3 : i32
      %get3A_310 = arith.index_cast %get3A_309 : i32 to index
      %get3A_311 = arith.index_cast %mul3A_308 : i32 to index
      %get3A_312 = tpu.vector_load %arg12[%get3A_310, %get3A_311] {strides = array<i32>} : memref<5x2048xf32, #tpu.memory_space<vmem>>, vector<16xf32>,
      %mul3A_313 = arith.constant 16 : i32
      %mul3A_314 = arith.muli %scan3A_260, %mul3A_313 : i32
      %get3A_315 = arith.constant 3 : i32
      %get3A_316 = arith.index_cast %get3A_315 : i32 to index
      %get3A_317 = arith.index_cast %mul3A_314 : i32 to index
      %get3A_318 = tpu.vector_load %arg13[%get3A_316, %get3A_317] {strides = array<i32>} : memref<5x2048xf32, #tpu.memory_space<vmem>>, vector<16xf32>,
      %sub3A_319 = arith.subf %get3A_312, %get3A_318 : vector<16xf32>
      %mul3A_320 = arith.mulf %sub3A_319, %sub3A_319 : vector<16xf32>
      %add3A_321 = arith.addf %add3A_306, %mul3A_320 : vector<16xf32>
      %mul3A_322 = arith.constant 16 : i32
      %mul3A_323 = arith.muli %scan3A_260, %mul3A_322 : i32
      %get3A_324 = arith.constant 4 : i32
      %get3A_325 = arith.index_cast %get3A_324 : i32 to index
      %get3A_326 = arith.index_cast %mul3A_323 : i32 to index
      %get3A_327 = tpu.vector_load %arg12[%get3A_325, %get3A_326] {strides = array<i32>} : memref<5x2048xf32, #tpu.memory_space<vmem>>, vector<16xf32>,
      %mul3A_328 = arith.constant 16 : i32
      %mul3A_329 = arith.muli %scan3A_260, %mul3A_328 : i32
      %get3A_330 = arith.constant 4 : i32
      %get3A_331 = arith.index_cast %get3A_330 : i32 to index
      %get3A_332 = arith.index_cast %mul3A_329 : i32 to index
      %get3A_333 = tpu.vector_load %arg13[%get3A_331, %get3A_332] {strides = array<i32>} : memref<5x2048xf32, #tpu.memory_space<vmem>>, vector<16xf32>,
      %sub3A_334 = arith.subf %get3A_327, %get3A_333 : vector<16xf32>
      %mul3A_335 = arith.mulf %sub3A_334, %sub3A_334 : vector<16xf32>
      %add3A_336 = arith.addf %add3A_321, %mul3A_335 : vector<16xf32>
      %mul3A_337 = arith.constant 16 : i32
      %mul3A_338 = arith.muli %scan3A_260, %mul3A_337 : i32
      %get3A_339 = arith.index_cast %mul3A_338 : i32 to index
      %get3A_340 = tpu.vector_load %arg14[%get3A_339] {strides = array<i32>} : memref<2048xi32, #tpu.memory_space<vmem>>, vector<16xi32>,
      %mul3A_341 = arith.constant 16 : i32
      %mul3A_342 = arith.muli %scan3A_260, %mul3A_341 : i32
      %get3A_343 = arith.index_cast %mul3A_342 : i32 to index
      %get3A_344 = tpu.vector_load %arg15[%get3A_343] {strides = array<i32>} : memref<2048xi32, #tpu.memory_space<vmem>>, vector<16xi32>,
      %gt3A = arith.constant 0 : i32
      %gt3A_345 = vector.broadcast %gt3A : i32 to vector<16xi32>
      %gt3A_346 = arith.cmpi sgt, %get3A_344, %gt3A_345 : vector<16xi32>
      %gt3A_347 = arith.constant 0 : i32
      %gt3A_348 = vector.broadcast %gt3A_347 : i32 to vector<16xi32>
      %gt3A_349 = arith.cmpi sgt, %get3A_340, %gt3A_348 : vector<16xi32>
      %and3A = arith.andi %gt3A_346, %gt3A_349 : vector<16xi1>
      %jit3A = arith.constant 0 : i32
      %broadcast_in_dim3A_350 = vector.broadcast %jit3A : i32 to vector<16xi32>
      %select_n3A = arith.select %and3A, %get3A_340, %broadcast_in_dim3A_350 : vector<16xi1>, vector<16xi32>
      %convert_element_type3A_351 = arith.extui %and3A : vector<16xi1> to vector<16xi32>
      %convert_element_type3A_352 = arith.sitofp %convert_element_type3A_351 : vector<16xi32> to vector<16xf32>
      %mul3A_353 = arith.mulf %add3A_336, %convert_element_type3A_352 : vector<16xf32>
      tpu.vector_store_idx %arg24[%select_n3A], %mul3A_353 {add = true} : memref<1024xf32, #tpu.memory_space<vmem>>[vector<16xi32>], vector<16xf32>,
      tpu.vector_store_idx %arg25[%select_n3A], %convert_element_type3A_352 {add = true} : memref<1024xf32, #tpu.memory_space<vmem>>[vector<16xi32>], vector<16xf32>,
      %scan3A_354 = arith.constant 0 : i32
      scf.yield %scan3A_354 : i32
    }
    %scan3A_161 = arith.constant 128 : i32
    %add3A_162 = arith.constant 160 : i32
    %add3A_163 = arith.addi %add3A, %add3A_162 : i32
    %mul3A_164 = arith.constant 2048 : i32
    %mul3A_165 = arith.muli %add3A_163, %mul3A_164 : i32
    %dma_start3A_166 = arith.constant 0 : i32
    %dma_start3A_167 = tpu.memref_slice %arg2[%dma_start3A_166, %mul3A_165] : memref<5x500000xf32, #tpu.memory_space<hbm>> -> memref<5x2048xf32, #tpu.memory_space<hbm>>
    %dma_start3A_168 = arith.constant 0 : i32
    %dma_start3A_169 = tpu.memref_slice %arg2[%dma_start3A_168, %mul3A_165] : memref<5x500000xf32, #tpu.memory_space<hbm>> -> memref<5x2048xf32, #tpu.memory_space<hbm>>
    tpu.enqueue_dma source(%dma_start3A_169 : memref<5x2048xf32, #tpu.memory_space<hbm>>) target(%arg12 : memref<5x2048xf32, #tpu.memory_space<vmem>>) target_semaphore(%arg27 : memref<!tpu.dma_semaphore, #tpu.memory_space<semaphore_mem>>)
    %dma_start3A_170 = arith.constant 0 : i32
    %dma_start3A_171 = tpu.memref_slice %arg3[%dma_start3A_170, %mul3A_165] : memref<5x500000xf32, #tpu.memory_space<hbm>> -> memref<5x2048xf32, #tpu.memory_space<hbm>>
    %dma_start3A_172 = arith.constant 0 : i32
    %dma_start3A_173 = tpu.memref_slice %arg3[%dma_start3A_172, %mul3A_165] : memref<5x500000xf32, #tpu.memory_space<hbm>> -> memref<5x2048xf32, #tpu.memory_space<hbm>>
    tpu.enqueue_dma source(%dma_start3A_173 : memref<5x2048xf32, #tpu.memory_space<hbm>>) target(%arg13 : memref<5x2048xf32, #tpu.memory_space<vmem>>) target_semaphore(%arg27 : memref<!tpu.dma_semaphore, #tpu.memory_space<semaphore_mem>>)
    %dma_start3A_174 = tpu.memref_slice %arg4[%mul3A_165] : memref<500000xi32, #tpu.memory_space<hbm>> -> memref<2048xi32, #tpu.memory_space<hbm>>
    %dma_start3A_175 = tpu.memref_slice %arg4[%mul3A_165] : memref<500000xi32, #tpu.memory_space<hbm>> -> memref<2048xi32, #tpu.memory_space<hbm>>
    tpu.enqueue_dma source(%dma_start3A_175 : memref<2048xi32, #tpu.memory_space<hbm>>) target(%arg14 : memref<2048xi32, #tpu.memory_space<vmem>>) target_semaphore(%arg27 : memref<!tpu.dma_semaphore, #tpu.memory_space<semaphore_mem>>)
    %dma_start3A_176 = tpu.memref_slice %arg5[%mul3A_165] : memref<500000xi32, #tpu.memory_space<hbm>> -> memref<2048xi32, #tpu.memory_space<hbm>>
    %dma_start3A_177 = tpu.memref_slice %arg5[%mul3A_165] : memref<500000xi32, #tpu.memory_space<hbm>> -> memref<2048xi32, #tpu.memory_space<hbm>>
    tpu.enqueue_dma source(%dma_start3A_177 : memref<2048xi32, #tpu.memory_space<hbm>>) target(%arg15 : memref<2048xi32, #tpu.memory_space<vmem>>) target_semaphore(%arg27 : memref<!tpu.dma_semaphore, #tpu.memory_space<semaphore_mem>>)
    %dma_wait3A_178 = arith.constant 0 : i32
    %dma_wait3A_179 = tpu.memref_slice %arg2[%dma_wait3A_178, %mul3A_130] : memref<5x500000xf32, #tpu.memory_space<hbm>> -> memref<5x2048xf32, #tpu.memory_space<hbm>>
    %dma_wait3A_180 = arith.constant 0 : i32
    %dma_wait3A_181 = tpu.memref_slice %arg2[%dma_wait3A_180, %mul3A_130] : memref<5x500000xf32, #tpu.memory_space<hbm>> -> memref<5x2048xf32, #tpu.memory_space<hbm>>
    tpu.wait_dma2 semaphore(%arg26 : memref<!tpu.dma_semaphore, #tpu.memory_space<semaphore_mem>>) src(%dma_wait3A_181 : memref<5x2048xf32, #tpu.memory_space<hbm>>) dst(%arg8 : memref<5x2048xf32, #tpu.memory_space<vmem>>)
    %dma_wait3A_182 = arith.constant 0 : i32
    %dma_wait3A_183 = tpu.memref_slice %arg3[%dma_wait3A_182, %mul3A_130] : memref<5x500000xf32, #tpu.memory_space<hbm>> -> memref<5x2048xf32, #tpu.memory_space<hbm>>
    %dma_wait3A_184 = arith.constant 0 : i32
    %dma_wait3A_185 = tpu.memref_slice %arg3[%dma_wait3A_184, %mul3A_130] : memref<5x500000xf32, #tpu.memory_space<hbm>> -> memref<5x2048xf32, #tpu.memory_space<hbm>>
    tpu.wait_dma2 semaphore(%arg26 : memref<!tpu.dma_semaphore, #tpu.memory_space<semaphore_mem>>) src(%dma_wait3A_185 : memref<5x2048xf32, #tpu.memory_space<hbm>>) dst(%arg9 : memref<5x2048xf32, #tpu.memory_space<vmem>>)
    %dma_wait3A_186 = tpu.memref_slice %arg4[%mul3A_130] : memref<500000xi32, #tpu.memory_space<hbm>> -> memref<2048xi32, #tpu.memory_space<hbm>>
    %dma_wait3A_187 = tpu.memref_slice %arg4[%mul3A_130] : memref<500000xi32, #tpu.memory_space<hbm>> -> memref<2048xi32, #tpu.memory_space<hbm>>
    tpu.wait_dma2 semaphore(%arg26 : memref<!tpu.dma_semaphore, #tpu.memory_space<semaphore_mem>>) src(%dma_wait3A_187 : memref<2048xi32, #tpu.memory_space<hbm>>) dst(%arg10 : memref<2048xi32, #tpu.memory_space<vmem>>)
    %dma_wait3A_188 = tpu.memref_slice %arg5[%mul3A_130] : memref<500000xi32, #tpu.memory_space<hbm>> -> memref<2048xi32, #tpu.memory_space<hbm>>
    %dma_wait3A_189 = tpu.memref_slice %arg5[%mul3A_130] : memref<500000xi32, #tpu.memory_space<hbm>> -> memref<2048xi32, #tpu.memory_space<hbm>>
    tpu.wait_dma2 semaphore(%arg26 : memref<!tpu.dma_semaphore, #tpu.memory_space<semaphore_mem>>) src(%dma_wait3A_189 : memref<2048xi32, #tpu.memory_space<hbm>>) dst(%arg11 : memref<2048xi32, #tpu.memory_space<vmem>>)
    %scan3A_190 = arith.constant 0 : i32
    %scan3A_191 = arith.constant 0 : i32
    %scan3A_192 = arith.constant 128 : i32
    %scan3A_193 = arith.addi %scan3A_191, %scan3A_192 : i32
    %scan3A_194 = arith.constant 1 : i32
    %scan3A_195 = scf.for %scan3A_260 = %scan3A_191 to %scan3A_193 step %scan3A_194 iter_args(%scan3A_261 = %scan3A_190) -> (i32)  : i32 {
      %broadcast_in_dim3A_262 = arith.constant 0.000000e+00 : f32
      %broadcast_in_dim3A_263 = vector.broadcast %broadcast_in_dim3A_262 : f32 to vector<16xf32>
      %mul3A_264 = arith.constant 16 : i32
      %mul3A_265 = arith.muli %scan3A_260, %mul3A_264 : i32
      %get3A = arith.constant 0 : i32
      %get3A_266 = arith.index_cast %get3A : i32 to index
      %get3A_267 = arith.index_cast %mul3A_265 : i32 to index
      %get3A_268 = tpu.vector_load %arg8[%get3A_266, %get3A_267] {strides = array<i32>} : memref<5x2048xf32, #tpu.memory_space<vmem>>, vector<16xf32>,
      %mul3A_269 = arith.constant 16 : i32
      %mul3A_270 = arith.muli %scan3A_260, %mul3A_269 : i32
      %get3A_271 = arith.constant 0 : i32
      %get3A_272 = arith.index_cast %get3A_271 : i32 to index
      %get3A_273 = arith.index_cast %mul3A_270 : i32 to index
      %get3A_274 = tpu.vector_load %arg9[%get3A_272, %get3A_273] {strides = array<i32>} : memref<5x2048xf32, #tpu.memory_space<vmem>>, vector<16xf32>,
      %sub3A = arith.subf %get3A_268, %get3A_274 : vector<16xf32>
      %mul3A_275 = arith.mulf %sub3A, %sub3A : vector<16xf32>
      %add3A_276 = arith.addf %broadcast_in_dim3A_263, %mul3A_275 : vector<16xf32>
      %mul3A_277 = arith.constant 16 : i32
      %mul3A_278 = arith.muli %scan3A_260, %mul3A_277 : i32
      %get3A_279 = arith.constant 1 : i32
      %get3A_280 = arith.index_cast %get3A_279 : i32 to index
      %get3A_281 = arith.index_cast %mul3A_278 : i32 to index
      %get3A_282 = tpu.vector_load %arg8[%get3A_280, %get3A_281] {strides = array<i32>} : memref<5x2048xf32, #tpu.memory_space<vmem>>, vector<16xf32>,
      %mul3A_283 = arith.constant 16 : i32
      %mul3A_284 = arith.muli %scan3A_260, %mul3A_283 : i32
      %get3A_285 = arith.constant 1 : i32
      %get3A_286 = arith.index_cast %get3A_285 : i32 to index
      %get3A_287 = arith.index_cast %mul3A_284 : i32 to index
      %get3A_288 = tpu.vector_load %arg9[%get3A_286, %get3A_287] {strides = array<i32>} : memref<5x2048xf32, #tpu.memory_space<vmem>>, vector<16xf32>,
      %sub3A_289 = arith.subf %get3A_282, %get3A_288 : vector<16xf32>
      %mul3A_290 = arith.mulf %sub3A_289, %sub3A_289 : vector<16xf32>
      %add3A_291 = arith.addf %add3A_276, %mul3A_290 : vector<16xf32>
      %mul3A_292 = arith.constant 16 : i32
      %mul3A_293 = arith.muli %scan3A_260, %mul3A_292 : i32
      %get3A_294 = arith.constant 2 : i32
      %get3A_295 = arith.index_cast %get3A_294 : i32 to index
      %get3A_296 = arith.index_cast %mul3A_293 : i32 to index
      %get3A_297 = tpu.vector_load %arg8[%get3A_295, %get3A_296] {strides = array<i32>} : memref<5x2048xf32, #tpu.memory_space<vmem>>, vector<16xf32>,
      %mul3A_298 = arith.constant 16 : i32
      %mul3A_299 = arith.muli %scan3A_260, %mul3A_298 : i32
      %get3A_300 = arith.constant 2 : i32
      %get3A_301 = arith.index_cast %get3A_300 : i32 to index
      %get3A_302 = arith.index_cast %mul3A_299 : i32 to index
      %get3A_303 = tpu.vector_load %arg9[%get3A_301, %get3A_302] {strides = array<i32>} : memref<5x2048xf32, #tpu.memory_space<vmem>>, vector<16xf32>,
      %sub3A_304 = arith.subf %get3A_297, %get3A_303 : vector<16xf32>
      %mul3A_305 = arith.mulf %sub3A_304, %sub3A_304 : vector<16xf32>
      %add3A_306 = arith.addf %add3A_291, %mul3A_305 : vector<16xf32>
      %mul3A_307 = arith.constant 16 : i32
      %mul3A_308 = arith.muli %scan3A_260, %mul3A_307 : i32
      %get3A_309 = arith.constant 3 : i32
      %get3A_310 = arith.index_cast %get3A_309 : i32 to index
      %get3A_311 = arith.index_cast %mul3A_308 : i32 to index
      %get3A_312 = tpu.vector_load %arg8[%get3A_310, %get3A_311] {strides = array<i32>} : memref<5x2048xf32, #tpu.memory_space<vmem>>, vector<16xf32>,
      %mul3A_313 = arith.constant 16 : i32
      %mul3A_314 = arith.muli %scan3A_260, %mul3A_313 : i32
      %get3A_315 = arith.constant 3 : i32
      %get3A_316 = arith.index_cast %get3A_315 : i32 to index
      %get3A_317 = arith.index_cast %mul3A_314 : i32 to index
      %get3A_318 = tpu.vector_load %arg9[%get3A_316, %get3A_317] {strides = array<i32>} : memref<5x2048xf32, #tpu.memory_space<vmem>>, vector<16xf32>,
      %sub3A_319 = arith.subf %get3A_312, %get3A_318 : vector<16xf32>
      %mul3A_320 = arith.mulf %sub3A_319, %sub3A_319 : vector<16xf32>
      %add3A_321 = arith.addf %add3A_306, %mul3A_320 : vector<16xf32>
      %mul3A_322 = arith.constant 16 : i32
      %mul3A_323 = arith.muli %scan3A_260, %mul3A_322 : i32
      %get3A_324 = arith.constant 4 : i32
      %get3A_325 = arith.index_cast %get3A_324 : i32 to index
      %get3A_326 = arith.index_cast %mul3A_323 : i32 to index
      %get3A_327 = tpu.vector_load %arg8[%get3A_325, %get3A_326] {strides = array<i32>} : memref<5x2048xf32, #tpu.memory_space<vmem>>, vector<16xf32>,
      %mul3A_328 = arith.constant 16 : i32
      %mul3A_329 = arith.muli %scan3A_260, %mul3A_328 : i32
      %get3A_330 = arith.constant 4 : i32
      %get3A_331 = arith.index_cast %get3A_330 : i32 to index
      %get3A_332 = arith.index_cast %mul3A_329 : i32 to index
      %get3A_333 = tpu.vector_load %arg9[%get3A_331, %get3A_332] {strides = array<i32>} : memref<5x2048xf32, #tpu.memory_space<vmem>>, vector<16xf32>,
      %sub3A_334 = arith.subf %get3A_327, %get3A_333 : vector<16xf32>
      %mul3A_335 = arith.mulf %sub3A_334, %sub3A_334 : vector<16xf32>
      %add3A_336 = arith.addf %add3A_321, %mul3A_335 : vector<16xf32>
      %mul3A_337 = arith.constant 16 : i32
      %mul3A_338 = arith.muli %scan3A_260, %mul3A_337 : i32
      %get3A_339 = arith.index_cast %mul3A_338 : i32 to index
      %get3A_340 = tpu.vector_load %arg10[%get3A_339] {strides = array<i32>} : memref<2048xi32, #tpu.memory_space<vmem>>, vector<16xi32>,
      %mul3A_341 = arith.constant 16 : i32
      %mul3A_342 = arith.muli %scan3A_260, %mul3A_341 : i32
      %get3A_343 = arith.index_cast %mul3A_342 : i32 to index
      %get3A_344 = tpu.vector_load %arg11[%get3A_343] {strides = array<i32>} : memref<2048xi32, #tpu.memory_space<vmem>>, vector<16xi32>,
      %gt3A = arith.constant 0 : i32
      %gt3A_345 = vector.broadcast %gt3A : i32 to vector<16xi32>
      %gt3A_346 = arith.cmpi sgt, %get3A_344, %gt3A_345 : vector<16xi32>
      %gt3A_347 = arith.constant 0 : i32
      %gt3A_348 = vector.broadcast %gt3A_347 : i32 to vector<16xi32>
      %gt3A_349 = arith.cmpi sgt, %get3A_340, %gt3A_348 : vector<16xi32>
      %and3A = arith.andi %gt3A_346, %gt3A_349 : vector<16xi1>
      %jit3A = arith.constant 0 : i32
      %broadcast_in_dim3A_350 = vector.broadcast %jit3A : i32 to vector<16xi32>
      %select_n3A = arith.select %and3A, %get3A_340, %broadcast_in_dim3A_350 : vector<16xi1>, vector<16xi32>
      %convert_element_type3A_351 = arith.extui %and3A : vector<16xi1> to vector<16xi32>
      %convert_element_type3A_352 = arith.sitofp %convert_element_type3A_351 : vector<16xi32> to vector<16xf32>
      %mul3A_353 = arith.mulf %add3A_336, %convert_element_type3A_352 : vector<16xf32>
      tpu.vector_store_idx %arg24[%select_n3A], %mul3A_353 {add = true} : memref<1024xf32, #tpu.memory_space<vmem>>[vector<16xi32>], vector<16xf32>,
      tpu.vector_store_idx %arg25[%select_n3A], %convert_element_type3A_352 {add = true} : memref<1024xf32, #tpu.memory_space<vmem>>[vector<16xi32>], vector<16xf32>,
      %scan3A_354 = arith.constant 0 : i32
      scf.yield %scan3A_354 : i32
    }
    %scan3A_196 = arith.constant 128 : i32
    %add3A_197 = arith.constant 192 : i32
    %add3A_198 = arith.addi %add3A, %add3A_197 : i32
    %mul3A_199 = arith.constant 2048 : i32
    %mul3A_200 = arith.muli %add3A_198, %mul3A_199 : i32
    %dma_start3A_201 = arith.constant 0 : i32
    %dma_start3A_202 = tpu.memref_slice %arg2[%dma_start3A_201, %mul3A_200] : memref<5x500000xf32, #tpu.memory_space<hbm>> -> memref<5x2048xf32, #tpu.memory_space<hbm>>
    %dma_start3A_203 = arith.constant 0 : i32
    %dma_start3A_204 = tpu.memref_slice %arg2[%dma_start3A_203, %mul3A_200] : memref<5x500000xf32, #tpu.memory_space<hbm>> -> memref<5x2048xf32, #tpu.memory_space<hbm>>
    tpu.enqueue_dma source(%dma_start3A_204 : memref<5x2048xf32, #tpu.memory_space<hbm>>) target(%arg8 : memref<5x2048xf32, #tpu.memory_space<vmem>>) target_semaphore(%arg26 : memref<!tpu.dma_semaphore, #tpu.memory_space<semaphore_mem>>)
    %dma_start3A_205 = arith.constant 0 : i32
    %dma_start3A_206 = tpu.memref_slice %arg3[%dma_start3A_205, %mul3A_200] : memref<5x500000xf32, #tpu.memory_space<hbm>> -> memref<5x2048xf32, #tpu.memory_space<hbm>>
    %dma_start3A_207 = arith.constant 0 : i32
    %dma_start3A_208 = tpu.memref_slice %arg3[%dma_start3A_207, %mul3A_200] : memref<5x500000xf32, #tpu.memory_space<hbm>> -> memref<5x2048xf32, #tpu.memory_space<hbm>>
    tpu.enqueue_dma source(%dma_start3A_208 : memref<5x2048xf32, #tpu.memory_space<hbm>>) target(%arg9 : memref<5x2048xf32, #tpu.memory_space<vmem>>) target_semaphore(%arg26 : memref<!tpu.dma_semaphore, #tpu.memory_space<semaphore_mem>>)
    %dma_start3A_209 = tpu.memref_slice %arg4[%mul3A_200] : memref<500000xi32, #tpu.memory_space<hbm>> -> memref<2048xi32, #tpu.memory_space<hbm>>
    %dma_start3A_210 = tpu.memref_slice %arg4[%mul3A_200] : memref<500000xi32, #tpu.memory_space<hbm>> -> memref<2048xi32, #tpu.memory_space<hbm>>
    tpu.enqueue_dma source(%dma_start3A_210 : memref<2048xi32, #tpu.memory_space<hbm>>) target(%arg10 : memref<2048xi32, #tpu.memory_space<vmem>>) target_semaphore(%arg26 : memref<!tpu.dma_semaphore, #tpu.memory_space<semaphore_mem>>)
    %dma_start3A_211 = tpu.memref_slice %arg5[%mul3A_200] : memref<500000xi32, #tpu.memory_space<hbm>> -> memref<2048xi32, #tpu.memory_space<hbm>>
    %dma_start3A_212 = tpu.memref_slice %arg5[%mul3A_200] : memref<500000xi32, #tpu.memory_space<hbm>> -> memref<2048xi32, #tpu.memory_space<hbm>>
    tpu.enqueue_dma source(%dma_start3A_212 : memref<2048xi32, #tpu.memory_space<hbm>>) target(%arg11 : memref<2048xi32, #tpu.memory_space<vmem>>) target_semaphore(%arg26 : memref<!tpu.dma_semaphore, #tpu.memory_space<semaphore_mem>>)
    %dma_wait3A_213 = arith.constant 0 : i32
    %dma_wait3A_214 = tpu.memref_slice %arg2[%dma_wait3A_213, %mul3A_165] : memref<5x500000xf32, #tpu.memory_space<hbm>> -> memref<5x2048xf32, #tpu.memory_space<hbm>>
    %dma_wait3A_215 = arith.constant 0 : i32
    %dma_wait3A_216 = tpu.memref_slice %arg2[%dma_wait3A_215, %mul3A_165] : memref<5x500000xf32, #tpu.memory_space<hbm>> -> memref<5x2048xf32, #tpu.memory_space<hbm>>
    tpu.wait_dma2 semaphore(%arg27 : memref<!tpu.dma_semaphore, #tpu.memory_space<semaphore_mem>>) src(%dma_wait3A_216 : memref<5x2048xf32, #tpu.memory_space<hbm>>) dst(%arg12 : memref<5x2048xf32, #tpu.memory_space<vmem>>)
    %dma_wait3A_217 = arith.constant 0 : i32
    %dma_wait3A_218 = tpu.memref_slice %arg3[%dma_wait3A_217, %mul3A_165] : memref<5x500000xf32, #tpu.memory_space<hbm>> -> memref<5x2048xf32, #tpu.memory_space<hbm>>
    %dma_wait3A_219 = arith.constant 0 : i32
    %dma_wait3A_220 = tpu.memref_slice %arg3[%dma_wait3A_219, %mul3A_165] : memref<5x500000xf32, #tpu.memory_space<hbm>> -> memref<5x2048xf32, #tpu.memory_space<hbm>>
    tpu.wait_dma2 semaphore(%arg27 : memref<!tpu.dma_semaphore, #tpu.memory_space<semaphore_mem>>) src(%dma_wait3A_220 : memref<5x2048xf32, #tpu.memory_space<hbm>>) dst(%arg13 : memref<5x2048xf32, #tpu.memory_space<vmem>>)
    %dma_wait3A_221 = tpu.memref_slice %arg4[%mul3A_165] : memref<500000xi32, #tpu.memory_space<hbm>> -> memref<2048xi32, #tpu.memory_space<hbm>>
    %dma_wait3A_222 = tpu.memref_slice %arg4[%mul3A_165] : memref<500000xi32, #tpu.memory_space<hbm>> -> memref<2048xi32, #tpu.memory_space<hbm>>
    tpu.wait_dma2 semaphore(%arg27 : memref<!tpu.dma_semaphore, #tpu.memory_space<semaphore_mem>>) src(%dma_wait3A_222 : memref<2048xi32, #tpu.memory_space<hbm>>) dst(%arg14 : memref<2048xi32, #tpu.memory_space<vmem>>)
    %dma_wait3A_223 = tpu.memref_slice %arg5[%mul3A_165] : memref<500000xi32, #tpu.memory_space<hbm>> -> memref<2048xi32, #tpu.memory_space<hbm>>
    %dma_wait3A_224 = tpu.memref_slice %arg5[%mul3A_165] : memref<500000xi32, #tpu.memory_space<hbm>> -> memref<2048xi32, #tpu.memory_space<hbm>>
    tpu.wait_dma2 semaphore(%arg27 : memref<!tpu.dma_semaphore, #tpu.memory_space<semaphore_mem>>) src(%dma_wait3A_224 : memref<2048xi32, #tpu.memory_space<hbm>>) dst(%arg15 : memref<2048xi32, #tpu.memory_space<vmem>>)
    %scan3A_225 = arith.constant 0 : i32
    %scan3A_226 = arith.constant 0 : i32
    %scan3A_227 = arith.constant 128 : i32
    %scan3A_228 = arith.addi %scan3A_226, %scan3A_227 : i32
    %scan3A_229 = arith.constant 1 : i32
    %scan3A_230 = scf.for %scan3A_260 = %scan3A_226 to %scan3A_228 step %scan3A_229 iter_args(%scan3A_261 = %scan3A_225) -> (i32)  : i32 {
      %broadcast_in_dim3A_262 = arith.constant 0.000000e+00 : f32
      %broadcast_in_dim3A_263 = vector.broadcast %broadcast_in_dim3A_262 : f32 to vector<16xf32>
      %mul3A_264 = arith.constant 16 : i32
      %mul3A_265 = arith.muli %scan3A_260, %mul3A_264 : i32
      %get3A = arith.constant 0 : i32
      %get3A_266 = arith.index_cast %get3A : i32 to index
      %get3A_267 = arith.index_cast %mul3A_265 : i32 to index
      %get3A_268 = tpu.vector_load %arg12[%get3A_266, %get3A_267] {strides = array<i32>} : memref<5x2048xf32, #tpu.memory_space<vmem>>, vector<16xf32>,
      %mul3A_269 = arith.constant 16 : i32
      %mul3A_270 = arith.muli %scan3A_260, %mul3A_269 : i32
      %get3A_271 = arith.constant 0 : i32
      %get3A_272 = arith.index_cast %get3A_271 : i32 to index
      %get3A_273 = arith.index_cast %mul3A_270 : i32 to index
      %get3A_274 = tpu.vector_load %arg13[%get3A_272, %get3A_273] {strides = array<i32>} : memref<5x2048xf32, #tpu.memory_space<vmem>>, vector<16xf32>,
      %sub3A = arith.subf %get3A_268, %get3A_274 : vector<16xf32>
      %mul3A_275 = arith.mulf %sub3A, %sub3A : vector<16xf32>
      %add3A_276 = arith.addf %broadcast_in_dim3A_263, %mul3A_275 : vector<16xf32>
      %mul3A_277 = arith.constant 16 : i32
      %mul3A_278 = arith.muli %scan3A_260, %mul3A_277 : i32
      %get3A_279 = arith.constant 1 : i32
      %get3A_280 = arith.index_cast %get3A_279 : i32 to index
      %get3A_281 = arith.index_cast %mul3A_278 : i32 to index
      %get3A_282 = tpu.vector_load %arg12[%get3A_280, %get3A_281] {strides = array<i32>} : memref<5x2048xf32, #tpu.memory_space<vmem>>, vector<16xf32>,
      %mul3A_283 = arith.constant 16 : i32
      %mul3A_284 = arith.muli %scan3A_260, %mul3A_283 : i32
      %get3A_285 = arith.constant 1 : i32
      %get3A_286 = arith.index_cast %get3A_285 : i32 to index
      %get3A_287 = arith.index_cast %mul3A_284 : i32 to index
      %get3A_288 = tpu.vector_load %arg13[%get3A_286, %get3A_287] {strides = array<i32>} : memref<5x2048xf32, #tpu.memory_space<vmem>>, vector<16xf32>,
      %sub3A_289 = arith.subf %get3A_282, %get3A_288 : vector<16xf32>
      %mul3A_290 = arith.mulf %sub3A_289, %sub3A_289 : vector<16xf32>
      %add3A_291 = arith.addf %add3A_276, %mul3A_290 : vector<16xf32>
      %mul3A_292 = arith.constant 16 : i32
      %mul3A_293 = arith.muli %scan3A_260, %mul3A_292 : i32
      %get3A_294 = arith.constant 2 : i32
      %get3A_295 = arith.index_cast %get3A_294 : i32 to index
      %get3A_296 = arith.index_cast %mul3A_293 : i32 to index
      %get3A_297 = tpu.vector_load %arg12[%get3A_295, %get3A_296] {strides = array<i32>} : memref<5x2048xf32, #tpu.memory_space<vmem>>, vector<16xf32>,
      %mul3A_298 = arith.constant 16 : i32
      %mul3A_299 = arith.muli %scan3A_260, %mul3A_298 : i32
      %get3A_300 = arith.constant 2 : i32
      %get3A_301 = arith.index_cast %get3A_300 : i32 to index
      %get3A_302 = arith.index_cast %mul3A_299 : i32 to index
      %get3A_303 = tpu.vector_load %arg13[%get3A_301, %get3A_302] {strides = array<i32>} : memref<5x2048xf32, #tpu.memory_space<vmem>>, vector<16xf32>,
      %sub3A_304 = arith.subf %get3A_297, %get3A_303 : vector<16xf32>
      %mul3A_305 = arith.mulf %sub3A_304, %sub3A_304 : vector<16xf32>
      %add3A_306 = arith.addf %add3A_291, %mul3A_305 : vector<16xf32>
      %mul3A_307 = arith.constant 16 : i32
      %mul3A_308 = arith.muli %scan3A_260, %mul3A_307 : i32
      %get3A_309 = arith.constant 3 : i32
      %get3A_310 = arith.index_cast %get3A_309 : i32 to index
      %get3A_311 = arith.index_cast %mul3A_308 : i32 to index
      %get3A_312 = tpu.vector_load %arg12[%get3A_310, %get3A_311] {strides = array<i32>} : memref<5x2048xf32, #tpu.memory_space<vmem>>, vector<16xf32>,
      %mul3A_313 = arith.constant 16 : i32
      %mul3A_314 = arith.muli %scan3A_260, %mul3A_313 : i32
      %get3A_315 = arith.constant 3 : i32
      %get3A_316 = arith.index_cast %get3A_315 : i32 to index
      %get3A_317 = arith.index_cast %mul3A_314 : i32 to index
      %get3A_318 = tpu.vector_load %arg13[%get3A_316, %get3A_317] {strides = array<i32>} : memref<5x2048xf32, #tpu.memory_space<vmem>>, vector<16xf32>,
      %sub3A_319 = arith.subf %get3A_312, %get3A_318 : vector<16xf32>
      %mul3A_320 = arith.mulf %sub3A_319, %sub3A_319 : vector<16xf32>
      %add3A_321 = arith.addf %add3A_306, %mul3A_320 : vector<16xf32>
      %mul3A_322 = arith.constant 16 : i32
      %mul3A_323 = arith.muli %scan3A_260, %mul3A_322 : i32
      %get3A_324 = arith.constant 4 : i32
      %get3A_325 = arith.index_cast %get3A_324 : i32 to index
      %get3A_326 = arith.index_cast %mul3A_323 : i32 to index
      %get3A_327 = tpu.vector_load %arg12[%get3A_325, %get3A_326] {strides = array<i32>} : memref<5x2048xf32, #tpu.memory_space<vmem>>, vector<16xf32>,
      %mul3A_328 = arith.constant 16 : i32
      %mul3A_329 = arith.muli %scan3A_260, %mul3A_328 : i32
      %get3A_330 = arith.constant 4 : i32
      %get3A_331 = arith.index_cast %get3A_330 : i32 to index
      %get3A_332 = arith.index_cast %mul3A_329 : i32 to index
      %get3A_333 = tpu.vector_load %arg13[%get3A_331, %get3A_332] {strides = array<i32>} : memref<5x2048xf32, #tpu.memory_space<vmem>>, vector<16xf32>,
      %sub3A_334 = arith.subf %get3A_327, %get3A_333 : vector<16xf32>
      %mul3A_335 = arith.mulf %sub3A_334, %sub3A_334 : vector<16xf32>
      %add3A_336 = arith.addf %add3A_321, %mul3A_335 : vector<16xf32>
      %mul3A_337 = arith.constant 16 : i32
      %mul3A_338 = arith.muli %scan3A_260, %mul3A_337 : i32
      %get3A_339 = arith.index_cast %mul3A_338 : i32 to index
      %get3A_340 = tpu.vector_load %arg14[%get3A_339] {strides = array<i32>} : memref<2048xi32, #tpu.memory_space<vmem>>, vector<16xi32>,
      %mul3A_341 = arith.constant 16 : i32
      %mul3A_342 = arith.muli %scan3A_260, %mul3A_341 : i32
      %get3A_343 = arith.index_cast %mul3A_342 : i32 to index
      %get3A_344 = tpu.vector_load %arg15[%get3A_343] {strides = array<i32>} : memref<2048xi32, #tpu.memory_space<vmem>>, vector<16xi32>,
      %gt3A = arith.constant 0 : i32
      %gt3A_345 = vector.broadcast %gt3A : i32 to vector<16xi32>
      %gt3A_346 = arith.cmpi sgt, %get3A_344, %gt3A_345 : vector<16xi32>
      %gt3A_347 = arith.constant 0 : i32
      %gt3A_348 = vector.broadcast %gt3A_347 : i32 to vector<16xi32>
      %gt3A_349 = arith.cmpi sgt, %get3A_340, %gt3A_348 : vector<16xi32>
      %and3A = arith.andi %gt3A_346, %gt3A_349 : vector<16xi1>
      %jit3A = arith.constant 0 : i32
      %broadcast_in_dim3A_350 = vector.broadcast %jit3A : i32 to vector<16xi32>
      %select_n3A = arith.select %and3A, %get3A_340, %broadcast_in_dim3A_350 : vector<16xi1>, vector<16xi32>
      %convert_element_type3A_351 = arith.extui %and3A : vector<16xi1> to vector<16xi32>
      %convert_element_type3A_352 = arith.sitofp %convert_element_type3A_351 : vector<16xi32> to vector<16xf32>
      %mul3A_353 = arith.mulf %add3A_336, %convert_element_type3A_352 : vector<16xf32>
      tpu.vector_store_idx %arg24[%select_n3A], %mul3A_353 {add = true} : memref<1024xf32, #tpu.memory_space<vmem>>[vector<16xi32>], vector<16xf32>,
      tpu.vector_store_idx %arg25[%select_n3A], %convert_element_type3A_352 {add = true} : memref<1024xf32, #tpu.memory_space<vmem>>[vector<16xi32>], vector<16xf32>,
      %scan3A_354 = arith.constant 0 : i32
      scf.yield %scan3A_354 : i32
    }
    %scan3A_231 = arith.constant 128 : i32
    %dma_wait3A_232 = arith.constant 0 : i32
    %dma_wait3A_233 = tpu.memref_slice %arg2[%dma_wait3A_232, %mul3A_200] : memref<5x500000xf32, #tpu.memory_space<hbm>> -> memref<5x2048xf32, #tpu.memory_space<hbm>>
    %dma_wait3A_234 = arith.constant 0 : i32
    %dma_wait3A_235 = tpu.memref_slice %arg2[%dma_wait3A_234, %mul3A_200] : memref<5x500000xf32, #tpu.memory_space<hbm>> -> memref<5x2048xf32, #tpu.memory_space<hbm>>
    tpu.wait_dma2 semaphore(%arg26 : memref<!tpu.dma_semaphore, #tpu.memory_space<semaphore_mem>>) src(%dma_wait3A_235 : memref<5x2048xf32, #tpu.memory_space<hbm>>) dst(%arg8 : memref<5x2048xf32, #tpu.memory_space<vmem>>)
    %dma_wait3A_236 = arith.constant 0 : i32
    %dma_wait3A_237 = tpu.memref_slice %arg3[%dma_wait3A_236, %mul3A_200] : memref<5x500000xf32, #tpu.memory_space<hbm>> -> memref<5x2048xf32, #tpu.memory_space<hbm>>
    %dma_wait3A_238 = arith.constant 0 : i32
    %dma_wait3A_239 = tpu.memref_slice %arg3[%dma_wait3A_238, %mul3A_200] : memref<5x500000xf32, #tpu.memory_space<hbm>> -> memref<5x2048xf32, #tpu.memory_space<hbm>>
    tpu.wait_dma2 semaphore(%arg26 : memref<!tpu.dma_semaphore, #tpu.memory_space<semaphore_mem>>) src(%dma_wait3A_239 : memref<5x2048xf32, #tpu.memory_space<hbm>>) dst(%arg9 : memref<5x2048xf32, #tpu.memory_space<vmem>>)
    %dma_wait3A_240 = tpu.memref_slice %arg4[%mul3A_200] : memref<500000xi32, #tpu.memory_space<hbm>> -> memref<2048xi32, #tpu.memory_space<hbm>>
    %dma_wait3A_241 = tpu.memref_slice %arg4[%mul3A_200] : memref<500000xi32, #tpu.memory_space<hbm>> -> memref<2048xi32, #tpu.memory_space<hbm>>
    tpu.wait_dma2 semaphore(%arg26 : memref<!tpu.dma_semaphore, #tpu.memory_space<semaphore_mem>>) src(%dma_wait3A_241 : memref<2048xi32, #tpu.memory_space<hbm>>) dst(%arg10 : memref<2048xi32, #tpu.memory_space<vmem>>)
    %dma_wait3A_242 = tpu.memref_slice %arg5[%mul3A_200] : memref<500000xi32, #tpu.memory_space<hbm>> -> memref<2048xi32, #tpu.memory_space<hbm>>
    %dma_wait3A_243 = tpu.memref_slice %arg5[%mul3A_200] : memref<500000xi32, #tpu.memory_space<hbm>> -> memref<2048xi32, #tpu.memory_space<hbm>>
    tpu.wait_dma2 semaphore(%arg26 : memref<!tpu.dma_semaphore, #tpu.memory_space<semaphore_mem>>) src(%dma_wait3A_243 : memref<2048xi32, #tpu.memory_space<hbm>>) dst(%arg11 : memref<2048xi32, #tpu.memory_space<vmem>>)
    %scan3A_244 = arith.constant 0 : i32
    %scan3A_245 = arith.constant 0 : i32
    %scan3A_246 = arith.constant 128 : i32
    %scan3A_247 = arith.addi %scan3A_245, %scan3A_246 : i32
    %scan3A_248 = arith.constant 1 : i32
    %scan3A_249 = scf.for %scan3A_260 = %scan3A_245 to %scan3A_247 step %scan3A_248 iter_args(%scan3A_261 = %scan3A_244) -> (i32)  : i32 {
      %broadcast_in_dim3A_262 = arith.constant 0.000000e+00 : f32
      %broadcast_in_dim3A_263 = vector.broadcast %broadcast_in_dim3A_262 : f32 to vector<16xf32>
      %mul3A_264 = arith.constant 16 : i32
      %mul3A_265 = arith.muli %scan3A_260, %mul3A_264 : i32
      %get3A = arith.constant 0 : i32
      %get3A_266 = arith.index_cast %get3A : i32 to index
      %get3A_267 = arith.index_cast %mul3A_265 : i32 to index
      %get3A_268 = tpu.vector_load %arg8[%get3A_266, %get3A_267] {strides = array<i32>} : memref<5x2048xf32, #tpu.memory_space<vmem>>, vector<16xf32>,
      %mul3A_269 = arith.constant 16 : i32
      %mul3A_270 = arith.muli %scan3A_260, %mul3A_269 : i32
      %get3A_271 = arith.constant 0 : i32
      %get3A_272 = arith.index_cast %get3A_271 : i32 to index
      %get3A_273 = arith.index_cast %mul3A_270 : i32 to index
      %get3A_274 = tpu.vector_load %arg9[%get3A_272, %get3A_273] {strides = array<i32>} : memref<5x2048xf32, #tpu.memory_space<vmem>>, vector<16xf32>,
      %sub3A = arith.subf %get3A_268, %get3A_274 : vector<16xf32>
      %mul3A_275 = arith.mulf %sub3A, %sub3A : vector<16xf32>
      %add3A_276 = arith.addf %broadcast_in_dim3A_263, %mul3A_275 : vector<16xf32>
      %mul3A_277 = arith.constant 16 : i32
      %mul3A_278 = arith.muli %scan3A_260, %mul3A_277 : i32
      %get3A_279 = arith.constant 1 : i32
      %get3A_280 = arith.index_cast %get3A_279 : i32 to index
      %get3A_281 = arith.index_cast %mul3A_278 : i32 to index
      %get3A_282 = tpu.vector_load %arg8[%get3A_280, %get3A_281] {strides = array<i32>} : memref<5x2048xf32, #tpu.memory_space<vmem>>, vector<16xf32>,
      %mul3A_283 = arith.constant 16 : i32
      %mul3A_284 = arith.muli %scan3A_260, %mul3A_283 : i32
      %get3A_285 = arith.constant 1 : i32
      %get3A_286 = arith.index_cast %get3A_285 : i32 to index
      %get3A_287 = arith.index_cast %mul3A_284 : i32 to index
      %get3A_288 = tpu.vector_load %arg9[%get3A_286, %get3A_287] {strides = array<i32>} : memref<5x2048xf32, #tpu.memory_space<vmem>>, vector<16xf32>,
      %sub3A_289 = arith.subf %get3A_282, %get3A_288 : vector<16xf32>
      %mul3A_290 = arith.mulf %sub3A_289, %sub3A_289 : vector<16xf32>
      %add3A_291 = arith.addf %add3A_276, %mul3A_290 : vector<16xf32>
      %mul3A_292 = arith.constant 16 : i32
      %mul3A_293 = arith.muli %scan3A_260, %mul3A_292 : i32
      %get3A_294 = arith.constant 2 : i32
      %get3A_295 = arith.index_cast %get3A_294 : i32 to index
      %get3A_296 = arith.index_cast %mul3A_293 : i32 to index
      %get3A_297 = tpu.vector_load %arg8[%get3A_295, %get3A_296] {strides = array<i32>} : memref<5x2048xf32, #tpu.memory_space<vmem>>, vector<16xf32>,
      %mul3A_298 = arith.constant 16 : i32
      %mul3A_299 = arith.muli %scan3A_260, %mul3A_298 : i32
      %get3A_300 = arith.constant 2 : i32
      %get3A_301 = arith.index_cast %get3A_300 : i32 to index
      %get3A_302 = arith.index_cast %mul3A_299 : i32 to index
      %get3A_303 = tpu.vector_load %arg9[%get3A_301, %get3A_302] {strides = array<i32>} : memref<5x2048xf32, #tpu.memory_space<vmem>>, vector<16xf32>,
      %sub3A_304 = arith.subf %get3A_297, %get3A_303 : vector<16xf32>
      %mul3A_305 = arith.mulf %sub3A_304, %sub3A_304 : vector<16xf32>
      %add3A_306 = arith.addf %add3A_291, %mul3A_305 : vector<16xf32>
      %mul3A_307 = arith.constant 16 : i32
      %mul3A_308 = arith.muli %scan3A_260, %mul3A_307 : i32
      %get3A_309 = arith.constant 3 : i32
      %get3A_310 = arith.index_cast %get3A_309 : i32 to index
      %get3A_311 = arith.index_cast %mul3A_308 : i32 to index
      %get3A_312 = tpu.vector_load %arg8[%get3A_310, %get3A_311] {strides = array<i32>} : memref<5x2048xf32, #tpu.memory_space<vmem>>, vector<16xf32>,
      %mul3A_313 = arith.constant 16 : i32
      %mul3A_314 = arith.muli %scan3A_260, %mul3A_313 : i32
      %get3A_315 = arith.constant 3 : i32
      %get3A_316 = arith.index_cast %get3A_315 : i32 to index
      %get3A_317 = arith.index_cast %mul3A_314 : i32 to index
      %get3A_318 = tpu.vector_load %arg9[%get3A_316, %get3A_317] {strides = array<i32>} : memref<5x2048xf32, #tpu.memory_space<vmem>>, vector<16xf32>,
      %sub3A_319 = arith.subf %get3A_312, %get3A_318 : vector<16xf32>
      %mul3A_320 = arith.mulf %sub3A_319, %sub3A_319 : vector<16xf32>
      %add3A_321 = arith.addf %add3A_306, %mul3A_320 : vector<16xf32>
      %mul3A_322 = arith.constant 16 : i32
      %mul3A_323 = arith.muli %scan3A_260, %mul3A_322 : i32
      %get3A_324 = arith.constant 4 : i32
      %get3A_325 = arith.index_cast %get3A_324 : i32 to index
      %get3A_326 = arith.index_cast %mul3A_323 : i32 to index
      %get3A_327 = tpu.vector_load %arg8[%get3A_325, %get3A_326] {strides = array<i32>} : memref<5x2048xf32, #tpu.memory_space<vmem>>, vector<16xf32>,
      %mul3A_328 = arith.constant 16 : i32
      %mul3A_329 = arith.muli %scan3A_260, %mul3A_328 : i32
      %get3A_330 = arith.constant 4 : i32
      %get3A_331 = arith.index_cast %get3A_330 : i32 to index
      %get3A_332 = arith.index_cast %mul3A_329 : i32 to index
      %get3A_333 = tpu.vector_load %arg9[%get3A_331, %get3A_332] {strides = array<i32>} : memref<5x2048xf32, #tpu.memory_space<vmem>>, vector<16xf32>,
      %sub3A_334 = arith.subf %get3A_327, %get3A_333 : vector<16xf32>
      %mul3A_335 = arith.mulf %sub3A_334, %sub3A_334 : vector<16xf32>
      %add3A_336 = arith.addf %add3A_321, %mul3A_335 : vector<16xf32>
      %mul3A_337 = arith.constant 16 : i32
      %mul3A_338 = arith.muli %scan3A_260, %mul3A_337 : i32
      %get3A_339 = arith.index_cast %mul3A_338 : i32 to index
      %get3A_340 = tpu.vector_load %arg10[%get3A_339] {strides = array<i32>} : memref<2048xi32, #tpu.memory_space<vmem>>, vector<16xi32>,
      %mul3A_341 = arith.constant 16 : i32
      %mul3A_342 = arith.muli %scan3A_260, %mul3A_341 : i32
      %get3A_343 = arith.index_cast %mul3A_342 : i32 to index
      %get3A_344 = tpu.vector_load %arg11[%get3A_343] {strides = array<i32>} : memref<2048xi32, #tpu.memory_space<vmem>>, vector<16xi32>,
      %gt3A = arith.constant 0 : i32
      %gt3A_345 = vector.broadcast %gt3A : i32 to vector<16xi32>
      %gt3A_346 = arith.cmpi sgt, %get3A_344, %gt3A_345 : vector<16xi32>
      %gt3A_347 = arith.constant 0 : i32
      %gt3A_348 = vector.broadcast %gt3A_347 : i32 to vector<16xi32>
      %gt3A_349 = arith.cmpi sgt, %get3A_340, %gt3A_348 : vector<16xi32>
      %and3A = arith.andi %gt3A_346, %gt3A_349 : vector<16xi1>
      %jit3A = arith.constant 0 : i32
      %broadcast_in_dim3A_350 = vector.broadcast %jit3A : i32 to vector<16xi32>
      %select_n3A = arith.select %and3A, %get3A_340, %broadcast_in_dim3A_350 : vector<16xi1>, vector<16xi32>
      %convert_element_type3A_351 = arith.extui %and3A : vector<16xi1> to vector<16xi32>
      %convert_element_type3A_352 = arith.sitofp %convert_element_type3A_351 : vector<16xi32> to vector<16xf32>
      %mul3A_353 = arith.mulf %add3A_336, %convert_element_type3A_352 : vector<16xf32>
      tpu.vector_store_idx %arg24[%select_n3A], %mul3A_353 {add = true} : memref<1024xf32, #tpu.memory_space<vmem>>[vector<16xi32>], vector<16xf32>,
      tpu.vector_store_idx %arg25[%select_n3A], %convert_element_type3A_352 {add = true} : memref<1024xf32, #tpu.memory_space<vmem>>[vector<16xi32>], vector<16xf32>,
      %scan3A_354 = arith.constant 0 : i32
      scf.yield %scan3A_354 : i32
    }
    %scan3A_250 = arith.constant 128 : i32
    %lt3A_251 = arith.constant 20 : i32
    %lt3A_252 = arith.cmpi slt, %add3A, %lt3A_251 : i32
    %convert_element_type3A_253 = arith.extui %lt3A_252 : i1 to i32
    %cond3A_254 = arith.constant 0 : i32
    %cond3A_255 = arith.cmpi ne, %convert_element_type3A_253, %cond3A_254 : i32
    scf.if %cond3A_255 {
      %dma_wait3A_260 = arith.constant 0 : i32
      %dma_wait3A_261 = arith.constant 0 : i32
      %dma_wait3A_262 = tpu.memref_slice %arg2[%dma_wait3A_260, %dma_wait3A_261] : memref<5x500000xf32, #tpu.memory_space<hbm>> -> memref<5x2048xf32, #tpu.memory_space<hbm>>
      %dma_wait3A_263 = arith.constant 0 : i32
      %dma_wait3A_264 = arith.constant 0 : i32
      %dma_wait3A_265 = tpu.memref_slice %arg2[%dma_wait3A_263, %dma_wait3A_264] : memref<5x500000xf32, #tpu.memory_space<hbm>> -> memref<5x2048xf32, #tpu.memory_space<hbm>>
      tpu.wait_dma2 semaphore(%arg28 : memref<!tpu.dma_semaphore, #tpu.memory_space<semaphore_mem>>) src(%dma_wait3A_265 : memref<5x2048xf32, #tpu.memory_space<hbm>>) dst(%arg16 : memref<5x2048xf32, #tpu.memory_space<vmem>>)
      %dma_wait3A_266 = arith.constant 0 : i32
      %dma_wait3A_267 = arith.constant 0 : i32
      %dma_wait3A_268 = tpu.memref_slice %arg3[%dma_wait3A_266, %dma_wait3A_267] : memref<5x500000xf32, #tpu.memory_space<hbm>> -> memref<5x2048xf32, #tpu.memory_space<hbm>>
      %dma_wait3A_269 = arith.constant 0 : i32
      %dma_wait3A_270 = arith.constant 0 : i32
      %dma_wait3A_271 = tpu.memref_slice %arg3[%dma_wait3A_269, %dma_wait3A_270] : memref<5x500000xf32, #tpu.memory_space<hbm>> -> memref<5x2048xf32, #tpu.memory_space<hbm>>
      tpu.wait_dma2 semaphore(%arg28 : memref<!tpu.dma_semaphore, #tpu.memory_space<semaphore_mem>>) src(%dma_wait3A_271 : memref<5x2048xf32, #tpu.memory_space<hbm>>) dst(%arg17 : memref<5x2048xf32, #tpu.memory_space<vmem>>)
      %dma_wait3A_272 = arith.constant 0 : i32
      %dma_wait3A_273 = tpu.memref_slice %arg4[%dma_wait3A_272] : memref<500000xi32, #tpu.memory_space<hbm>> -> memref<2048xi32, #tpu.memory_space<hbm>>
      %dma_wait3A_274 = arith.constant 0 : i32
      %dma_wait3A_275 = tpu.memref_slice %arg4[%dma_wait3A_274] : memref<500000xi32, #tpu.memory_space<hbm>> -> memref<2048xi32, #tpu.memory_space<hbm>>
      tpu.wait_dma2 semaphore(%arg28 : memref<!tpu.dma_semaphore, #tpu.memory_space<semaphore_mem>>) src(%dma_wait3A_275 : memref<2048xi32, #tpu.memory_space<hbm>>) dst(%arg18 : memref<2048xi32, #tpu.memory_space<vmem>>)
      %dma_wait3A_276 = arith.constant 0 : i32
      %dma_wait3A_277 = tpu.memref_slice %arg5[%dma_wait3A_276] : memref<500000xi32, #tpu.memory_space<hbm>> -> memref<2048xi32, #tpu.memory_space<hbm>>
      %dma_wait3A_278 = arith.constant 0 : i32
      %dma_wait3A_279 = tpu.memref_slice %arg5[%dma_wait3A_278] : memref<500000xi32, #tpu.memory_space<hbm>> -> memref<2048xi32, #tpu.memory_space<hbm>>
      tpu.wait_dma2 semaphore(%arg28 : memref<!tpu.dma_semaphore, #tpu.memory_space<semaphore_mem>>) src(%dma_wait3A_279 : memref<2048xi32, #tpu.memory_space<hbm>>) dst(%arg19 : memref<2048xi32, #tpu.memory_space<vmem>>)
      %scan3A_280 = arith.constant 0 : i32
      %scan3A_281 = arith.constant 0 : i32
      %scan3A_282 = arith.constant 128 : i32
      %scan3A_283 = arith.addi %scan3A_281, %scan3A_282 : i32
      %scan3A_284 = arith.constant 1 : i32
      %scan3A_285 = scf.for %scan3A_287 = %scan3A_281 to %scan3A_283 step %scan3A_284 iter_args(%scan3A_288 = %scan3A_280) -> (i32)  : i32 {
        %broadcast_in_dim3A_289 = arith.constant 0.000000e+00 : f32
        %broadcast_in_dim3A_290 = vector.broadcast %broadcast_in_dim3A_289 : f32 to vector<16xf32>
        %mul3A_291 = arith.constant 16 : i32
        %mul3A_292 = arith.muli %scan3A_287, %mul3A_291 : i32
        %get3A = arith.constant 0 : i32
        %get3A_293 = arith.index_cast %get3A : i32 to index
        %get3A_294 = arith.index_cast %mul3A_292 : i32 to index
        %get3A_295 = tpu.vector_load %arg16[%get3A_293, %get3A_294] {strides = array<i32>} : memref<5x2048xf32, #tpu.memory_space<vmem>>, vector<16xf32>,
        %mul3A_296 = arith.constant 16 : i32
        %mul3A_297 = arith.muli %scan3A_287, %mul3A_296 : i32
        %get3A_298 = arith.constant 0 : i32
        %get3A_299 = arith.index_cast %get3A_298 : i32 to index
        %get3A_300 = arith.index_cast %mul3A_297 : i32 to index
        %get3A_301 = tpu.vector_load %arg17[%get3A_299, %get3A_300] {strides = array<i32>} : memref<5x2048xf32, #tpu.memory_space<vmem>>, vector<16xf32>,
        %sub3A = arith.subf %get3A_295, %get3A_301 : vector<16xf32>
        %mul3A_302 = arith.mulf %sub3A, %sub3A : vector<16xf32>
        %add3A_303 = arith.addf %broadcast_in_dim3A_290, %mul3A_302 : vector<16xf32>
        %mul3A_304 = arith.constant 16 : i32
        %mul3A_305 = arith.muli %scan3A_287, %mul3A_304 : i32
        %get3A_306 = arith.constant 1 : i32
        %get3A_307 = arith.index_cast %get3A_306 : i32 to index
        %get3A_308 = arith.index_cast %mul3A_305 : i32 to index
        %get3A_309 = tpu.vector_load %arg16[%get3A_307, %get3A_308] {strides = array<i32>} : memref<5x2048xf32, #tpu.memory_space<vmem>>, vector<16xf32>,
        %mul3A_310 = arith.constant 16 : i32
        %mul3A_311 = arith.muli %scan3A_287, %mul3A_310 : i32
        %get3A_312 = arith.constant 1 : i32
        %get3A_313 = arith.index_cast %get3A_312 : i32 to index
        %get3A_314 = arith.index_cast %mul3A_311 : i32 to index
        %get3A_315 = tpu.vector_load %arg17[%get3A_313, %get3A_314] {strides = array<i32>} : memref<5x2048xf32, #tpu.memory_space<vmem>>, vector<16xf32>,
        %sub3A_316 = arith.subf %get3A_309, %get3A_315 : vector<16xf32>
        %mul3A_317 = arith.mulf %sub3A_316, %sub3A_316 : vector<16xf32>
        %add3A_318 = arith.addf %add3A_303, %mul3A_317 : vector<16xf32>
        %mul3A_319 = arith.constant 16 : i32
        %mul3A_320 = arith.muli %scan3A_287, %mul3A_319 : i32
        %get3A_321 = arith.constant 2 : i32
        %get3A_322 = arith.index_cast %get3A_321 : i32 to index
        %get3A_323 = arith.index_cast %mul3A_320 : i32 to index
        %get3A_324 = tpu.vector_load %arg16[%get3A_322, %get3A_323] {strides = array<i32>} : memref<5x2048xf32, #tpu.memory_space<vmem>>, vector<16xf32>,
        %mul3A_325 = arith.constant 16 : i32
        %mul3A_326 = arith.muli %scan3A_287, %mul3A_325 : i32
        %get3A_327 = arith.constant 2 : i32
        %get3A_328 = arith.index_cast %get3A_327 : i32 to index
        %get3A_329 = arith.index_cast %mul3A_326 : i32 to index
        %get3A_330 = tpu.vector_load %arg17[%get3A_328, %get3A_329] {strides = array<i32>} : memref<5x2048xf32, #tpu.memory_space<vmem>>, vector<16xf32>,
        %sub3A_331 = arith.subf %get3A_324, %get3A_330 : vector<16xf32>
        %mul3A_332 = arith.mulf %sub3A_331, %sub3A_331 : vector<16xf32>
        %add3A_333 = arith.addf %add3A_318, %mul3A_332 : vector<16xf32>
        %mul3A_334 = arith.constant 16 : i32
        %mul3A_335 = arith.muli %scan3A_287, %mul3A_334 : i32
        %get3A_336 = arith.constant 3 : i32
        %get3A_337 = arith.index_cast %get3A_336 : i32 to index
        %get3A_338 = arith.index_cast %mul3A_335 : i32 to index
        %get3A_339 = tpu.vector_load %arg16[%get3A_337, %get3A_338] {strides = array<i32>} : memref<5x2048xf32, #tpu.memory_space<vmem>>, vector<16xf32>,
        %mul3A_340 = arith.constant 16 : i32
        %mul3A_341 = arith.muli %scan3A_287, %mul3A_340 : i32
        %get3A_342 = arith.constant 3 : i32
        %get3A_343 = arith.index_cast %get3A_342 : i32 to index
        %get3A_344 = arith.index_cast %mul3A_341 : i32 to index
        %get3A_345 = tpu.vector_load %arg17[%get3A_343, %get3A_344] {strides = array<i32>} : memref<5x2048xf32, #tpu.memory_space<vmem>>, vector<16xf32>,
        %sub3A_346 = arith.subf %get3A_339, %get3A_345 : vector<16xf32>
        %mul3A_347 = arith.mulf %sub3A_346, %sub3A_346 : vector<16xf32>
        %add3A_348 = arith.addf %add3A_333, %mul3A_347 : vector<16xf32>
        %mul3A_349 = arith.constant 16 : i32
        %mul3A_350 = arith.muli %scan3A_287, %mul3A_349 : i32
        %get3A_351 = arith.constant 4 : i32
        %get3A_352 = arith.index_cast %get3A_351 : i32 to index
        %get3A_353 = arith.index_cast %mul3A_350 : i32 to index
        %get3A_354 = tpu.vector_load %arg16[%get3A_352, %get3A_353] {strides = array<i32>} : memref<5x2048xf32, #tpu.memory_space<vmem>>, vector<16xf32>,
        %mul3A_355 = arith.constant 16 : i32
        %mul3A_356 = arith.muli %scan3A_287, %mul3A_355 : i32
        %get3A_357 = arith.constant 4 : i32
        %get3A_358 = arith.index_cast %get3A_357 : i32 to index
        %get3A_359 = arith.index_cast %mul3A_356 : i32 to index
        %get3A_360 = tpu.vector_load %arg17[%get3A_358, %get3A_359] {strides = array<i32>} : memref<5x2048xf32, #tpu.memory_space<vmem>>, vector<16xf32>,
        %sub3A_361 = arith.subf %get3A_354, %get3A_360 : vector<16xf32>
        %mul3A_362 = arith.mulf %sub3A_361, %sub3A_361 : vector<16xf32>
        %add3A_363 = arith.addf %add3A_348, %mul3A_362 : vector<16xf32>
        %mul3A_364 = arith.constant 16 : i32
        %mul3A_365 = arith.muli %scan3A_287, %mul3A_364 : i32
        %get3A_366 = arith.index_cast %mul3A_365 : i32 to index
        %get3A_367 = tpu.vector_load %arg18[%get3A_366] {strides = array<i32>} : memref<2048xi32, #tpu.memory_space<vmem>>, vector<16xi32>,
        %mul3A_368 = arith.constant 16 : i32
        %mul3A_369 = arith.muli %scan3A_287, %mul3A_368 : i32
        %get3A_370 = arith.index_cast %mul3A_369 : i32 to index
        %get3A_371 = tpu.vector_load %arg19[%get3A_370] {strides = array<i32>} : memref<2048xi32, #tpu.memory_space<vmem>>, vector<16xi32>,
        %gt3A = arith.constant 0 : i32
        %gt3A_372 = vector.broadcast %gt3A : i32 to vector<16xi32>
        %gt3A_373 = arith.cmpi sgt, %get3A_371, %gt3A_372 : vector<16xi32>
        %gt3A_374 = arith.constant 0 : i32
        %gt3A_375 = vector.broadcast %gt3A_374 : i32 to vector<16xi32>
        %gt3A_376 = arith.cmpi sgt, %get3A_367, %gt3A_375 : vector<16xi32>
        %and3A = arith.andi %gt3A_373, %gt3A_376 : vector<16xi1>
        %jit3A = arith.constant 0 : i32
        %broadcast_in_dim3A_377 = vector.broadcast %jit3A : i32 to vector<16xi32>
        %select_n3A = arith.select %and3A, %get3A_367, %broadcast_in_dim3A_377 : vector<16xi1>, vector<16xi32>
        %convert_element_type3A_378 = arith.extui %and3A : vector<16xi1> to vector<16xi32>
        %convert_element_type3A_379 = arith.sitofp %convert_element_type3A_378 : vector<16xi32> to vector<16xf32>
        %mul3A_380 = arith.mulf %add3A_363, %convert_element_type3A_379 : vector<16xf32>
        tpu.vector_store_idx %arg24[%select_n3A], %mul3A_380 {add = true} : memref<1024xf32, #tpu.memory_space<vmem>>[vector<16xi32>], vector<16xf32>,
        tpu.vector_store_idx %arg25[%select_n3A], %convert_element_type3A_379 {add = true} : memref<1024xf32, #tpu.memory_space<vmem>>[vector<16xi32>], vector<16xf32>,
        %scan3A_381 = arith.constant 0 : i32
        scf.yield %scan3A_381 : i32
      }
      %scan3A_286 = arith.constant 128 : i32
    } else {
    }
    %eq3A = arith.constant 20 : i32
    %eq3A_256 = arith.cmpi eq, %add3A, %eq3A : i32
    %convert_element_type3A_257 = arith.extui %eq3A_256 : i1 to i32
    %cond3A_258 = arith.constant 0 : i32
    %cond3A_259 = arith.cmpi ne, %convert_element_type3A_257, %cond3A_258 : i32
    scf.if %cond3A_259 {
      "tpu.region"() ({
        %run_scoped3A = tpu.sem_alloc : memref<!tpu.dma_semaphore, #tpu.memory_space<semaphore_mem>>
        %dma_start3A_267 = arith.constant 0 : i32
        %dma_start3A_268 = arith.constant 499712 : i32
        %dma_start3A_269 = tpu.memref_slice %arg2[%dma_start3A_267, %dma_start3A_268] : memref<5x500000xf32, #tpu.memory_space<hbm>> -> memref<5x288xf32, #tpu.memory_space<hbm>>
        %dma_start3A_270 = arith.constant 0 : i32
        %dma_start3A_271 = arith.constant 499712 : i32
        %dma_start3A_272 = tpu.memref_slice %arg2[%dma_start3A_270, %dma_start3A_271] : memref<5x500000xf32, #tpu.memory_space<hbm>> -> memref<5x288xf32, #tpu.memory_space<hbm>>
        tpu.enqueue_dma source(%dma_start3A_272 : memref<5x288xf32, #tpu.memory_space<hbm>>) target(%arg20 : memref<5x288xf32, #tpu.memory_space<vmem>>) target_semaphore(%run_scoped3A : memref<!tpu.dma_semaphore, #tpu.memory_space<semaphore_mem>>)
        %dma_wait3A_273 = arith.constant 0 : i32
        %dma_wait3A_274 = arith.constant 499712 : i32
        %dma_wait3A_275 = tpu.memref_slice %arg2[%dma_wait3A_273, %dma_wait3A_274] : memref<5x500000xf32, #tpu.memory_space<hbm>> -> memref<5x288xf32, #tpu.memory_space<hbm>>
        %dma_wait3A_276 = arith.constant 0 : i32
        %dma_wait3A_277 = arith.constant 499712 : i32
        %dma_wait3A_278 = tpu.memref_slice %arg2[%dma_wait3A_276, %dma_wait3A_277] : memref<5x500000xf32, #tpu.memory_space<hbm>> -> memref<5x288xf32, #tpu.memory_space<hbm>>
        tpu.wait_dma2 semaphore(%run_scoped3A : memref<!tpu.dma_semaphore, #tpu.memory_space<semaphore_mem>>) src(%dma_wait3A_278 : memref<5x288xf32, #tpu.memory_space<hbm>>) dst(%arg20 : memref<5x288xf32, #tpu.memory_space<vmem>>)
        tpu.yield
      }) : () -> ()
      "tpu.region"() ({
        %run_scoped3A = tpu.sem_alloc : memref<!tpu.dma_semaphore, #tpu.memory_space<semaphore_mem>>
        %dma_start3A_267 = arith.constant 0 : i32
        %dma_start3A_268 = arith.constant 499712 : i32
        %dma_start3A_269 = tpu.memref_slice %arg3[%dma_start3A_267, %dma_start3A_268] : memref<5x500000xf32, #tpu.memory_space<hbm>> -> memref<5x288xf32, #tpu.memory_space<hbm>>
        %dma_start3A_270 = arith.constant 0 : i32
        %dma_start3A_271 = arith.constant 499712 : i32
        %dma_start3A_272 = tpu.memref_slice %arg3[%dma_start3A_270, %dma_start3A_271] : memref<5x500000xf32, #tpu.memory_space<hbm>> -> memref<5x288xf32, #tpu.memory_space<hbm>>
        tpu.enqueue_dma source(%dma_start3A_272 : memref<5x288xf32, #tpu.memory_space<hbm>>) target(%arg21 : memref<5x288xf32, #tpu.memory_space<vmem>>) target_semaphore(%run_scoped3A : memref<!tpu.dma_semaphore, #tpu.memory_space<semaphore_mem>>)
        %dma_wait3A_273 = arith.constant 0 : i32
        %dma_wait3A_274 = arith.constant 499712 : i32
        %dma_wait3A_275 = tpu.memref_slice %arg3[%dma_wait3A_273, %dma_wait3A_274] : memref<5x500000xf32, #tpu.memory_space<hbm>> -> memref<5x288xf32, #tpu.memory_space<hbm>>
        %dma_wait3A_276 = arith.constant 0 : i32
        %dma_wait3A_277 = arith.constant 499712 : i32
        %dma_wait3A_278 = tpu.memref_slice %arg3[%dma_wait3A_276, %dma_wait3A_277] : memref<5x500000xf32, #tpu.memory_space<hbm>> -> memref<5x288xf32, #tpu.memory_space<hbm>>
        tpu.wait_dma2 semaphore(%run_scoped3A : memref<!tpu.dma_semaphore, #tpu.memory_space<semaphore_mem>>) src(%dma_wait3A_278 : memref<5x288xf32, #tpu.memory_space<hbm>>) dst(%arg21 : memref<5x288xf32, #tpu.memory_space<vmem>>)
        tpu.yield
      }) : () -> ()
      "tpu.region"() ({
        %run_scoped3A = tpu.sem_alloc : memref<!tpu.dma_semaphore, #tpu.memory_space<semaphore_mem>>
        %dma_start3A_267 = arith.constant 499712 : i32
        %dma_start3A_268 = tpu.memref_slice %arg4[%dma_start3A_267] : memref<500000xi32, #tpu.memory_space<hbm>> -> memref<288xi32, #tpu.memory_space<hbm>>
        %dma_start3A_269 = arith.constant 499712 : i32
        %dma_start3A_270 = tpu.memref_slice %arg4[%dma_start3A_269] : memref<500000xi32, #tpu.memory_space<hbm>> -> memref<288xi32, #tpu.memory_space<hbm>>
        tpu.enqueue_dma source(%dma_start3A_270 : memref<288xi32, #tpu.memory_space<hbm>>) target(%arg22 : memref<288xi32, #tpu.memory_space<vmem>>) target_semaphore(%run_scoped3A : memref<!tpu.dma_semaphore, #tpu.memory_space<semaphore_mem>>)
        %dma_wait3A_271 = arith.constant 499712 : i32
        %dma_wait3A_272 = tpu.memref_slice %arg4[%dma_wait3A_271] : memref<500000xi32, #tpu.memory_space<hbm>> -> memref<288xi32, #tpu.memory_space<hbm>>
        %dma_wait3A_273 = arith.constant 499712 : i32
        %dma_wait3A_274 = tpu.memref_slice %arg4[%dma_wait3A_273] : memref<500000xi32, #tpu.memory_space<hbm>> -> memref<288xi32, #tpu.memory_space<hbm>>
        tpu.wait_dma2 semaphore(%run_scoped3A : memref<!tpu.dma_semaphore, #tpu.memory_space<semaphore_mem>>) src(%dma_wait3A_274 : memref<288xi32, #tpu.memory_space<hbm>>) dst(%arg22 : memref<288xi32, #tpu.memory_space<vmem>>)
        tpu.yield
      }) : () -> ()
      "tpu.region"() ({
        %run_scoped3A = tpu.sem_alloc : memref<!tpu.dma_semaphore, #tpu.memory_space<semaphore_mem>>
        %dma_start3A_267 = arith.constant 499712 : i32
        %dma_start3A_268 = tpu.memref_slice %arg5[%dma_start3A_267] : memref<500000xi32, #tpu.memory_space<hbm>> -> memref<288xi32, #tpu.memory_space<hbm>>
        %dma_start3A_269 = arith.constant 499712 : i32
        %dma_start3A_270 = tpu.memref_slice %arg5[%dma_start3A_269] : memref<500000xi32, #tpu.memory_space<hbm>> -> memref<288xi32, #tpu.memory_space<hbm>>
        tpu.enqueue_dma source(%dma_start3A_270 : memref<288xi32, #tpu.memory_space<hbm>>) target(%arg23 : memref<288xi32, #tpu.memory_space<vmem>>) target_semaphore(%run_scoped3A : memref<!tpu.dma_semaphore, #tpu.memory_space<semaphore_mem>>)
        %dma_wait3A_271 = arith.constant 499712 : i32
        %dma_wait3A_272 = tpu.memref_slice %arg5[%dma_wait3A_271] : memref<500000xi32, #tpu.memory_space<hbm>> -> memref<288xi32, #tpu.memory_space<hbm>>
        %dma_wait3A_273 = arith.constant 499712 : i32
        %dma_wait3A_274 = tpu.memref_slice %arg5[%dma_wait3A_273] : memref<500000xi32, #tpu.memory_space<hbm>> -> memref<288xi32, #tpu.memory_space<hbm>>
        tpu.wait_dma2 semaphore(%run_scoped3A : memref<!tpu.dma_semaphore, #tpu.memory_space<semaphore_mem>>) src(%dma_wait3A_274 : memref<288xi32, #tpu.memory_space<hbm>>) dst(%arg23 : memref<288xi32, #tpu.memory_space<vmem>>)
        tpu.yield
      }) : () -> ()
      %scan3A_260 = arith.constant 0 : i32
      %scan3A_261 = arith.constant 0 : i32
      %scan3A_262 = arith.constant 18 : i32
      %scan3A_263 = arith.addi %scan3A_261, %scan3A_262 : i32
      %scan3A_264 = arith.constant 1 : i32
      %scan3A_265 = scf.for %scan3A_267 = %scan3A_261 to %scan3A_263 step %scan3A_264 iter_args(%scan3A_268 = %scan3A_260) -> (i32)  : i32 {
        %broadcast_in_dim3A_269 = arith.constant 0.000000e+00 : f32
        %broadcast_in_dim3A_270 = vector.broadcast %broadcast_in_dim3A_269 : f32 to vector<16xf32>
        %mul3A_271 = arith.constant 16 : i32
        %mul3A_272 = arith.muli %scan3A_267, %mul3A_271 : i32
        %get3A = arith.constant 0 : i32
        %get3A_273 = arith.index_cast %get3A : i32 to index
        %get3A_274 = arith.index_cast %mul3A_272 : i32 to index
        %get3A_275 = tpu.vector_load %arg20[%get3A_273, %get3A_274] {strides = array<i32>} : memref<5x288xf32, #tpu.memory_space<vmem>>, vector<16xf32>,
        %mul3A_276 = arith.constant 16 : i32
        %mul3A_277 = arith.muli %scan3A_267, %mul3A_276 : i32
        %get3A_278 = arith.constant 0 : i32
        %get3A_279 = arith.index_cast %get3A_278 : i32 to index
        %get3A_280 = arith.index_cast %mul3A_277 : i32 to index
        %get3A_281 = tpu.vector_load %arg21[%get3A_279, %get3A_280] {strides = array<i32>} : memref<5x288xf32, #tpu.memory_space<vmem>>, vector<16xf32>,
        %sub3A = arith.subf %get3A_275, %get3A_281 : vector<16xf32>
        %mul3A_282 = arith.mulf %sub3A, %sub3A : vector<16xf32>
        %add3A_283 = arith.addf %broadcast_in_dim3A_270, %mul3A_282 : vector<16xf32>
        %mul3A_284 = arith.constant 16 : i32
        %mul3A_285 = arith.muli %scan3A_267, %mul3A_284 : i32
        %get3A_286 = arith.constant 1 : i32
        %get3A_287 = arith.index_cast %get3A_286 : i32 to index
        %get3A_288 = arith.index_cast %mul3A_285 : i32 to index
        %get3A_289 = tpu.vector_load %arg20[%get3A_287, %get3A_288] {strides = array<i32>} : memref<5x288xf32, #tpu.memory_space<vmem>>, vector<16xf32>,
        %mul3A_290 = arith.constant 16 : i32
        %mul3A_291 = arith.muli %scan3A_267, %mul3A_290 : i32
        %get3A_292 = arith.constant 1 : i32
        %get3A_293 = arith.index_cast %get3A_292 : i32 to index
        %get3A_294 = arith.index_cast %mul3A_291 : i32 to index
        %get3A_295 = tpu.vector_load %arg21[%get3A_293, %get3A_294] {strides = array<i32>} : memref<5x288xf32, #tpu.memory_space<vmem>>, vector<16xf32>,
        %sub3A_296 = arith.subf %get3A_289, %get3A_295 : vector<16xf32>
        %mul3A_297 = arith.mulf %sub3A_296, %sub3A_296 : vector<16xf32>
        %add3A_298 = arith.addf %add3A_283, %mul3A_297 : vector<16xf32>
        %mul3A_299 = arith.constant 16 : i32
        %mul3A_300 = arith.muli %scan3A_267, %mul3A_299 : i32
        %get3A_301 = arith.constant 2 : i32
        %get3A_302 = arith.index_cast %get3A_301 : i32 to index
        %get3A_303 = arith.index_cast %mul3A_300 : i32 to index
        %get3A_304 = tpu.vector_load %arg20[%get3A_302, %get3A_303] {strides = array<i32>} : memref<5x288xf32, #tpu.memory_space<vmem>>, vector<16xf32>,
        %mul3A_305 = arith.constant 16 : i32
        %mul3A_306 = arith.muli %scan3A_267, %mul3A_305 : i32
        %get3A_307 = arith.constant 2 : i32
        %get3A_308 = arith.index_cast %get3A_307 : i32 to index
        %get3A_309 = arith.index_cast %mul3A_306 : i32 to index
        %get3A_310 = tpu.vector_load %arg21[%get3A_308, %get3A_309] {strides = array<i32>} : memref<5x288xf32, #tpu.memory_space<vmem>>, vector<16xf32>,
        %sub3A_311 = arith.subf %get3A_304, %get3A_310 : vector<16xf32>
        %mul3A_312 = arith.mulf %sub3A_311, %sub3A_311 : vector<16xf32>
        %add3A_313 = arith.addf %add3A_298, %mul3A_312 : vector<16xf32>
        %mul3A_314 = arith.constant 16 : i32
        %mul3A_315 = arith.muli %scan3A_267, %mul3A_314 : i32
        %get3A_316 = arith.constant 3 : i32
        %get3A_317 = arith.index_cast %get3A_316 : i32 to index
        %get3A_318 = arith.index_cast %mul3A_315 : i32 to index
        %get3A_319 = tpu.vector_load %arg20[%get3A_317, %get3A_318] {strides = array<i32>} : memref<5x288xf32, #tpu.memory_space<vmem>>, vector<16xf32>,
        %mul3A_320 = arith.constant 16 : i32
        %mul3A_321 = arith.muli %scan3A_267, %mul3A_320 : i32
        %get3A_322 = arith.constant 3 : i32
        %get3A_323 = arith.index_cast %get3A_322 : i32 to index
        %get3A_324 = arith.index_cast %mul3A_321 : i32 to index
        %get3A_325 = tpu.vector_load %arg21[%get3A_323, %get3A_324] {strides = array<i32>} : memref<5x288xf32, #tpu.memory_space<vmem>>, vector<16xf32>,
        %sub3A_326 = arith.subf %get3A_319, %get3A_325 : vector<16xf32>
        %mul3A_327 = arith.mulf %sub3A_326, %sub3A_326 : vector<16xf32>
        %add3A_328 = arith.addf %add3A_313, %mul3A_327 : vector<16xf32>
        %mul3A_329 = arith.constant 16 : i32
        %mul3A_330 = arith.muli %scan3A_267, %mul3A_329 : i32
        %get3A_331 = arith.constant 4 : i32
        %get3A_332 = arith.index_cast %get3A_331 : i32 to index
        %get3A_333 = arith.index_cast %mul3A_330 : i32 to index
        %get3A_334 = tpu.vector_load %arg20[%get3A_332, %get3A_333] {strides = array<i32>} : memref<5x288xf32, #tpu.memory_space<vmem>>, vector<16xf32>,
        %mul3A_335 = arith.constant 16 : i32
        %mul3A_336 = arith.muli %scan3A_267, %mul3A_335 : i32
        %get3A_337 = arith.constant 4 : i32
        %get3A_338 = arith.index_cast %get3A_337 : i32 to index
        %get3A_339 = arith.index_cast %mul3A_336 : i32 to index
        %get3A_340 = tpu.vector_load %arg21[%get3A_338, %get3A_339] {strides = array<i32>} : memref<5x288xf32, #tpu.memory_space<vmem>>, vector<16xf32>,
        %sub3A_341 = arith.subf %get3A_334, %get3A_340 : vector<16xf32>
        %mul3A_342 = arith.mulf %sub3A_341, %sub3A_341 : vector<16xf32>
        %add3A_343 = arith.addf %add3A_328, %mul3A_342 : vector<16xf32>
        %mul3A_344 = arith.constant 16 : i32
        %mul3A_345 = arith.muli %scan3A_267, %mul3A_344 : i32
        %get3A_346 = arith.index_cast %mul3A_345 : i32 to index
        %get3A_347 = tpu.vector_load %arg22[%get3A_346] {strides = array<i32>} : memref<288xi32, #tpu.memory_space<vmem>>, vector<16xi32>,
        %mul3A_348 = arith.constant 16 : i32
        %mul3A_349 = arith.muli %scan3A_267, %mul3A_348 : i32
        %get3A_350 = arith.index_cast %mul3A_349 : i32 to index
        %get3A_351 = tpu.vector_load %arg23[%get3A_350] {strides = array<i32>} : memref<288xi32, #tpu.memory_space<vmem>>, vector<16xi32>,
        %gt3A = arith.constant 0 : i32
        %gt3A_352 = vector.broadcast %gt3A : i32 to vector<16xi32>
        %gt3A_353 = arith.cmpi sgt, %get3A_351, %gt3A_352 : vector<16xi32>
        %gt3A_354 = arith.constant 0 : i32
        %gt3A_355 = vector.broadcast %gt3A_354 : i32 to vector<16xi32>
        %gt3A_356 = arith.cmpi sgt, %get3A_347, %gt3A_355 : vector<16xi32>
        %and3A = arith.andi %gt3A_353, %gt3A_356 : vector<16xi1>
        %jit3A = arith.constant 0 : i32
        %broadcast_in_dim3A_357 = vector.broadcast %jit3A : i32 to vector<16xi32>
        %select_n3A = arith.select %and3A, %get3A_347, %broadcast_in_dim3A_357 : vector<16xi1>, vector<16xi32>
        %convert_element_type3A_358 = arith.extui %and3A : vector<16xi1> to vector<16xi32>
        %convert_element_type3A_359 = arith.sitofp %convert_element_type3A_358 : vector<16xi32> to vector<16xf32>
        %mul3A_360 = arith.mulf %add3A_343, %convert_element_type3A_359 : vector<16xf32>
        tpu.vector_store_idx %arg24[%select_n3A], %mul3A_360 {add = true} : memref<1024xf32, #tpu.memory_space<vmem>>[vector<16xi32>], vector<16xf32>,
        tpu.vector_store_idx %arg25[%select_n3A], %convert_element_type3A_359 {add = true} : memref<1024xf32, #tpu.memory_space<vmem>>[vector<16xi32>], vector<16xf32>,
        %scan3A_361 = arith.constant 0 : i32
        scf.yield %scan3A_361 : i32
      }
      %scan3A_266 = arith.constant 18 : i32
    } else {
    }
    "tpu.region"() ({
      %run_scoped3A = tpu.sem_alloc : memref<!tpu.dma_semaphore, #tpu.memory_space<semaphore_mem>>
      %dma_start3A_260 = arith.constant 0 : i32
      %dma_start3A_261 = tpu.memref_slice %arg6[%add3A, %dma_start3A_260] : memref<32x1024xf32, #tpu.memory_space<hbm>> -> memref<1x1024xf32, #tpu.memory_space<hbm>>
      %dma_start3A_262 = tpu.memref_squeeze %dma_start3A_261 : memref<1x1024xf32, #tpu.memory_space<hbm>> -> memref<1024xf32, #tpu.memory_space<hbm>>
      %dma_start3A_263 = arith.constant 0 : i32
      %dma_start3A_264 = tpu.memref_slice %arg6[%add3A, %dma_start3A_263] : memref<32x1024xf32, #tpu.memory_space<hbm>> -> memref<1x1024xf32, #tpu.memory_space<hbm>>
      %dma_start3A_265 = tpu.memref_squeeze %dma_start3A_264 : memref<1x1024xf32, #tpu.memory_space<hbm>> -> memref<1024xf32, #tpu.memory_space<hbm>>
      tpu.enqueue_dma source(%arg24 : memref<1024xf32, #tpu.memory_space<vmem>>) target(%dma_start3A_265 : memref<1024xf32, #tpu.memory_space<hbm>>) target_semaphore(%run_scoped3A : memref<!tpu.dma_semaphore, #tpu.memory_space<semaphore_mem>>)
      %dma_wait3A_266 = arith.constant 0 : i32
      %dma_wait3A_267 = tpu.memref_slice %arg6[%add3A, %dma_wait3A_266] : memref<32x1024xf32, #tpu.memory_space<hbm>> -> memref<1x1024xf32, #tpu.memory_space<hbm>>
      %dma_wait3A_268 = tpu.memref_squeeze %dma_wait3A_267 : memref<1x1024xf32, #tpu.memory_space<hbm>> -> memref<1024xf32, #tpu.memory_space<hbm>>
      %dma_wait3A_269 = arith.constant 0 : i32
      %dma_wait3A_270 = tpu.memref_slice %arg6[%add3A, %dma_wait3A_269] : memref<32x1024xf32, #tpu.memory_space<hbm>> -> memref<1x1024xf32, #tpu.memory_space<hbm>>
      %dma_wait3A_271 = tpu.memref_squeeze %dma_wait3A_270 : memref<1x1024xf32, #tpu.memory_space<hbm>> -> memref<1024xf32, #tpu.memory_space<hbm>>
      tpu.wait_dma2 semaphore(%run_scoped3A : memref<!tpu.dma_semaphore, #tpu.memory_space<semaphore_mem>>) src(%arg24 : memref<1024xf32, #tpu.memory_space<vmem>>) dst(%dma_wait3A_271 : memref<1024xf32, #tpu.memory_space<hbm>>)
      tpu.yield
    }) : () -> ()
    "tpu.region"() ({
      %run_scoped3A = tpu.sem_alloc : memref<!tpu.dma_semaphore, #tpu.memory_space<semaphore_mem>>
      %dma_start3A_260 = arith.constant 0 : i32
      %dma_start3A_261 = tpu.memref_slice %arg7[%add3A, %dma_start3A_260] : memref<32x1024xf32, #tpu.memory_space<hbm>> -> memref<1x1024xf32, #tpu.memory_space<hbm>>
      %dma_start3A_262 = tpu.memref_squeeze %dma_start3A_261 : memref<1x1024xf32, #tpu.memory_space<hbm>> -> memref<1024xf32, #tpu.memory_space<hbm>>
      %dma_start3A_263 = arith.constant 0 : i32
      %dma_start3A_264 = tpu.memref_slice %arg7[%add3A, %dma_start3A_263] : memref<32x1024xf32, #tpu.memory_space<hbm>> -> memref<1x1024xf32, #tpu.memory_space<hbm>>
      %dma_start3A_265 = tpu.memref_squeeze %dma_start3A_264 : memref<1x1024xf32, #tpu.memory_space<hbm>> -> memref<1024xf32, #tpu.memory_space<hbm>>
      tpu.enqueue_dma source(%arg25 : memref<1024xf32, #tpu.memory_space<vmem>>) target(%dma_start3A_265 : memref<1024xf32, #tpu.memory_space<hbm>>) target_semaphore(%run_scoped3A : memref<!tpu.dma_semaphore, #tpu.memory_space<semaphore_mem>>)
      %dma_wait3A_266 = arith.constant 0 : i32
      %dma_wait3A_267 = tpu.memref_slice %arg7[%add3A, %dma_wait3A_266] : memref<32x1024xf32, #tpu.memory_space<hbm>> -> memref<1x1024xf32, #tpu.memory_space<hbm>>
      %dma_wait3A_268 = tpu.memref_squeeze %dma_wait3A_267 : memref<1x1024xf32, #tpu.memory_space<hbm>> -> memref<1024xf32, #tpu.memory_space<hbm>>
      %dma_wait3A_269 = arith.constant 0 : i32
      %dma_wait3A_270 = tpu.memref_slice %arg7[%add3A, %dma_wait3A_269] : memref<32x1024xf32, #tpu.memory_space<hbm>> -> memref<1x1024xf32, #tpu.memory_space<hbm>>
      %dma_wait3A_271 = tpu.memref_squeeze %dma_wait3A_270 : memref<1x1024xf32, #tpu.memory_space<hbm>> -> memref<1024xf32, #tpu.memory_space<hbm>>
      tpu.wait_dma2 semaphore(%run_scoped3A : memref<!tpu.dma_semaphore, #tpu.memory_space<semaphore_mem>>) src(%arg25 : memref<1024xf32, #tpu.memory_space<vmem>>) dst(%dma_wait3A_271 : memref<1024xf32, #tpu.memory_space<hbm>>)
      tpu.yield
    }) : () -> ()
    return
  }
}

module attributes {stable_mosaic.version = 14 : i64} {
  func.func @_finalize_body(%arg0: memref<32x1024xf32, #tpu.memory_space<vmem>>, %arg1: memref<32x1024xf32, #tpu.memory_space<vmem>>, %arg2: memref<1x1xf32, #tpu.memory_space<vmem>>) attributes {dimension_semantics = [], scalar_prefetch = 0 : i64, scratch_operands = 0 : i64, tpu.core_type = #tpu.core_type<tc>} {
    %get3A = arith.constant 0 : index
    %get3A_0 = arith.constant 0 : index
    %get3A_1 = vector.load %arg0[%get3A, %get3A_0] : memref<32x1024xf32, #tpu.memory_space<vmem>>, vector<32x1024xf32>
    %reduce_sum3A = arith.constant dense<0.000000e+00> : vector<1024xf32>
    %reduce_sum3A_2 = vector.multi_reduction <add>, %get3A_1, %reduce_sum3A [0] : vector<32x1024xf32> to vector<1024xf32>
    %broadcast_in_dim3A = vector.shape_cast %reduce_sum3A_2 : vector<1024xf32> to vector<1x1024xf32>
    %get3A_3 = arith.constant 0 : index
    %get3A_4 = arith.constant 0 : index
    %get3A_5 = vector.load %arg1[%get3A_3, %get3A_4] : memref<32x1024xf32, #tpu.memory_space<vmem>>, vector<32x1024xf32>
    %reduce_sum3A_6 = arith.constant dense<0.000000e+00> : vector<1024xf32>
    %reduce_sum3A_7 = vector.multi_reduction <add>, %get3A_5, %reduce_sum3A_6 [0] : vector<32x1024xf32> to vector<1024xf32>
    %broadcast_in_dim3A_8 = vector.shape_cast %reduce_sum3A_7 : vector<1024xf32> to vector<1x1024xf32>
    %iota3A = tpu.iota {dimensions = array<i32: 1>} : vector<1x1024xi32>
    %gt3A = arith.constant 0 : i32
    %gt3A_9 = vector.broadcast %gt3A : i32 to vector<1x1024xi32>
    %gt3A_10 = arith.cmpi sgt, %iota3A, %gt3A_9 : vector<1x1024xi32>
    %gt3A_11 = arith.constant 0.000000e+00 : f32
    %gt3A_12 = vector.broadcast %gt3A_11 : f32 to vector<1x1024xf32>
    %gt3A_13 = arith.cmpf ogt, %broadcast_in_dim3A_8, %gt3A_12 : vector<1x1024xf32>
    %and3A = arith.andi %gt3A_10, %gt3A_13 : vector<1x1024xi1>
    %jit3A = arith.constant 1.000000e+00 : f32
    %broadcast_in_dim3A_14 = vector.broadcast %jit3A : f32 to vector<1x1024xf32>
    %select_n3A = arith.select %and3A, %broadcast_in_dim3A_8, %broadcast_in_dim3A_14 : vector<1x1024xi1>, vector<1x1024xf32>
    %div3A = arith.divf %broadcast_in_dim3A, %select_n3A : vector<1x1024xf32>
    %jit3A_15 = arith.constant 0.000000e+00 : f32
    %broadcast_in_dim3A_16 = vector.broadcast %jit3A_15 : f32 to vector<1x1024xf32>
    %select_n3A_17 = arith.select %and3A, %div3A, %broadcast_in_dim3A_16 : vector<1x1024xi1>, vector<1x1024xf32>
    %reduce_sum3A_18 = vector.shape_cast %select_n3A_17 : vector<1x1024xf32> to vector<1x1x1024xf32>
    %reduce_sum3A_19 = arith.constant dense<0.000000e+00> : vector<1xf32>
    %reduce_sum3A_20 = vector.multi_reduction <add>, %reduce_sum3A_18, %reduce_sum3A_19 [1, 2] : vector<1x1x1024xf32> to vector<1xf32>
    %reduce_sum3A_21 = vector.shape_cast %reduce_sum3A_20 : vector<1xf32> to vector<1x1x1xf32>
    %reduce_sum3A_22 = vector.extract %reduce_sum3A_21[0, 0, 0] : f32 from vector<1x1x1xf32>
    %convert_element_type3A = arith.extui %and3A : vector<1x1024xi1> to vector<1x1024xi32>
    %convert_element_type3A_23 = arith.sitofp %convert_element_type3A : vector<1x1024xi32> to vector<1x1024xf32>
    %reduce_sum3A_24 = vector.shape_cast %convert_element_type3A_23 : vector<1x1024xf32> to vector<1x1x1024xf32>
    %reduce_sum3A_25 = arith.constant dense<0.000000e+00> : vector<1xf32>
    %reduce_sum3A_26 = vector.multi_reduction <add>, %reduce_sum3A_24, %reduce_sum3A_25 [1, 2] : vector<1x1x1024xf32> to vector<1xf32>
    %reduce_sum3A_27 = vector.shape_cast %reduce_sum3A_26 : vector<1xf32> to vector<1x1x1xf32>
    %reduce_sum3A_28 = vector.extract %reduce_sum3A_27[0, 0, 0] : f32 from vector<1x1x1xf32>
    %mul3A = arith.constant 1.000000e+02 : f32
    %mul3A_29 = arith.mulf %mul3A, %reduce_sum3A_22 : f32
    %div3A_30 = arith.divf %mul3A_29, %reduce_sum3A_28 : f32
    %reshape3A = vector.broadcast %div3A_30 : f32 to vector<1x1xf32>
    %swap3A = arith.constant 0 : index
    %swap3A_31 = arith.constant 0 : index
    %swap3A_32 = vector.load %arg2[%swap3A, %swap3A_31] : memref<1x1xf32, #tpu.memory_space<vmem>>, vector<1x1xf32>
    tpu.vector_store %arg2[%swap3A, %swap3A_31], %reshape3A {strides = array<i32>} : memref<1x1xf32, #tpu.memory_space<vmem>>, vector<1x1xf32>,
    return
  }
}

</mosaic_0001>

<sc_bundles>
// kernel: kernel.4.cloned.1.call-start
scs
__scs_entry_jumppad:
0x0: {  	(pc) =	sbr.rel $0x88, $3  }
0x1: {  	(tag) =	ssettag $0x0;
	lr =	simm.s32 $0x1  }
0x2: {  	[smem:$0x3F9D] =	sst lr;
	_ =	strace $0xD0000000  }
0x3: {  	_ = 	snop  }
0x4: {  	_ = 	snop  }
0x5: {  	_ = 	snop  }
0x6: {  	_ = 	snop  }
0x7: {  	_ = 	snop  }
__scs_overlays_trampoline_lowered:
0x8: {  	[smem:$0x3FAC] =	sst s0  }
0x9: {  	[smem:$0x3FAD] =	sst s1  }
0xa: {  	[smem:$0x3FAE] =	sst s2  }
0xb: {  	[smem:$0x3FAF] =	sst s3  }
0xc: {  	[smem:$0x3FB0] =	sst s4  }
0xd: {  	[smem:$0x3FB1] =	sst s5  }
0xe: {  	[smem:$0x3FB2] =	sst s6  }
0xf: {  	[smem:$0x3FB3] =	sst s7  }
0x10: {  	[smem:$0x3FB4] =	sst s8  }
0x11: {  	[smem:$0x3FB5] =	sst s9;
	s0 =	simm.s32 @!p0 $0x0  }
0x12: {  	s1 =	sld [smem:$0x3F9B];
	s0 =	simm.s32 @p0 $0x1  }
0x13: {  	[smem:$0x3FB6] =	sst s0;
	s0 =	simm.s32 @!p1 $0x0  }
0x14: {  	s2 =	sld [smem:$0x3F9A];
	s0 =	simm.s32 @p1 $0x1  }
0x15: {  	[smem:$0x3FB7] =	sst s0;
	s0 =	simm.s32 @!p2 $0x0  }
0x16: {  	s3 =	sld [smem:$0x3FDB];
	s0 =	simm.s32 @p2 $0x1  }
0x17: {  	s4 =	simm.s32 $0x1BF5;
	[smem:$0x3FB9] =	sst s0  }
0x18: {  	s0 =	sld [smem:$0x3F9C];
	_ =	swait.ge [sflag:s4], $0x0  }
0x19: {  	s7 =	sld [smem:$0x3F9D]  }
0x1a: {  	s8 =	sadd.s32 $0xFFFFE003, lr  }
0x1b: {  	s9 =	sadd.s32 $0xFFFFFEF7, lr;
	s5 =	simm.s32 $0xFFFFFFFF;
	p2 =	slt.u32 s8, $0xFFFFF086  }
0x1c: {  	p1 =	slt.u32 s9, $0xF7A;
	s5 =	simm.s32 @!p2 $0x0  }
0x1d: {  	s5 =	simm.s32 @p1 $0x1;
	p0 =	seq.s32 s7, s2  }
0x1e: {  	s7 =	smul.u32 @!p0 $0xF7A, s2;
	p2 =	seq.s32 @!p0 s5, $0x0  }
0x1f: {  	s9 =	smul.u32 $0xF7A, s1;
	s8 =	simm.s32 @!p0 $0x1BF5;
	p2 =	por !p2, p0  }
0x20: {  	[sflag:s8] =	ssyncset.s32 @!p0 $0xFFFFF086;
	s6 =	sadd.s32 @!p0 s3, s7;
	s7 =	simm.s32 @!p0 $0x108  }
0x21: {  	s3 =	sadd.s32 s3, s9;
	s6 =	sadd.s32 @!p0 $0x88, s6;
	s7 =	simm.s32 @p2 $0x1082  }
0x22: {  	[simem:s7], [sflag:s8] =	dma.local @!p0 [hbm:s6], $0xF7A  }
0x23: {  	s9 =	sor.u32 $0xD0000000, s2;
	s6 =	simm.s32 $0x108;
	_ =	swait.ge @!p0 [sflag:s8], $0x0  }
0x24: {  	s3 =	sadd.s32 $0x88, s3;
	s6 =	simm.s32 @!p1 $0x1082;
	[sflag:s4] =	ssyncset.s32 $0xFFFFF086  }
0x25: {  	[simem:s6], [sflag:s4] =	dma.local [hbm:s3], $0xF7A  }
0x26: {  	[smem:$0x3F9D] =	sst s1;
	(tag) =	ssettag s2;
	_ =	strace s9  }
0x27: {  	s1 =	sld [smem:$0x3FAD]  }
0x28: {  	s2 =	sld [smem:$0x3FAE]  }
0x29: {  	s4 =	sld [smem:$0x3FB0]  }
0x2a: {  	p0 =	seq.s32 s5, $0x0;
	s5 =	sld [smem:$0x3FB1]  }
0x2b: {  	s6 =	sld [smem:$0x3FB2]  }
0x2c: {  	s7 =	sld [smem:$0x3FB3]  }
0x2d: {  	s3 =	simm.s32 $0x108;
	s8 =	sld [smem:$0x3FB4]  }
0x2e: {  	s3 =	simm.s32 @!p0 $0x1082;
	s9 =	sld [smem:$0x3FB5]  }
0x2f: {  	lr =	sadd.s32 s0, s3;
	s0 =	sld [smem:$0x3FAC]  }
0x30: {  	s3 =	sld [smem:$0x3FAF]  }
0x31: {  	[smem:$0x3FB8] =	sst s10  }
0x32: {  	s10 =	sld [smem:$0x3FB6];
	_ =	sdelay $0x3  }
0x33: {  	p0 =	seq.s32 s10, $0x1;
	s10 =	sld [smem:$0x3FB8];
	_ =	sdelay $0x3  }
0x34: {  	[smem:$0x3FB8] =	sst s10  }
0x35: {  	s10 =	sld [smem:$0x3FB7];
	_ =	sdelay $0x3  }
0x36: {  	p1 =	seq.s32 s10, $0x1;
	s10 =	sld [smem:$0x3FB8];
	_ =	sdelay $0x3  }
0x37: {  	[smem:$0x3FB8] =	sst s10  }
0x38: {  	s10 =	sld [smem:$0x3FB9]  }
0x39: {  	_ = 	snop;
	(pc) =	sbr.ind lr, $3  }
0x3a: {  	_ = 	snop  }
0x3b: {  	_ = 	snop  }
0x3c: {  	p2 =	seq.s32 s10, $0x1;
	s10 =	sld [smem:$0x3FB8]  }
0x3d: {  	_ =	shalt  }
0x3e: {  	_ =	shalt  }
0x3f: {  	_ =	shalt  }
0x40: {  	_ =	shalt  }
0x41: {  	_ =	shalt  }
0x42: {  	_ =	shalt  }
0x43: {  	_ =	shalt  }
0x44: {  	_ =	shalt  }
0x45: {  	_ =	shalt  }
0x46: {  	_ =	shalt  }
0x47: {  	_ =	shalt  }
0x48: {  	_ =	shalt  }
0x49: {  	_ =	shalt  }
0x4a: {  	_ =	shalt  }
0x4b: {  	_ =	shalt  }
0x4c: {  	_ =	shalt  }
0x4d: {  	_ =	shalt  }
0x4e: {  	_ =	shalt  }
0x4f: {  	_ =	shalt  }
0x50: {  	_ =	shalt  }
0x51: {  	_ =	shalt  }
0x52: {  	_ =	shalt  }
0x53: {  	_ =	shalt  }
0x54: {  	_ =	shalt  }
0x55: {  	_ =	shalt  }
0x56: {  	_ =	shalt  }
0x57: {  	_ =	shalt  }
0x58: {  	_ =	shalt  }
0x59: {  	_ =	shalt  }
0x5a: {  	_ =	shalt  }
0x5b: {  	_ =	shalt  }
0x5c: {  	_ =	shalt  }
0x5d: {  	_ =	shalt  }
0x5e: {  	_ =	shalt  }
0x5f: {  	_ =	shalt  }
0x60: {  	_ =	shalt  }
0x61: {  	_ =	shalt  }
0x62: {  	_ =	shalt  }
0x63: {  	_ =	shalt  }
0x64: {  	_ =	shalt  }
0x65: {  	_ =	shalt  }
0x66: {  	_ =	shalt  }
0x67: {  	_ =	shalt  }
0x68: {  	_ =	shalt  }
0x69: {  	_ =	shalt  }
0x6a: {  	_ =	shalt  }
0x6b: {  	_ =	shalt  }
0x6c: {  	_ =	shalt  }
0x6d: {  	_ =	shalt  }
0x6e: {  	_ =	shalt  }
0x6f: {  	_ =	shalt  }
0x70: {  	_ =	shalt  }
0x71: {  	_ =	shalt  }
0x72: {  	_ =	shalt  }
0x73: {  	_ =	shalt  }
0x74: {  	_ =	shalt  }
0x75: {  	_ =	shalt  }
0x76: {  	_ =	shalt  }
0x77: {  	_ =	shalt  }
0x78: {  	_ =	shalt  }
0x79: {  	_ =	shalt  }
0x7a: {  	_ =	shalt  }
0x7b: {  	_ =	shalt  }
0x7c: {  	_ =	shalt  }
0x7d: {  	_ =	shalt  }
0x7e: {  	_ =	shalt  }
0x7f: {  	_ =	shalt  }
0x80: {  	_ =	shalt  }
0x81: {  	_ =	shalt  }
0x82: {  	_ =	shalt  }
0x83: {  	_ =	shalt  }
0x84: {  	_ =	shalt  }
0x85: {  	_ =	shalt  }
0x86: {  	_ =	shalt  }
0x87: {  	_ =	shalt  }
.Lfunc_end0:
.L_simem_size_0:
called_computation_lowered:
.L_overlay_start_0:
0x88: {  	s2 =	sld [smem:$0x3FD9]  }
0x89: {  	s3 =	sld [smem:$0x3FFE];
	_ =	sdelay $0x1  }
0x8a: {  	s1 =	srdreg.scid  }
0x8b: {  	s0 =	sand.u32 $0x1, s1  }
0x8c: {  	s17 =	sshll.u32 s0, $0xA;
	s2 =	sadd.s32 s3, s2  }
0x8d: {  	s2 =	sadd.s32 s2, s17  }
0x8e: {  	[smem:$0x3FC4] =	sst s2  }
0x8f: {  	_ = 	snop  }
0x90: {  	s2 =	sld [smem:$0x3FC9]  }
0x91: {  	s18 =	sld [smem:$0x3FC8]  }
0x92: {  	s4 =	sld [smem:$0x3FC7]  }
0x93: {  	s5 =	sld [smem:$0x3FC6];
	(tm) =	ssettm $0x1  }
0x94: {  	s6 =	sld [smem:$0x3FFB];
	_ =	sdelay $0x3  }
0x95: {  	_ =	strace s6  }
0x96: {  	s6 =	sld [smem:$0x3FFC];
	_ =	sdelay $0x3  }
0x97: {  	_ =	strace s6  }
0x98: {  	s6 =	sld [smem:$0x3FFD];
	_ =	sdelay $0x3  }
0x99: {  	_ =	strace s6  }
0x9a: {  	_ =	strace $0x8FFFFFFF  }
0x9b: {  	s19 =	sld [smem:$0x3FDB];
	_ =	sdelay $0x1  }
0x9c: {  	s7 =	simm.s32 $_scs_section_size  }
0x9d: {  	s8 =	simm.s32 $_size__tile_overlayer_lowered;
	s9 =	simm.s32 $_tile_overlayer_lowered  }
0x9e: {  	s22 =	simm.s32 $0x1BFF;
	s21 =	sshll.u32 s9, $0x1;
	s6 =	sadd.s32 s7, s19  }
0x9f: {  	s10 =	simm.s32 $0x0;
	s20 =	sshll.u32 s8, $0x1;
	s8 =	sadd.s32 s21, s6  }
0xa0: {  	[timem:s10], [sflag:s22] =	dma.local [hbm:s8], s20  }
0xa1: {  	_ =	swait.ge [sflag:s22], s20  }
0xa2: {  	s7 =	ssub.s32 $0x0, s20;
	[sflag:s22] =	ssyncset.done $0x0  }
0xa3: {  	[sflag:s22] =	ssyncadd.s32 s7;
	_ =	sdelay $0x1  }
0xa4: {  	s23 =	simm.s32 $0x1B8B  }
0xa5: {  	_ =	swait.ge [sflag:s23], $0x1  }
0xa6: {  	[sflag:s23] =	ssyncset.done $0x0  }
0xa7: {  	s25 =	simm.s32 $0x1B8E;
	s24 =	sld [smem:$0x3FFE];
	[sflag:s23] =	ssyncadd.s32 $0xFFFFFFFF  }
0xa8: {  	s26 =	simm.s32 $execute0_lowered;
	[smem:$0x3FD2] =	sst s25  }
0xa9: {  	s8 =	sshll.u32 s26, $0x1;
	_ =	strace $0x80000046;
	[dreg:$0x1] =	wrdreg $0xFFFFFFFF  }
0xaa: {  	s28 =	simm.s32 $_size_execute0_lowered;
	s6 =	sadd.s32 s6, s8;
	[dreg:$0x0] =	wrdreg $0x0  }
0xab: {  	s8 =	sshll.u32 s28, $0x1;
	[dreg:$0x2] =	wrdreg s6  }
0xac: {  	[dreg:$0x3] =	wrdreg s8  }
0xad: {  	[dreg:$0x4] =	wrdreg $0xC0  }
0xae: {  	_ =	task [dreg:s10], $0x5FFFF  }
0xaf: {  	[dreg:$0x1] =	wrdreg $0xFFFFFFFF  }
0xb0: {  	[dreg:$0x0] =	wrdreg $0x60  }
0xb1: {  	[dreg:$0x2] =	wrdreg s2  }
0xb2: {  	[dreg:$0x3] =	wrdreg s4  }
0xb3: {  	[dreg:$0x4] =	wrdreg s18  }
0xb4: {  	[dreg:$0x5] =	wrdreg s5  }
0xb5: {  	[dreg:$0x6] =	wrdreg s24  }
0xb6: {  	[dreg:$0x7] =	wrdreg $0x9  }
0xb7: {  	_ =	task.clear_ibuf [dreg:s10], $0x8FFFF;
	_ =	strace $0x90000046  }
0xb8: {  	s29 =	simm.s32 $0x9;
	_ =	strace $0x80000048  }
0xb9: {  	_ =	swait.ge [sflag:s29], $0x1  }
0xba: {  	[sflag:s29] =	ssyncadd.s32 $0xFFFFFFFF  }
0xbb: {  	_ =	strace $0x90000048  }
0xbc: {  	_ =	sfence  }
0xbd: {  	s30 =	sld [smem:$0x0];
	_ =	sdelay $0x2  }
0xbe: {  	s31 =	sshll.u32 s1, $0xD;
	s1 =	sshrl.u32 s1, $0x2  }
0xbf: {  	s3 =	sand.u32 $0x4000, s31;
	s1 =	sadd.s32 s1, s30  }
0xc0: {  	s0 =	sor.u32 s3, s0;
	s1 =	sshll.u32 s1, $0x11  }
0xc1: {  	s0 =	sor.u32 s1, s0  }
0xc2: {  	s0 =	sadd.s32 $0x8F2B, s0  }
0xc3: {  	[sflag:s0] =	ssyncadd.remote.s32 $0x1  }
0xc4: {  	_ =	sfence.sel $0xFFFF  }
0xc5: {  	[dreg:$0x0] =	wrdreg $0xFFFFFFFF;
	(pc) =	sbr.abs _section_cstart, $3  }
0xc6: {  	[dreg:$0x1] =	wrdreg $0xFFFFFFFF  }
0xc7: {  	_ =	task.clear_ibuf [dreg:s10], $0x2FFFF;
	_ =	strace $0x9FFFFFFF  }
0xc8: {  	(tm) =	ssettm $0x7FFFFFFF  }
0xc9: {  	_ =	shalt  }
tec
execute0_lowered:
.L_overlay_start_1:
0x0: {  	(tag) =	ssettag $0x1  }
0x1: {  	s5 =	rddreg [dreg:$0x0]  }
0x2: {  	s6 =	rddreg [dreg:$0x1]  }
0x3: {  	s7 =	rddreg [dreg:$0x2]  }
0x4: {  	s8 =	rddreg [dreg:$0x3]  }
0x5: {  	s0 =	rddreg [dreg:$0x4];
	s1 =	srdreg.scid  }
0x6: {  	s2 =	simm.s32 $0x0;
	s9 =	stileid.u32;
	s1 =	sand.u32 $0x1, s1  }
0x7: {  	[smem:$0x7FF] =	sst s2;
	s3 =	sshll.u32 s1, $0x4;
	s1 =	ssub.s32 $0x2, s1  }
0x8: {  	_ =	strace $0x80000047;
	s3 =	sor.u32 s9, s3;
	s10 =	sshrl.u32 s1, $0x1  }
0x9: {  	s9 =	sshll.u32 s9, $0x4;
	s4 =	sshll.u32 s3, $0x7;
	s10 =	ssub.s32 s1, s10  }
0xa: {  	s18 =	sshll.u32 s3, $0x8;
	p0 =	sgt.u32 s3, $0x13;
	p1 =	sne.s32 s3, $0x14  }
0xb: {  	s4 =	sor.u32 s9, s4;
	s9 =	sshll.u32 s3, $0xB;
	s13 =	sadd.s32 s8, s18  }
0xc: {  	s4 =	sand.u32 $0xC70, s4;
	s11 =	sor.u32 $0x70000, s9;
	s19 =	sor.u32 $0x10000, s9  }
0xd: {  	s23 =	sor.u32 $0x20000, s9;
	s25 =	sor.u32 $0x30000, s9;
	s30 =	sor.u32 $0x40000, s9  }
0xe: {  	s12 =	sadd.s32 s4, s0;
	s17 =	sshrl.u32 s11, $0x3;
	s31 =	sadd.s32 s5, s11  }
0xf: {  	s20 =	sadd.s32 s6, s11;
	s11 =	sadd.s32 s7, s18;
	s14 =	sadd.s32 s5, s19  }
0x10: {  	s15 =	sadd.s32 s6, s19;
	s22 =	sshrl.u32 s19, $0x3;
	s24 =	sshrl.u32 s23, $0x3  }
0x11: {  	s18 =	sadd.s32 s5, s23;
	s19 =	sadd.s32 s6, s23;
	s26 =	sadd.s32 s5, s25  }
0x12: {  	s28 =	sshrl.u32 s25, $0x3;
	s0 =	sadd.s32 s6, s25;
	s3 =	sadd.s32 s5, s30  }
0x13: {  	s23 =	sshrl.u32 s30, $0x3;
	s25 =	sor.u32 $0x50000, s9;
	[dreg:$0x6] =	wrdreg s26  }
0x14: {  	s4 =	sadd.s32 s7, s17;
	s21 =	sadd.s32 s8, s17;
	[dreg:$0x7] =	wrdreg s0  }
0x15: {  	s16 =	sadd.s32 s7, s22;
	s29 =	sadd.s32 s7, s28;
	[dreg:$0xa] =	wrdreg s3  }
0x16: {  	s17 =	sadd.s32 s8, s22;
	s1 =	sadd.s32 s8, s28;
	[dreg:$0x8] =	wrdreg s29  }
0x17: {  	s22 =	sadd.s32 s7, s24;
	s0 =	sadd.s32 s6, s30;
	[dreg:$0x9] =	wrdreg s1  }
0x18: {  	s2 =	sadd.s32 s8, s24;
	s24 =	sadd.s32 s7, s23;
	[dreg:$0xb] =	wrdreg s0  }
0x19: {  	s26 =	sadd.s32 s5, s25;
	s28 =	sshrl.u32 s25, $0x3;
	[dreg:$0xc] =	wrdreg s24  }
0x1a: {  	s30 =	sadd.s32 s5, s9;
	s3 =	smov.u32 s13;
	[dreg:$0xe] =	wrdreg s26  }
0x1b: {  	s1 =	sadd.s32 s8, s23;
	s0 =	sadd.s32 s6, s25;
	[dreg:$0x12] =	wrdreg s30  }
0x1c: {  	s29 =	sadd.s32 s7, s28;
	s13 =	smov.u32 s22;
	[dreg:$0xd] =	wrdreg s1  }
0x1d: {  	s30 =	smax.u32 s10, $0x1;
	s10 =	simm.s32 $0x8800;
	[dreg:$0xf] =	wrdreg s0  }
0x1e: {  	s22 =	simm.s32 $0x4;
	s0 =	smov.u32 s4;
	[dreg:$0x10] =	wrdreg s29  }
0x1f: {  	s1 =	sadd.s32 s8, s28;
	s4 =	sadd.s32 s6, s9;
	[dreg:$0x1e] =	wrdreg s30  }
0x20: {  	s28 =	sadd.s32 $0xC00, s12;
	s29 =	sadd.s32 $0x1C00, s12;
	[dreg:$0x11] =	wrdreg s1  }
0x21: {  	s12 =	smov.u32 s19;
	s19 =	simm.s32 $0x3;
	[dreg:$0x13] =	wrdreg s4  }
0x22: {  	s1 =	smov.u32 s11;
	s11 =	smov.u32 s18;
	[dreg:$0x1c] =	wrdreg s28  }
0x23: {  	s18 =	sor.u32 $0x60000, s9;
	[dreg:$0x1d] =	wrdreg s29;
	s9 =	simm.s32 $0x8000  }
0x24: {  	s23 =	sadd.s32 s5, s18;
	s24 =	sadd.s32 s6, s18;
	s25 =	sshrl.u32 s18, $0x3  }
0x25: {  	s5 =	sadd.s32 $0x7A000, s5;
	s6 =	sadd.s32 $0x7A000, s6;
	[dreg:$0x14] =	wrdreg s23  }
0x26: {  	s18 =	simm.s32 $0x2;
	[dreg:$0x15] =	wrdreg s24;
	s26 =	sadd.s32 s7, s25  }
0x27: {  	s4 =	sadd.s32 s8, s25;
	[dreg:$0x18] =	wrdreg s5;
	s5 =	smov.u32 s15  }
0x28: {  	[dreg:$0x19] =	wrdreg s6;
	s6 =	smov.u32 s16;
	s7 =	sadd.s32 $0xF400, s7  }
.Ltmp0:
0x29: {  	s8 =	sadd.s32 $0xF400, s8;
	s15 =	simm.s32 $0x1;
	(pc) =	sbr.rel .LBB2_1-.Ltmp0, $4  }
0x2a: {  	s16 =	simm.s32 $0x1CB00;
	s23 =	simm.s32 $0x0;
	[dreg:$0x16] =	wrdreg s26  }
0x2b: {  	[dreg:$0x17] =	wrdreg s4;
	s4 =	smov.u32 s14;
	s14 =	smov.u32 s2  }
0x2c: {  	s2 =	simm.s32 $0x0;
	[dreg:$0x1a] =	wrdreg s7;
	s7 =	smov.u32 s17  }
0x2d: {  	v0 =	vimm.f32 $0.0e+00;
	v1 =	vimm.s32 $0x0;
	[dreg:$0x1b] =	wrdreg s8;
	s8 =	simm.s32 $0x4000;
	s17 =	simm.s32 $0x1CF00  }
.LBB2_24:
0x2e: {  	v6 =	vld [tilespmem:s30+$0x1BC80]  }
0x2f: {  	v7 =	vld [tilespmem:s30+$0x1B100];
	s26 =	sor.u32 s31, s26  }
0x30: {  	v8 =	vld [tilespmem:s30+$0x1BD00];
	s26 =	sor.u32 $0x180, s26  }
0x31: {  	v9 =	vld [tilespmem:s26+$0x1B000]  }
0x32: {  	v10 =	vld [tilespmem:s26+$0x1BC00]  }
0x33: {  	v3 =	vsub.f32 v4, v3;
	v57 =	vld [tilespmem:s30+$0x1BE00];
	s24 =	sadd.s32 $0x10, s24;
	v56 =	vsub.f32 v5, v6  }
0x34: {  	s30 =	sadd.s32 $0x10, s25;
	v58 =	vld [tilespmem:s24+$0x0]  }
0x35: {  	v59 =	vld [tilespmem:s30+$0x0];
	v3 =	vmul.f32 v3, v3;
	v7 =	vsub.f32 v7, v8;
	v4 =	vmul.f32 v56, v56;
	_ =	sdelay $0x1  }
0x36: {  	v60 =	vmul.f32 v7, v7;
	v61 =	vsub.f32 v9, v10;
	v3 =	vadd.f32 v4, v3;
	_ =	sdelay $0x1  }
0x37: {  	v2 =	vsub.f32 v2, v57;
	v62 =	vmul.f32 v61, v61;
	v3 =	vadd.f32 v60, v3  }
0x38: {  	vm0 =	vgt.s32 v59, $0x0;
	vm1 =	vgt.s32 v58, $0x0  }
0x39: {  	v2 =	vmul.f32 v2, v2;
	vm0 =	vmand vm1, vm0;
	v3 =	vadd.f32 v62, v3  }
0x3a: {  	v63 =	vnsel vm0, $0x0, v58  }
0x3b: {  	v2 =	vadd.f32 v2, v3  }
0x3c: {  	s31 =	smov.u32 s20;
	s20 =	smov.u32 s0;
	s0 =	smov.u32 s21;
	v3 =	vsel vm0, $0x3F800000, v1  }
0x3d: {  	s21 =	smov.u32 s1;
	s1 =	smov.u32 s3;
	s3 =	smov.u32 s4;
	v2 =	vmul.f32 v3, v2  }
0x3e: {  	s4 =	smov.u32 s5;
	s5 =	smov.u32 s6;
	s6 =	smov.u32 s7  }
0x3f: {  	s7 =	smov.u32 s11;
	s11 =	smov.u32 s12;
	s12 =	smov.u32 s13;
	[tilespmem:v63+s16+$0x0] =	vst.idx.add.f32.msk $0xffff, v2  }
0x40: {  	s13 =	smov.u32 s14;
	s14 =	smov.u32 s2;
	s2 =	simm.s32 $0x0;
	[tilespmem:v63+s17+$0x0] =	vst.idx.add.f32.msk $0xffff, v3  }
.LBB2_25:
0x41: {  	s24 =	rddreg [dreg:$0x1c];
	s25 =	simm.s32 $0x80;
	s26 =	simm.s32 $0x400  }
0x42: {  	[hbm4b:s24+s25] =	stream.strided.scatter [tilespmem:s16], [sflag:$0x4], $0x400, s26, s25, $0x38;
	[tilespmem:$0x1D300] =	vst v63  }
0x43: {  	_ =	swait.ge [sflag:s22], $0x400  }
0x44: {  	[sflag:s22] =	ssyncset.done $0x0  }
0x45: {  	s29 =	rddreg [dreg:$0x1d];
	[sflag:s22] =	ssyncadd.s32 $0xFFFFFC00  }
0x46: {  	[hbm4b:s29+s25] =	stream.strided.scatter [tilespmem:s17], [sflag:$0x4], $0x400, s26, s25, $0x38;
	[tilespmem:$0x1D300] =	vst v63  }
0x47: {  	_ =	swait.ge [sflag:s22], $0x400  }
0x48: {  	s23 =	sadd.s32 $0x1, s23;
	s30 =	rddreg [dreg:$0x1e]  }
0x49: {  	p2 =	sne.s32 s23, s30  }
.Ltmp1:
0x4a: {  	_ = 	snop;
	(pc) =	sbr.rel @!p2 .LBB2_26-.Ltmp1, $3  }
0x4b: {  	_ =	sdelay $0x1  }
0x4c: {  	[sflag:s22] =	ssyncset.done $0x0  }
0x4d: {  	[sflag:s22] =	ssyncadd.s32 $0xFFFFFC00  }
.LBB2_1:
0x4e: {  	s24 =	simm.s32 @!p0 $0x0;
	s25 =	simm.s32 @!p0 $0x12000  }
0x4f: {  	[tilespmem:s25], [sflag:$0x3] =	stream.linear.gather @!p0 [hbm4b:s31+s24], $0x4000, $0x38;
	[tilespmem:$0x1D300] =	vst v63  }
0x50: {  	s25 =	simm.s32 @!p0 $0x16000  }
0x51: {  	[tilespmem:s25], [sflag:$0x3] =	stream.linear.gather @!p0 [hbm4b:s20+s24], $0x4000, $0x38;
	[tilespmem:$0x1D300] =	vst v63  }
0x52: {  	s25 =	simm.s32 @!p0 $0x1A000  }
0x53: {  	[tilespmem:s25], [sflag:$0x3] =	stream.linear.gather @!p0 [hbm4b:s0+s24], $0x800, $0x38;
	[tilespmem:$0x1D300] =	vst v63  }
0x54: {  	s25 =	simm.s32 @!p0 $0x1A800  }
0x55: {  	[tilespmem:s25], [sflag:$0x3] =	stream.linear.gather @!p0 [hbm4b:s21+s24], $0x800, $0x38;
	[tilespmem:$0x1D300] =	vst v63  }
0x56: {  	s29 =	rddreg [dreg:$0x12]  }
0x57: {  	[tilespmem:s2], [sflag:$0x1] =	stream.linear.gather [hbm4b:s29+s2], $0x4000, $0x38;
	[tilespmem:$0x1D300] =	vst v63  }
0x58: {  	s30 =	rddreg [dreg:$0x13]  }
0x59: {  	[tilespmem:s8], [sflag:$0x1] =	stream.linear.gather [hbm4b:s30+s2], $0x4000, $0x38;
	[tilespmem:$0x1D300] =	vst v63  }
0x5a: {  	_ = 	snop  }
0x5b: {  	[tilespmem:s9], [sflag:$0x1] =	stream.linear.gather [hbm4b:s1+s2], $0x800, $0x38;
	[tilespmem:$0x1D300] =	vst v63  }
0x5c: {  	s24 =	simm.s32 $0x40;
	s25 =	simm.s32 $0x0  }
0x5d: {  	[tilespmem:s10], [sflag:$0x1] =	stream.linear.gather [hbm4b:s3+s2], $0x800, $0x38;
	[tilespmem:$0x1D300] =	vst v63  }
.LBB2_2:
0x5e: {  	p2 =	sne.s32 s24, $0xFC0;
	[tilespmem:s25+$0x1CB00] =	vst v0;
	s26 =	smov.u32 s24;
	s24 =	sadd.s32 $0x40, s24  }
.Ltmp2:
0x5f: {  	[tilespmem:s25+$0x1CF00] =	vst v0;
	(pc) =	sbr.rel @p2 .LBB2_2-.Ltmp2, $2  }
0x60: {  	_ =	sdelay $0x2  }
0x61: {  	s25 =	sshra.s32 s26, $0x2  }
0x62: {  	[tilespmem:s25+$0x1CB00] =	vst v0  }
0x63: {  	[tilespmem:s25+$0x1CF00] =	vst v0;
	s24 =	simm.s32 $0x0;
	s30 =	simm.s32 $0x9000  }
0x64: {  	[tilespmem:s30], [sflag:$0x2] =	stream.linear.gather [hbm4b:s4+s24], $0x4000, $0x38;
	[tilespmem:$0x1D300] =	vst v63  }
0x65: {  	s26 =	simm.s32 $0xD000  }
0x66: {  	[tilespmem:s26], [sflag:$0x2] =	stream.linear.gather [hbm4b:s5+s24], $0x4000, $0x38;
	[tilespmem:$0x1D300] =	vst v63  }
0x67: {  	s30 =	simm.s32 $0x11000  }
0x68: {  	[tilespmem:s30], [sflag:$0x2] =	stream.linear.gather [hbm4b:s6+s24], $0x800, $0x38;
	[tilespmem:$0x1D300] =	vst v63  }
0x69: {  	s26 =	simm.s32 $0x11800  }
0x6a: {  	[tilespmem:s26], [sflag:$0x2] =	stream.linear.gather [hbm4b:s7+s24], $0x800, $0x38;
	[tilespmem:$0x1D300] =	vst v63  }
0x6b: {  	_ =	swait.ge [sflag:s15], $0x4000  }
0x6c: {  	[sflag:s15] =	ssyncset.done $0x0  }
0x6d: {  	[sflag:s15] =	ssyncadd.s32 $0xFFFFC000  }
0x6e: {  	_ =	swait.ge [sflag:s15], $0x4000  }
0x6f: {  	[sflag:s15] =	ssyncset.done $0x0  }
0x70: {  	[sflag:s15] =	ssyncadd.s32 $0xFFFFC000  }
0x71: {  	_ =	swait.ge [sflag:s15], $0x800  }
0x72: {  	[sflag:s15] =	ssyncset.done $0x0  }
0x73: {  	[sflag:s15] =	ssyncadd.s32 $0xFFFFF800  }
0x74: {  	_ =	swait.ge [sflag:s15], $0x800  }
0x75: {  	s30 =	sand.u32 $0x70, s24;
	s24 =	sand.u32 $0x3C00, s24;
	[sflag:s15] =	ssyncset.done $0x0  }
0x76: {  	s25 =	sor.u32 s30, s24;
	[sflag:s15] =	ssyncadd.s32 $0xFFFFF800  }
0x77: {  	v2 =	vld [tilespmem:s25+$0x200]  }
0x78: {  	v3 =	vld [tilespmem:s25+$0x4000]  }
0x79: {  	v4 =	vld [tilespmem:s25+$0x0]  }
0x7a: {  	v5 =	vld [tilespmem:s25+$0x80]  }
0x7b: {  	v6 =	vld [tilespmem:s25+$0x4080]  }
0x7c: {  	v7 =	vld [tilespmem:s25+$0x100]  }
0x7d: {  	v8 =	vld [tilespmem:s25+$0x4100]  }
0x7e: {  	v9 =	vld [tilespmem:s25+$0x180]  }
0x7f: {  	v10 =	vld [tilespmem:s25+$0x4180]  }
0x80: {  	s24 =	simm.s32 $0x8000;
	v3 =	vsub.f32 v4, v3;
	v4 =	vsub.f32 v5, v6;
	v5 =	vld [tilespmem:s25+$0x4200]  }
0x81: {  	s25 =	simm.s32 $0x8800;
	v6 =	vld [tilespmem:s24+$0x0]  }
0x82: {  	v7 =	vsub.f32 v7, v8;
	v63 =	vld [tilespmem:s25+$0x0];
	v3 =	vmul.f32 v3, v3;
	v4 =	vmul.f32 v4, v4;
	_ =	sdelay $0x1  }
0x83: {  	v3 =	vadd.f32 v4, v3;
	v4 =	vmul.f32 v7, v7;
	v7 =	vsub.f32 v9, v10;
	_ =	sdelay $0x1  }
0x84: {  	v2 =	vsub.f32 v2, v5;
	v3 =	vadd.f32 v4, v3;
	v4 =	vmul.f32 v7, v7  }
0x85: {  	vm1 =	vgt.s32 v6, $0x0;
	vm0 =	vgt.s32 v63, $0x0  }
0x86: {  	v2 =	vmul.f32 v2, v2;
	vm0 =	vmand vm1, vm0;
	v3 =	vadd.f32 v4, v3  }
0x87: {  	v4 =	vnsel vm0, $0x0, v6  }
0x88: {  	v2 =	vadd.f32 v2, v3  }
0x89: {  	v3 =	vsel vm0, $0x3F800000, v1  }
0x8a: {  	v2 =	vmul.f32 v3, v2  }
0x8b: {  	s28 =	simm.s32 $0x10;
	s26 =	simm.s32 $0x80  }
0x8c: {  	s28 =	sand.u32 $0x70, s28;
	s29 =	sand.u32 $0x3C00, s26;
	[tilespmem:v4+s16+$0x0] =	vst.idx.add.f32.msk $0xffff, v2  }
0x8d: {  	s29 =	sor.u32 s28, s29;
	[tilespmem:v4+s17+$0x0] =	vst.idx.add.f32.msk $0xffff, v3  }
0x8e: {  	v2 =	vld [tilespmem:s29+$0x200]  }
0x8f: {  	v3 =	vld [tilespmem:s29+$0x4000]  }
0x90: {  	v4 =	vld [tilespmem:s29+$0x0]  }
0x91: {  	s28 =	simm.s32 $0x20;
	v5 =	vld [tilespmem:s29+$0x80]  }
.LBB2_4:
0x92: {  	p2 =	sne.s32 s28, $0x7F0;
	v6 =	vld [tilespmem:s29+$0x4080]  }
0x93: {  	v7 =	vld [tilespmem:s29+$0x100]  }
0x94: {  	v8 =	vld [tilespmem:s29+$0x4100]  }
0x95: {  	v9 =	vld [tilespmem:s29+$0x180]  }
0x96: {  	v10 =	vld [tilespmem:s29+$0x4180]  }
0x97: {  	s24 =	sadd.s32 $0x10, s24;
	v3 =	vsub.f32 v4, v3;
	v4 =	vsub.f32 v5, v6;
	v5 =	vld [tilespmem:s29+$0x4200]  }
0x98: {  	s25 =	sadd.s32 $0x10, s25;
	v6 =	vld [tilespmem:s24+$0x0]  }
0x99: {  	v3 =	vmul.f32 v3, v3;
	v4 =	vmul.f32 v4, v4;
	v7 =	vsub.f32 v7, v8;
	v8 =	vld [tilespmem:s25+$0x0];
	_ =	sdelay $0x1  }
0x9a: {  	v3 =	vadd.f32 v4, v3;
	v4 =	vmul.f32 v7, v7;
	v7 =	vsub.f32 v9, v10;
	_ =	sdelay $0x1  }
0x9b: {  	v2 =	vsub.f32 v2, v5;
	v3 =	vadd.f32 v4, v3;
	v4 =	vmul.f32 v7, v7  }
0x9c: {  	vm1 =	vgt.s32 v6, $0x0;
	vm0 =	vgt.s32 v8, $0x0  }
0x9d: {  	v2 =	vmul.f32 v2, v2;
	v3 =	vadd.f32 v4, v3;
	vm0 =	vmand vm1, vm0  }
0x9e: {  	v4 =	vnsel vm0, $0x0, v6  }
0x9f: {  	v2 =	vadd.f32 v2, v3  }
0xa0: {  	v3 =	vsel vm0, $0x3F800000, v1  }
0xa1: {  	v2 =	vmul.f32 v3, v2  }
0xa2: {  	s26 =	sadd.s32 $0x80, s26  }
0xa3: {  	s30 =	sand.u32 $0x3C00, s26;
	s29 =	sand.u32 $0x70, s28;
	[tilespmem:v4+s16+$0x0] =	vst.idx.add.f32.msk $0xffff, v2  }
.Ltmp3:
0xa4: {  	s29 =	sor.u32 s29, s30;
	[tilespmem:v4+s17+$0x0] =	vst.idx.add.f32.msk $0xffff, v3;
	(pc) =	sbr.rel @p2 .LBB2_4-.Ltmp3, $4  }
0xa5: {  	v2 =	vld [tilespmem:s29+$0x200]  }
0xa6: {  	v3 =	vld [tilespmem:s29+$0x4000]  }
0xa7: {  	v4 =	vld [tilespmem:s29+$0x0]  }
0xa8: {  	s28 =	sadd.s32 $0x10, s28;
	v5 =	vld [tilespmem:s29+$0x80]  }
0xa9: {  	v6 =	vld [tilespmem:s29+$0x4080]  }
0xaa: {  	v7 =	vld [tilespmem:s29+$0x100]  }
0xab: {  	v8 =	vld [tilespmem:s29+$0x4100]  }
0xac: {  	v9 =	vld [tilespmem:s29+$0x180]  }
0xad: {  	v10 =	vld [tilespmem:s29+$0x4180];
	s25 =	sadd.s32 $0x10, s25  }
0xae: {  	v59 =	vld [tilespmem:s25+$0x0];
	v3 =	vsub.f32 v4, v3;
	v4 =	vsub.f32 v5, v6  }
0xaf: {  	s24 =	sadd.s32 $0x10, s24;
	v5 =	vld [tilespmem:s29+$0x4200]  }
0xb0: {  	v6 =	vld [tilespmem:s24+$0x0];
	v3 =	vmul.f32 v3, v3;
	v7 =	vsub.f32 v7, v8;
	v4 =	vmul.f32 v4, v4;
	_ =	sdelay $0x1  }
0xb1: {  	v3 =	vadd.f32 v4, v3;
	v4 =	vmul.f32 v7, v7;
	v7 =	vsub.f32 v9, v10;
	_ =	sdelay $0x1  }
0xb2: {  	v2 =	vsub.f32 v2, v5;
	v3 =	vadd.f32 v4, v3;
	v4 =	vmul.f32 v7, v7  }
0xb3: {  	vm0 =	vgt.s32 v59, $0x0;
	vm1 =	vgt.s32 v6, $0x0  }
0xb4: {  	vm0 =	vmand vm1, vm0;
	v2 =	vmul.f32 v2, v2;
	v3 =	vadd.f32 v4, v3  }
0xb5: {  	v4 =	vnsel vm0, $0x0, v6  }
0xb6: {  	v2 =	vadd.f32 v2, v3  }
0xb7: {  	v3 =	vsel vm0, $0x3F800000, v1  }
0xb8: {  	v2 =	vmul.f32 v3, v2;
	_ =	sdelay $0x1  }
0xb9: {  	[tilespmem:v4+s16+$0x0] =	vst.idx.add.f32.msk $0xffff, v2  }
0xba: {  	s26 =	simm.s32 $0x0;
	[tilespmem:v4+s17+$0x0] =	vst.idx.add.f32.msk $0xffff, v3  }
0xbb: {  	[tilespmem:s26], [sflag:$0x1] =	stream.linear.gather [hbm4b:s11+s26], $0x4000, $0x38;
	[tilespmem:$0x1D300] =	vst v63  }
0xbc: {  	_ = 	snop  }
0xbd: {  	[tilespmem:s8], [sflag:$0x1] =	stream.linear.gather [hbm4b:s12+s26], $0x4000, $0x38;
	[tilespmem:$0x1D300] =	vst v63  }
0xbe: {  	_ = 	snop  }
0xbf: {  	[tilespmem:s9], [sflag:$0x1] =	stream.linear.gather [hbm4b:s13+s26], $0x800, $0x38;
	[tilespmem:$0x1D300] =	vst v63  }
0xc0: {  	_ = 	snop  }
0xc1: {  	[tilespmem:s10], [sflag:$0x1] =	stream.linear.gather [hbm4b:s14+s26], $0x800, $0x38;
	[tilespmem:$0x1D300] =	vst v63  }
0xc2: {  	_ =	swait.ge [sflag:s18], $0x4000  }
0xc3: {  	[sflag:s18] =	ssyncset.done $0x0  }
0xc4: {  	[sflag:s18] =	ssyncadd.s32 $0xFFFFC000  }
0xc5: {  	_ =	swait.ge [sflag:s18], $0x4000  }
0xc6: {  	[sflag:s18] =	ssyncset.done $0x0  }
0xc7: {  	[sflag:s18] =	ssyncadd.s32 $0xFFFFC000  }
0xc8: {  	_ =	swait.ge [sflag:s18], $0x800  }
0xc9: {  	[sflag:s18] =	ssyncset.done $0x0  }
0xca: {  	[sflag:s18] =	ssyncadd.s32 $0xFFFFF800  }
0xcb: {  	_ =	swait.ge [sflag:s18], $0x800  }
0xcc: {  	s30 =	sand.u32 $0x70, s26;
	s24 =	sand.u32 $0x3C00, s26;
	[sflag:s18] =	ssyncset.done $0x0  }
0xcd: {  	s25 =	sor.u32 s30, s24;
	[sflag:s18] =	ssyncadd.s32 $0xFFFFF800  }
0xce: {  	v2 =	vld [tilespmem:s25+$0x9200]  }
0xcf: {  	v3 =	vld [tilespmem:s25+$0xD000]  }
0xd0: {  	v4 =	vld [tilespmem:s25+$0x9000]  }
0xd1: {  	v5 =	vld [tilespmem:s25+$0x9080]  }
0xd2: {  	v6 =	vld [tilespmem:s25+$0xD080]  }
0xd3: {  	v7 =	vld [tilespmem:s25+$0x9100]  }
0xd4: {  	v60 =	vld [tilespmem:s25+$0xD100]  }
0xd5: {  	v61 =	vld [tilespmem:s25+$0x9180]  }
0xd6: {  	v62 =	vld [tilespmem:s25+$0xD180]  }
0xd7: {  	s24 =	simm.s32 $0x11000;
	v3 =	vsub.f32 v4, v3;
	v4 =	vsub.f32 v5, v6;
	v5 =	vld [tilespmem:s25+$0xD200]  }
0xd8: {  	s25 =	simm.s32 $0x11800;
	v6 =	vld [tilespmem:s24+$0x0]  }
0xd9: {  	v7 =	vsub.f32 v7, v60;
	v63 =	vld [tilespmem:s25+$0x0];
	v3 =	vmul.f32 v3, v3;
	v4 =	vmul.f32 v4, v4;
	_ =	sdelay $0x1  }
0xda: {  	v3 =	vadd.f32 v4, v3;
	v4 =	vmul.f32 v7, v7;
	v7 =	vsub.f32 v61, v62;
	_ =	sdelay $0x1  }
0xdb: {  	v2 =	vsub.f32 v2, v5;
	v3 =	vadd.f32 v4, v3;
	v4 =	vmul.f32 v7, v7  }
0xdc: {  	vm15 =	vgt.s32 v6, $0x0;
	vm14 =	vgt.s32 v63, $0x0  }
0xdd: {  	v2 =	vmul.f32 v2, v2;
	vm0 =	vmand vm15, vm14;
	v3 =	vadd.f32 v4, v3  }
0xde: {  	v4 =	vnsel vm0, $0x0, v6  }
0xdf: {  	v2 =	vadd.f32 v2, v3  }
0xe0: {  	v3 =	vsel vm0, $0x3F800000, v1  }
0xe1: {  	v2 =	vmul.f32 v3, v2  }
0xe2: {  	s28 =	simm.s32 $0x10;
	s26 =	simm.s32 $0x80  }
0xe3: {  	s28 =	sand.u32 $0x70, s28;
	s29 =	sand.u32 $0x3C00, s26;
	[tilespmem:v4+s16+$0x0] =	vst.idx.add.f32.msk $0xffff, v2  }
0xe4: {  	s29 =	sor.u32 s28, s29;
	[tilespmem:v4+s17+$0x0] =	vst.idx.add.f32.msk $0xffff, v3  }
0xe5: {  	v2 =	vld [tilespmem:s29+$0x9200]  }
0xe6: {  	v3 =	vld [tilespmem:s29+$0xD000]  }
0xe7: {  	v4 =	vld [tilespmem:s29+$0x9000]  }
0xe8: {  	s28 =	simm.s32 $0x20;
	v5 =	vld [tilespmem:s29+$0x9080]  }
.LBB2_6:
0xe9: {  	p2 =	sne.s32 s28, $0x7F0;
	v6 =	vld [tilespmem:s29+$0xD080]  }
0xea: {  	v7 =	vld [tilespmem:s29+$0x9100]  }
0xeb: {  	v8 =	vld [tilespmem:s29+$0xD100]  }
0xec: {  	v9 =	vld [tilespmem:s29+$0x9180]  }
0xed: {  	v10 =	vld [tilespmem:s29+$0xD180]  }
0xee: {  	s24 =	sadd.s32 $0x10, s24;
	v3 =	vsub.f32 v4, v3;
	v4 =	vsub.f32 v5, v6;
	v5 =	vld [tilespmem:s29+$0xD200]  }
0xef: {  	s25 =	sadd.s32 $0x10, s25;
	v6 =	vld [tilespmem:s24+$0x0]  }
0xf0: {  	v3 =	vmul.f32 v3, v3;
	v4 =	vmul.f32 v4, v4;
	v7 =	vsub.f32 v7, v8;
	v8 =	vld [tilespmem:s25+$0x0];
	_ =	sdelay $0x1  }
0xf1: {  	v3 =	vadd.f32 v4, v3;
	v4 =	vmul.f32 v7, v7;
	v7 =	vsub.f32 v9, v10;
	_ =	sdelay $0x1  }
0xf2: {  	v2 =	vsub.f32 v2, v5;
	v3 =	vadd.f32 v4, v3;
	v4 =	vmul.f32 v7, v7  }
0xf3: {  	vm1 =	vgt.s32 v6, $0x0;
	vm0 =	vgt.s32 v8, $0x0  }
0xf4: {  	v2 =	vmul.f32 v2, v2;
	v3 =	vadd.f32 v4, v3;
	vm0 =	vmand vm1, vm0  }
0xf5: {  	v4 =	vnsel vm0, $0x0, v6  }
0xf6: {  	v2 =	vadd.f32 v2, v3  }
0xf7: {  	v3 =	vsel vm0, $0x3F800000, v1  }
0xf8: {  	v2 =	vmul.f32 v3, v2  }
0xf9: {  	s26 =	sadd.s32 $0x80, s26  }
0xfa: {  	s30 =	sand.u32 $0x3C00, s26;
	s29 =	sand.u32 $0x70, s28;
	[tilespmem:v4+s16+$0x0] =	vst.idx.add.f32.msk $0xffff, v2  }
.Ltmp4:
0xfb: {  	s29 =	sor.u32 s29, s30;
	[tilespmem:v4+s17+$0x0] =	vst.idx.add.f32.msk $0xffff, v3;
	(pc) =	sbr.rel @p2 .LBB2_6-.Ltmp4, $4  }
0xfc: {  	v2 =	vld [tilespmem:s29+$0x9200]  }
0xfd: {  	v3 =	vld [tilespmem:s29+$0xD000]  }
0xfe: {  	v4 =	vld [tilespmem:s29+$0x9000]  }
0xff: {  	s28 =	sadd.s32 $0x10, s28;
	v5 =	vld [tilespmem:s29+$0x9080]  }
0x100: {  	v6 =	vld [tilespmem:s29+$0xD080]  }
0x101: {  	v7 =	vld [tilespmem:s29+$0x9100]  }
0x102: {  	v8 =	vld [tilespmem:s29+$0xD100]  }
0x103: {  	v9 =	vld [tilespmem:s29+$0x9180]  }
0x104: {  	v10 =	vld [tilespmem:s29+$0xD180];
	s26 =	sadd.s32 $0x10, s25  }
0x105: {  	v59 =	vld [tilespmem:s26+$0x0];
	v3 =	vsub.f32 v4, v3;
	v4 =	vsub.f32 v5, v6  }
0x106: {  	s24 =	sadd.s32 $0x10, s24;
	v5 =	vld [tilespmem:s29+$0xD200]  }
0x107: {  	v6 =	vld [tilespmem:s24+$0x0];
	v3 =	vmul.f32 v3, v3;
	v7 =	vsub.f32 v7, v8;
	v4 =	vmul.f32 v4, v4;
	_ =	sdelay $0x1  }
0x108: {  	v3 =	vadd.f32 v4, v3;
	v4 =	vmul.f32 v7, v7;
	v7 =	vsub.f32 v9, v10;
	_ =	sdelay $0x1  }
0x109: {  	v2 =	vsub.f32 v2, v5;
	v3 =	vadd.f32 v4, v3;
	v4 =	vmul.f32 v7, v7  }
0x10a: {  	vm0 =	vgt.s32 v59, $0x0;
	vm1 =	vgt.s32 v6, $0x0  }
0x10b: {  	vm0 =	vmand vm1, vm0;
	v2 =	vmul.f32 v2, v2;
	v3 =	vadd.f32 v4, v3  }
0x10c: {  	v4 =	vnsel vm0, $0x0, v6  }
0x10d: {  	v2 =	vadd.f32 v2, v3  }
0x10e: {  	v3 =	vsel vm0, $0x3F800000, v1  }
0x10f: {  	v2 =	vmul.f32 v3, v2;
	_ =	sdelay $0x1  }
0x110: {  	[tilespmem:v4+s16+$0x0] =	vst.idx.add.f32.msk $0xffff, v2  }
0x111: {  	s30 =	rddreg [dreg:$0x6];
	s26 =	simm.s32 $0x9000;
	s24 =	simm.s32 $0x0;
	[tilespmem:v4+s17+$0x0] =	vst.idx.add.f32.msk $0xffff, v3  }
0x112: {  	[tilespmem:s26], [sflag:$0x2] =	stream.linear.gather [hbm4b:s30+s24], $0x4000, $0x38;
	[tilespmem:$0x1D300] =	vst v63  }
0x113: {  	s26 =	rddreg [dreg:$0x7];
	s30 =	simm.s32 $0xD000  }
0x114: {  	[tilespmem:s30], [sflag:$0x2] =	stream.linear.gather [hbm4b:s26+s24], $0x4000, $0x38;
	[tilespmem:$0x1D300] =	vst v63  }
0x115: {  	s26 =	rddreg [dreg:$0x8];
	s30 =	simm.s32 $0x11000  }
0x116: {  	[tilespmem:s30], [sflag:$0x2] =	stream.linear.gather [hbm4b:s26+s24], $0x800, $0x38;
	[tilespmem:$0x1D300] =	vst v63  }
0x117: {  	s26 =	rddreg [dreg:$0x9];
	s30 =	simm.s32 $0x11800  }
0x118: {  	[tilespmem:s30], [sflag:$0x2] =	stream.linear.gather [hbm4b:s26+s24], $0x800, $0x38;
	[tilespmem:$0x1D300] =	vst v63  }
0x119: {  	_ =	swait.ge [sflag:s15], $0x4000  }
0x11a: {  	[sflag:s15] =	ssyncset.done $0x0  }
0x11b: {  	[sflag:s15] =	ssyncadd.s32 $0xFFFFC000  }
0x11c: {  	_ =	swait.ge [sflag:s15], $0x4000  }
0x11d: {  	[sflag:s15] =	ssyncset.done $0x0  }
0x11e: {  	[sflag:s15] =	ssyncadd.s32 $0xFFFFC000  }
0x11f: {  	_ =	swait.ge [sflag:s15], $0x800  }
0x120: {  	[sflag:s15] =	ssyncset.done $0x0  }
0x121: {  	[sflag:s15] =	ssyncadd.s32 $0xFFFFF800  }
0x122: {  	_ =	swait.ge [sflag:s15], $0x800  }
0x123: {  	s30 =	sand.u32 $0x70, s24;
	s24 =	sand.u32 $0x3C00, s24;
	[sflag:s15] =	ssyncset.done $0x0  }
0x124: {  	s25 =	sor.u32 s30, s24;
	[sflag:s15] =	ssyncadd.s32 $0xFFFFF800  }
0x125: {  	v2 =	vld [tilespmem:s25+$0x200]  }
0x126: {  	v3 =	vld [tilespmem:s25+$0x4000]  }
0x127: {  	v4 =	vld [tilespmem:s25+$0x0]  }
0x128: {  	v5 =	vld [tilespmem:s25+$0x80]  }
0x129: {  	v6 =	vld [tilespmem:s25+$0x4080]  }
0x12a: {  	v7 =	vld [tilespmem:s25+$0x100]  }
0x12b: {  	v60 =	vld [tilespmem:s25+$0x4100]  }
0x12c: {  	v61 =	vld [tilespmem:s25+$0x180]  }
0x12d: {  	v62 =	vld [tilespmem:s25+$0x4180]  }
0x12e: {  	s24 =	simm.s32 $0x8000;
	v3 =	vsub.f32 v4, v3;
	v4 =	vsub.f32 v5, v6;
	v5 =	vld [tilespmem:s25+$0x4200]  }
0x12f: {  	s25 =	simm.s32 $0x8800;
	v6 =	vld [tilespmem:s24+$0x0]  }
0x130: {  	v7 =	vsub.f32 v7, v60;
	v63 =	vld [tilespmem:s25+$0x0];
	v3 =	vmul.f32 v3, v3;
	v4 =	vmul.f32 v4, v4;
	_ =	sdelay $0x1  }
0x131: {  	v3 =	vadd.f32 v4, v3;
	v4 =	vmul.f32 v7, v7;
	v7 =	vsub.f32 v61, v62;
	_ =	sdelay $0x1  }
0x132: {  	v2 =	vsub.f32 v2, v5;
	v3 =	vadd.f32 v4, v3;
	v4 =	vmul.f32 v7, v7  }
0x133: {  	vm15 =	vgt.s32 v6, $0x0;
	vm14 =	vgt.s32 v63, $0x0  }
0x134: {  	v2 =	vmul.f32 v2, v2;
	vm0 =	vmand vm15, vm14;
	v3 =	vadd.f32 v4, v3  }
0x135: {  	v4 =	vnsel vm0, $0x0, v6  }
0x136: {  	v2 =	vadd.f32 v2, v3  }
0x137: {  	v3 =	vsel vm0, $0x3F800000, v1  }
0x138: {  	v2 =	vmul.f32 v3, v2  }
0x139: {  	s28 =	simm.s32 $0x10;
	s26 =	simm.s32 $0x80  }
0x13a: {  	s28 =	sand.u32 $0x70, s28;
	s29 =	sand.u32 $0x3C00, s26;
	[tilespmem:v4+s16+$0x0] =	vst.idx.add.f32.msk $0xffff, v2  }
0x13b: {  	s29 =	sor.u32 s28, s29;
	[tilespmem:v4+s17+$0x0] =	vst.idx.add.f32.msk $0xffff, v3  }
0x13c: {  	v2 =	vld [tilespmem:s29+$0x200]  }
0x13d: {  	v3 =	vld [tilespmem:s29+$0x4000]  }
0x13e: {  	v4 =	vld [tilespmem:s29+$0x0]  }
0x13f: {  	s28 =	simm.s32 $0x20;
	v5 =	vld [tilespmem:s29+$0x80]  }
.LBB2_8:
0x140: {  	p2 =	sne.s32 s28, $0x7F0;
	v6 =	vld [tilespmem:s29+$0x4080]  }
0x141: {  	v7 =	vld [tilespmem:s29+$0x100]  }
0x142: {  	v8 =	vld [tilespmem:s29+$0x4100]  }
0x143: {  	v9 =	vld [tilespmem:s29+$0x180]  }
0x144: {  	v10 =	vld [tilespmem:s29+$0x4180]  }
0x145: {  	s24 =	sadd.s32 $0x10, s24;
	v3 =	vsub.f32 v4, v3;
	v4 =	vsub.f32 v5, v6;
	v5 =	vld [tilespmem:s29+$0x4200]  }
0x146: {  	s25 =	sadd.s32 $0x10, s25;
	v6 =	vld [tilespmem:s24+$0x0]  }
0x147: {  	v3 =	vmul.f32 v3, v3;
	v4 =	vmul.f32 v4, v4;
	v7 =	vsub.f32 v7, v8;
	v8 =	vld [tilespmem:s25+$0x0];
	_ =	sdelay $0x1  }
0x148: {  	v3 =	vadd.f32 v4, v3;
	v4 =	vmul.f32 v7, v7;
	v7 =	vsub.f32 v9, v10;
	_ =	sdelay $0x1  }
0x149: {  	v2 =	vsub.f32 v2, v5;
	v3 =	vadd.f32 v4, v3;
	v4 =	vmul.f32 v7, v7  }
0x14a: {  	vm1 =	vgt.s32 v6, $0x0;
	vm0 =	vgt.s32 v8, $0x0  }
0x14b: {  	v2 =	vmul.f32 v2, v2;
	v3 =	vadd.f32 v4, v3;
	vm0 =	vmand vm1, vm0  }
0x14c: {  	v4 =	vnsel vm0, $0x0, v6  }
0x14d: {  	v2 =	vadd.f32 v2, v3  }
0x14e: {  	v3 =	vsel vm0, $0x3F800000, v1  }
0x14f: {  	v2 =	vmul.f32 v3, v2  }
0x150: {  	s26 =	sadd.s32 $0x80, s26  }
0x151: {  	s30 =	sand.u32 $0x3C00, s26;
	s29 =	sand.u32 $0x70, s28;
	[tilespmem:v4+s16+$0x0] =	vst.idx.add.f32.msk $0xffff, v2  }
.Ltmp5:
0x152: {  	s29 =	sor.u32 s29, s30;
	[tilespmem:v4+s17+$0x0] =	vst.idx.add.f32.msk $0xffff, v3;
	(pc) =	sbr.rel @p2 .LBB2_8-.Ltmp5, $4  }
0x153: {  	v2 =	vld [tilespmem:s29+$0x200]  }
0x154: {  	v3 =	vld [tilespmem:s29+$0x4000]  }
0x155: {  	v4 =	vld [tilespmem:s29+$0x0]  }
0x156: {  	s28 =	sadd.s32 $0x10, s28;
	v5 =	vld [tilespmem:s29+$0x80]  }
0x157: {  	v6 =	vld [tilespmem:s29+$0x4080]  }
0x158: {  	v7 =	vld [tilespmem:s29+$0x100]  }
0x159: {  	v8 =	vld [tilespmem:s29+$0x4100]  }
0x15a: {  	v9 =	vld [tilespmem:s29+$0x180]  }
0x15b: {  	v10 =	vld [tilespmem:s29+$0x4180];
	s26 =	sadd.s32 $0x10, s25  }
0x15c: {  	v59 =	vld [tilespmem:s26+$0x0];
	v3 =	vsub.f32 v4, v3;
	v4 =	vsub.f32 v5, v6  }
0x15d: {  	s24 =	sadd.s32 $0x10, s24;
	v5 =	vld [tilespmem:s29+$0x4200]  }
0x15e: {  	v6 =	vld [tilespmem:s24+$0x0];
	v3 =	vmul.f32 v3, v3;
	v7 =	vsub.f32 v7, v8;
	v4 =	vmul.f32 v4, v4;
	_ =	sdelay $0x1  }
0x15f: {  	v3 =	vadd.f32 v4, v3;
	v4 =	vmul.f32 v7, v7;
	v7 =	vsub.f32 v9, v10;
	_ =	sdelay $0x1  }
0x160: {  	v2 =	vsub.f32 v2, v5;
	v3 =	vadd.f32 v4, v3;
	v4 =	vmul.f32 v7, v7  }
0x161: {  	vm0 =	vgt.s32 v59, $0x0;
	vm1 =	vgt.s32 v6, $0x0  }
0x162: {  	vm0 =	vmand vm1, vm0;
	v2 =	vmul.f32 v2, v2;
	v3 =	vadd.f32 v4, v3  }
0x163: {  	v4 =	vnsel vm0, $0x0, v6  }
0x164: {  	v2 =	vadd.f32 v2, v3  }
0x165: {  	v3 =	vsel vm0, $0x3F800000, v1  }
0x166: {  	v2 =	vmul.f32 v3, v2;
	_ =	sdelay $0x1  }
0x167: {  	[tilespmem:v4+s16+$0x0] =	vst.idx.add.f32.msk $0xffff, v2  }
0x168: {  	s30 =	rddreg [dreg:$0xa];
	s24 =	simm.s32 $0x0;
	[tilespmem:v4+s17+$0x0] =	vst.idx.add.f32.msk $0xffff, v3  }
0x169: {  	[tilespmem:s24], [sflag:$0x1] =	stream.linear.gather [hbm4b:s30+s24], $0x4000, $0x38;
	[tilespmem:$0x1D300] =	vst v63  }
0x16a: {  	s26 =	rddreg [dreg:$0xb]  }
0x16b: {  	[tilespmem:s8], [sflag:$0x1] =	stream.linear.gather [hbm4b:s26+s24], $0x4000, $0x38;
	[tilespmem:$0x1D300] =	vst v63  }
0x16c: {  	s30 =	rddreg [dreg:$0xc]  }
0x16d: {  	[tilespmem:s9], [sflag:$0x1] =	stream.linear.gather [hbm4b:s30+s24], $0x800, $0x38;
	[tilespmem:$0x1D300] =	vst v63  }
0x16e: {  	s26 =	rddreg [dreg:$0xd]  }
0x16f: {  	[tilespmem:s10], [sflag:$0x1] =	stream.linear.gather [hbm4b:s26+s24], $0x800, $0x38;
	[tilespmem:$0x1D300] =	vst v63  }
0x170: {  	_ =	swait.ge [sflag:s18], $0x4000  }
0x171: {  	[sflag:s18] =	ssyncset.done $0x0  }
0x172: {  	[sflag:s18] =	ssyncadd.s32 $0xFFFFC000  }
0x173: {  	_ =	swait.ge [sflag:s18], $0x4000  }
0x174: {  	[sflag:s18] =	ssyncset.done $0x0  }
0x175: {  	[sflag:s18] =	ssyncadd.s32 $0xFFFFC000  }
0x176: {  	_ =	swait.ge [sflag:s18], $0x800  }
0x177: {  	[sflag:s18] =	ssyncset.done $0x0  }
0x178: {  	[sflag:s18] =	ssyncadd.s32 $0xFFFFF800  }
0x179: {  	_ =	swait.ge [sflag:s18], $0x800  }
0x17a: {  	s30 =	sand.u32 $0x70, s24;
	s24 =	sand.u32 $0x3C00, s24;
	[sflag:s18] =	ssyncset.done $0x0  }
0x17b: {  	s25 =	sor.u32 s30, s24;
	[sflag:s18] =	ssyncadd.s32 $0xFFFFF800  }
0x17c: {  	v2 =	vld [tilespmem:s25+$0x9200]  }
0x17d: {  	v3 =	vld [tilespmem:s25+$0xD000]  }
0x17e: {  	v4 =	vld [tilespmem:s25+$0x9000]  }
0x17f: {  	v5 =	vld [tilespmem:s25+$0x9080]  }
0x180: {  	v6 =	vld [tilespmem:s25+$0xD080]  }
0x181: {  	v7 =	vld [tilespmem:s25+$0x9100]  }
0x182: {  	v60 =	vld [tilespmem:s25+$0xD100]  }
0x183: {  	v61 =	vld [tilespmem:s25+$0x9180]  }
0x184: {  	v62 =	vld [tilespmem:s25+$0xD180]  }
0x185: {  	s24 =	simm.s32 $0x11000;
	v3 =	vsub.f32 v4, v3;
	v4 =	vsub.f32 v5, v6;
	v5 =	vld [tilespmem:s25+$0xD200]  }
0x186: {  	s25 =	simm.s32 $0x11800;
	v6 =	vld [tilespmem:s24+$0x0]  }
0x187: {  	v7 =	vsub.f32 v7, v60;
	v63 =	vld [tilespmem:s25+$0x0];
	v3 =	vmul.f32 v3, v3;
	v4 =	vmul.f32 v4, v4;
	_ =	sdelay $0x1  }
0x188: {  	v3 =	vadd.f32 v4, v3;
	v4 =	vmul.f32 v7, v7;
	v7 =	vsub.f32 v61, v62;
	_ =	sdelay $0x1  }
0x189: {  	v2 =	vsub.f32 v2, v5;
	v3 =	vadd.f32 v4, v3;
	v4 =	vmul.f32 v7, v7  }
0x18a: {  	vm15 =	vgt.s32 v6, $0x0;
	vm14 =	vgt.s32 v63, $0x0  }
0x18b: {  	v2 =	vmul.f32 v2, v2;
	vm0 =	vmand vm15, vm14;
	v3 =	vadd.f32 v4, v3  }
0x18c: {  	v4 =	vnsel vm0, $0x0, v6  }
0x18d: {  	v2 =	vadd.f32 v2, v3  }
0x18e: {  	v3 =	vsel vm0, $0x3F800000, v1  }
0x18f: {  	v2 =	vmul.f32 v3, v2  }
0x190: {  	s28 =	simm.s32 $0x10;
	s26 =	simm.s32 $0x80  }
0x191: {  	s28 =	sand.u32 $0x70, s28;
	s29 =	sand.u32 $0x3C00, s26;
	[tilespmem:v4+s16+$0x0] =	vst.idx.add.f32.msk $0xffff, v2  }
0x192: {  	s29 =	sor.u32 s28, s29;
	[tilespmem:v4+s17+$0x0] =	vst.idx.add.f32.msk $0xffff, v3  }
0x193: {  	v2 =	vld [tilespmem:s29+$0x9200]  }
0x194: {  	v3 =	vld [tilespmem:s29+$0xD000]  }
0x195: {  	v4 =	vld [tilespmem:s29+$0x9000]  }
0x196: {  	s28 =	simm.s32 $0x20;
	v5 =	vld [tilespmem:s29+$0x9080]  }
.LBB2_10:
0x197: {  	p2 =	sne.s32 s28, $0x7F0;
	v6 =	vld [tilespmem:s29+$0xD080]  }
0x198: {  	v7 =	vld [tilespmem:s29+$0x9100]  }
0x199: {  	v8 =	vld [tilespmem:s29+$0xD100]  }
0x19a: {  	v9 =	vld [tilespmem:s29+$0x9180]  }
0x19b: {  	v10 =	vld [tilespmem:s29+$0xD180]  }
0x19c: {  	s24 =	sadd.s32 $0x10, s24;
	v3 =	vsub.f32 v4, v3;
	v4 =	vsub.f32 v5, v6;
	v5 =	vld [tilespmem:s29+$0xD200]  }
0x19d: {  	s25 =	sadd.s32 $0x10, s25;
	v6 =	vld [tilespmem:s24+$0x0]  }
0x19e: {  	v3 =	vmul.f32 v3, v3;
	v4 =	vmul.f32 v4, v4;
	v7 =	vsub.f32 v7, v8;
	v8 =	vld [tilespmem:s25+$0x0];
	_ =	sdelay $0x1  }
0x19f: {  	v3 =	vadd.f32 v4, v3;
	v4 =	vmul.f32 v7, v7;
	v7 =	vsub.f32 v9, v10;
	_ =	sdelay $0x1  }
0x1a0: {  	v2 =	vsub.f32 v2, v5;
	v3 =	vadd.f32 v4, v3;
	v4 =	vmul.f32 v7, v7  }
0x1a1: {  	vm1 =	vgt.s32 v6, $0x0;
	vm0 =	vgt.s32 v8, $0x0  }
0x1a2: {  	v2 =	vmul.f32 v2, v2;
	v3 =	vadd.f32 v4, v3;
	vm0 =	vmand vm1, vm0  }
0x1a3: {  	v4 =	vnsel vm0, $0x0, v6  }
0x1a4: {  	v2 =	vadd.f32 v2, v3  }
0x1a5: {  	v3 =	vsel vm0, $0x3F800000, v1  }
0x1a6: {  	v2 =	vmul.f32 v3, v2  }
0x1a7: {  	s26 =	sadd.s32 $0x80, s26  }
0x1a8: {  	s30 =	sand.u32 $0x3C00, s26;
	s29 =	sand.u32 $0x70, s28;
	[tilespmem:v4+s16+$0x0] =	vst.idx.add.f32.msk $0xffff, v2  }
.Ltmp6:
0x1a9: {  	s29 =	sor.u32 s29, s30;
	[tilespmem:v4+s17+$0x0] =	vst.idx.add.f32.msk $0xffff, v3;
	(pc) =	sbr.rel @p2 .LBB2_10-.Ltmp6, $4  }
0x1aa: {  	v2 =	vld [tilespmem:s29+$0x9200]  }
0x1ab: {  	v3 =	vld [tilespmem:s29+$0xD000]  }
0x1ac: {  	v4 =	vld [tilespmem:s29+$0x9000]  }
0x1ad: {  	s28 =	sadd.s32 $0x10, s28;
	v5 =	vld [tilespmem:s29+$0x9080]  }
0x1ae: {  	v6 =	vld [tilespmem:s29+$0xD080]  }
0x1af: {  	v7 =	vld [tilespmem:s29+$0x9100]  }
0x1b0: {  	v8 =	vld [tilespmem:s29+$0xD100]  }
0x1b1: {  	v9 =	vld [tilespmem:s29+$0x9180]  }
0x1b2: {  	v10 =	vld [tilespmem:s29+$0xD180];
	s26 =	sadd.s32 $0x10, s25  }
0x1b3: {  	v59 =	vld [tilespmem:s26+$0x0];
	v3 =	vsub.f32 v4, v3;
	v4 =	vsub.f32 v5, v6  }
0x1b4: {  	s24 =	sadd.s32 $0x10, s24;
	v5 =	vld [tilespmem:s29+$0xD200]  }
0x1b5: {  	v6 =	vld [tilespmem:s24+$0x0];
	v3 =	vmul.f32 v3, v3;
	v7 =	vsub.f32 v7, v8;
	v4 =	vmul.f32 v4, v4;
	_ =	sdelay $0x1  }
0x1b6: {  	v3 =	vadd.f32 v4, v3;
	v4 =	vmul.f32 v7, v7;
	v7 =	vsub.f32 v9, v10;
	_ =	sdelay $0x1  }
0x1b7: {  	v2 =	vsub.f32 v2, v5;
	v3 =	vadd.f32 v4, v3;
	v4 =	vmul.f32 v7, v7  }
0x1b8: {  	vm0 =	vgt.s32 v59, $0x0;
	vm1 =	vgt.s32 v6, $0x0  }
0x1b9: {  	vm0 =	vmand vm1, vm0;
	v2 =	vmul.f32 v2, v2;
	v3 =	vadd.f32 v4, v3  }
0x1ba: {  	v4 =	vnsel vm0, $0x0, v6  }
0x1bb: {  	v2 =	vadd.f32 v2, v3  }
0x1bc: {  	v3 =	vsel vm0, $0x3F800000, v1  }
0x1bd: {  	v2 =	vmul.f32 v3, v2;
	_ =	sdelay $0x1  }
0x1be: {  	[tilespmem:v4+s16+$0x0] =	vst.idx.add.f32.msk $0xffff, v2  }
0x1bf: {  	s30 =	rddreg [dreg:$0xe];
	s26 =	simm.s32 $0x9000;
	s24 =	simm.s32 $0x0;
	[tilespmem:v4+s17+$0x0] =	vst.idx.add.f32.msk $0xffff, v3  }
0x1c0: {  	[tilespmem:s26], [sflag:$0x2] =	stream.linear.gather [hbm4b:s30+s24], $0x4000, $0x38;
	[tilespmem:$0x1D300] =	vst v63  }
0x1c1: {  	s26 =	rddreg [dreg:$0xf];
	s30 =	simm.s32 $0xD000  }
0x1c2: {  	[tilespmem:s30], [sflag:$0x2] =	stream.linear.gather [hbm4b:s26+s24], $0x4000, $0x38;
	[tilespmem:$0x1D300] =	vst v63  }
0x1c3: {  	s26 =	rddreg [dreg:$0x10];
	s30 =	simm.s32 $0x11000  }
0x1c4: {  	[tilespmem:s30], [sflag:$0x2] =	stream.linear.gather [hbm4b:s26+s24], $0x800, $0x38;
	[tilespmem:$0x1D300] =	vst v63  }
0x1c5: {  	s26 =	rddreg [dreg:$0x11];
	s30 =	simm.s32 $0x11800  }
0x1c6: {  	[tilespmem:s30], [sflag:$0x2] =	stream.linear.gather [hbm4b:s26+s24], $0x800, $0x38;
	[tilespmem:$0x1D300] =	vst v63  }
0x1c7: {  	_ =	swait.ge [sflag:s15], $0x4000  }
0x1c8: {  	[sflag:s15] =	ssyncset.done $0x0  }
0x1c9: {  	[sflag:s15] =	ssyncadd.s32 $0xFFFFC000  }
0x1ca: {  	_ =	swait.ge [sflag:s15], $0x4000  }
0x1cb: {  	[sflag:s15] =	ssyncset.done $0x0  }
0x1cc: {  	[sflag:s15] =	ssyncadd.s32 $0xFFFFC000  }
0x1cd: {  	_ =	swait.ge [sflag:s15], $0x800  }
0x1ce: {  	[sflag:s15] =	ssyncset.done $0x0  }
0x1cf: {  	[sflag:s15] =	ssyncadd.s32 $0xFFFFF800  }
0x1d0: {  	_ =	swait.ge [sflag:s15], $0x800  }
0x1d1: {  	s30 =	sand.u32 $0x70, s24;
	s24 =	sand.u32 $0x3C00, s24;
	[sflag:s15] =	ssyncset.done $0x0  }
0x1d2: {  	s25 =	sor.u32 s30, s24;
	[sflag:s15] =	ssyncadd.s32 $0xFFFFF800  }
0x1d3: {  	v2 =	vld [tilespmem:s25+$0x200]  }
0x1d4: {  	v3 =	vld [tilespmem:s25+$0x4000]  }
0x1d5: {  	v4 =	vld [tilespmem:s25+$0x0]  }
0x1d6: {  	v5 =	vld [tilespmem:s25+$0x80]  }
0x1d7: {  	v6 =	vld [tilespmem:s25+$0x4080]  }
0x1d8: {  	v7 =	vld [tilespmem:s25+$0x100]  }
0x1d9: {  	v60 =	vld [tilespmem:s25+$0x4100]  }
0x1da: {  	v61 =	vld [tilespmem:s25+$0x180]  }
0x1db: {  	v62 =	vld [tilespmem:s25+$0x4180]  }
0x1dc: {  	s24 =	simm.s32 $0x8000;
	v3 =	vsub.f32 v4, v3;
	v4 =	vsub.f32 v5, v6;
	v5 =	vld [tilespmem:s25+$0x4200]  }
0x1dd: {  	s25 =	simm.s32 $0x8800;
	v6 =	vld [tilespmem:s24+$0x0]  }
0x1de: {  	v7 =	vsub.f32 v7, v60;
	v63 =	vld [tilespmem:s25+$0x0];
	v3 =	vmul.f32 v3, v3;
	v4 =	vmul.f32 v4, v4;
	_ =	sdelay $0x1  }
0x1df: {  	v3 =	vadd.f32 v4, v3;
	v4 =	vmul.f32 v7, v7;
	v7 =	vsub.f32 v61, v62;
	_ =	sdelay $0x1  }
0x1e0: {  	v2 =	vsub.f32 v2, v5;
	v3 =	vadd.f32 v4, v3;
	v4 =	vmul.f32 v7, v7  }
0x1e1: {  	vm15 =	vgt.s32 v6, $0x0;
	vm14 =	vgt.s32 v63, $0x0  }
0x1e2: {  	v2 =	vmul.f32 v2, v2;
	vm0 =	vmand vm15, vm14;
	v3 =	vadd.f32 v4, v3  }
0x1e3: {  	v4 =	vnsel vm0, $0x0, v6  }
0x1e4: {  	v2 =	vadd.f32 v2, v3  }
0x1e5: {  	v3 =	vsel vm0, $0x3F800000, v1  }
0x1e6: {  	v2 =	vmul.f32 v3, v2  }
0x1e7: {  	s28 =	simm.s32 $0x10;
	s26 =	simm.s32 $0x80  }
0x1e8: {  	s28 =	sand.u32 $0x70, s28;
	s29 =	sand.u32 $0x3C00, s26;
	[tilespmem:v4+s16+$0x0] =	vst.idx.add.f32.msk $0xffff, v2  }
0x1e9: {  	s29 =	sor.u32 s28, s29;
	[tilespmem:v4+s17+$0x0] =	vst.idx.add.f32.msk $0xffff, v3  }
0x1ea: {  	v2 =	vld [tilespmem:s29+$0x200]  }
0x1eb: {  	v3 =	vld [tilespmem:s29+$0x4000]  }
0x1ec: {  	v4 =	vld [tilespmem:s29+$0x0]  }
0x1ed: {  	s28 =	simm.s32 $0x20;
	v5 =	vld [tilespmem:s29+$0x80]  }
.LBB2_12:
0x1ee: {  	p2 =	sne.s32 s28, $0x7F0;
	v6 =	vld [tilespmem:s29+$0x4080]  }
0x1ef: {  	v7 =	vld [tilespmem:s29+$0x100]  }
0x1f0: {  	v8 =	vld [tilespmem:s29+$0x4100]  }
0x1f1: {  	v9 =	vld [tilespmem:s29+$0x180]  }
0x1f2: {  	v10 =	vld [tilespmem:s29+$0x4180]  }
0x1f3: {  	s24 =	sadd.s32 $0x10, s24;
	v3 =	vsub.f32 v4, v3;
	v4 =	vsub.f32 v5, v6;
	v5 =	vld [tilespmem:s29+$0x4200]  }
0x1f4: {  	s25 =	sadd.s32 $0x10, s25;
	v6 =	vld [tilespmem:s24+$0x0]  }
0x1f5: {  	v3 =	vmul.f32 v3, v3;
	v4 =	vmul.f32 v4, v4;
	v7 =	vsub.f32 v7, v8;
	v8 =	vld [tilespmem:s25+$0x0];
	_ =	sdelay $0x1  }
0x1f6: {  	v3 =	vadd.f32 v4, v3;
	v4 =	vmul.f32 v7, v7;
	v7 =	vsub.f32 v9, v10;
	_ =	sdelay $0x1  }
0x1f7: {  	v2 =	vsub.f32 v2, v5;
	v3 =	vadd.f32 v4, v3;
	v4 =	vmul.f32 v7, v7  }
0x1f8: {  	vm1 =	vgt.s32 v6, $0x0;
	vm0 =	vgt.s32 v8, $0x0  }
0x1f9: {  	v2 =	vmul.f32 v2, v2;
	v3 =	vadd.f32 v4, v3;
	vm0 =	vmand vm1, vm0  }
0x1fa: {  	v4 =	vnsel vm0, $0x0, v6  }
0x1fb: {  	v2 =	vadd.f32 v2, v3  }
0x1fc: {  	v3 =	vsel vm0, $0x3F800000, v1  }
0x1fd: {  	v2 =	vmul.f32 v3, v2  }
0x1fe: {  	s26 =	sadd.s32 $0x80, s26  }
0x1ff: {  	s30 =	sand.u32 $0x3C00, s26;
	s29 =	sand.u32 $0x70, s28;
	[tilespmem:v4+s16+$0x0] =	vst.idx.add.f32.msk $0xffff, v2  }
.Ltmp7:
0x200: {  	s29 =	sor.u32 s29, s30;
	[tilespmem:v4+s17+$0x0] =	vst.idx.add.f32.msk $0xffff, v3;
	(pc) =	sbr.rel @p2 .LBB2_12-.Ltmp7, $4  }
0x201: {  	v2 =	vld [tilespmem:s29+$0x200]  }
0x202: {  	v3 =	vld [tilespmem:s29+$0x4000]  }
0x203: {  	v4 =	vld [tilespmem:s29+$0x0]  }
0x204: {  	s28 =	sadd.s32 $0x10, s28;
	v5 =	vld [tilespmem:s29+$0x80]  }
0x205: {  	v6 =	vld [tilespmem:s29+$0x4080]  }
0x206: {  	v7 =	vld [tilespmem:s29+$0x100]  }
0x207: {  	v8 =	vld [tilespmem:s29+$0x4100]  }
0x208: {  	v9 =	vld [tilespmem:s29+$0x180]  }
0x209: {  	v10 =	vld [tilespmem:s29+$0x4180];
	s26 =	sadd.s32 $0x10, s25  }
0x20a: {  	v59 =	vld [tilespmem:s26+$0x0];
	v3 =	vsub.f32 v4, v3;
	v4 =	vsub.f32 v5, v6  }
0x20b: {  	s24 =	sadd.s32 $0x10, s24;
	v5 =	vld [tilespmem:s29+$0x4200]  }
0x20c: {  	v6 =	vld [tilespmem:s24+$0x0];
	v3 =	vmul.f32 v3, v3;
	v7 =	vsub.f32 v7, v8;
	v4 =	vmul.f32 v4, v4;
	_ =	sdelay $0x1  }
0x20d: {  	v3 =	vadd.f32 v4, v3;
	v4 =	vmul.f32 v7, v7;
	v7 =	vsub.f32 v9, v10;
	_ =	sdelay $0x1  }
0x20e: {  	v2 =	vsub.f32 v2, v5;
	v3 =	vadd.f32 v4, v3;
	v4 =	vmul.f32 v7, v7  }
0x20f: {  	vm0 =	vgt.s32 v59, $0x0;
	vm1 =	vgt.s32 v6, $0x0  }
0x210: {  	vm0 =	vmand vm1, vm0;
	v2 =	vmul.f32 v2, v2;
	v3 =	vadd.f32 v4, v3  }
0x211: {  	v4 =	vnsel vm0, $0x0, v6  }
0x212: {  	v2 =	vadd.f32 v2, v3  }
0x213: {  	v3 =	vsel vm0, $0x3F800000, v1  }
0x214: {  	v2 =	vmul.f32 v3, v2;
	_ =	sdelay $0x1  }
0x215: {  	[tilespmem:v4+s16+$0x0] =	vst.idx.add.f32.msk $0xffff, v2  }
0x216: {  	s30 =	rddreg [dreg:$0x14];
	s24 =	simm.s32 $0x0;
	[tilespmem:v4+s17+$0x0] =	vst.idx.add.f32.msk $0xffff, v3  }
0x217: {  	[tilespmem:s24], [sflag:$0x1] =	stream.linear.gather [hbm4b:s30+s24], $0x4000, $0x38;
	[tilespmem:$0x1D300] =	vst v63  }
0x218: {  	s26 =	rddreg [dreg:$0x15]  }
0x219: {  	[tilespmem:s8], [sflag:$0x1] =	stream.linear.gather [hbm4b:s26+s24], $0x4000, $0x38;
	[tilespmem:$0x1D300] =	vst v63  }
0x21a: {  	s30 =	rddreg [dreg:$0x16]  }
0x21b: {  	[tilespmem:s9], [sflag:$0x1] =	stream.linear.gather [hbm4b:s30+s24], $0x800, $0x38;
	[tilespmem:$0x1D300] =	vst v63  }
0x21c: {  	s26 =	rddreg [dreg:$0x17]  }
0x21d: {  	[tilespmem:s10], [sflag:$0x1] =	stream.linear.gather [hbm4b:s26+s24], $0x800, $0x38;
	[tilespmem:$0x1D300] =	vst v63  }
0x21e: {  	_ =	swait.ge [sflag:s18], $0x4000  }
0x21f: {  	[sflag:s18] =	ssyncset.done $0x0  }
0x220: {  	[sflag:s18] =	ssyncadd.s32 $0xFFFFC000  }
0x221: {  	_ =	swait.ge [sflag:s18], $0x4000  }
0x222: {  	[sflag:s18] =	ssyncset.done $0x0  }
0x223: {  	[sflag:s18] =	ssyncadd.s32 $0xFFFFC000  }
0x224: {  	_ =	swait.ge [sflag:s18], $0x800  }
0x225: {  	[sflag:s18] =	ssyncset.done $0x0  }
0x226: {  	[sflag:s18] =	ssyncadd.s32 $0xFFFFF800  }
0x227: {  	_ =	swait.ge [sflag:s18], $0x800  }
0x228: {  	s30 =	sand.u32 $0x70, s24;
	s24 =	sand.u32 $0x3C00, s24;
	[sflag:s18] =	ssyncset.done $0x0  }
0x229: {  	s25 =	sor.u32 s30, s24;
	[sflag:s18] =	ssyncadd.s32 $0xFFFFF800  }
0x22a: {  	v2 =	vld [tilespmem:s25+$0x9200]  }
0x22b: {  	v3 =	vld [tilespmem:s25+$0xD000]  }
0x22c: {  	v4 =	vld [tilespmem:s25+$0x9000]  }
0x22d: {  	v5 =	vld [tilespmem:s25+$0x9080]  }
0x22e: {  	v6 =	vld [tilespmem:s25+$0xD080]  }
0x22f: {  	v7 =	vld [tilespmem:s25+$0x9100]  }
0x230: {  	v60 =	vld [tilespmem:s25+$0xD100]  }
0x231: {  	v61 =	vld [tilespmem:s25+$0x9180]  }
0x232: {  	v62 =	vld [tilespmem:s25+$0xD180]  }
0x233: {  	s24 =	simm.s32 $0x11000;
	v3 =	vsub.f32 v4, v3;
	v4 =	vsub.f32 v5, v6;
	v5 =	vld [tilespmem:s25+$0xD200]  }
0x234: {  	s25 =	simm.s32 $0x11800;
	v6 =	vld [tilespmem:s24+$0x0]  }
0x235: {  	v7 =	vsub.f32 v7, v60;
	v63 =	vld [tilespmem:s25+$0x0];
	v3 =	vmul.f32 v3, v3;
	v4 =	vmul.f32 v4, v4;
	_ =	sdelay $0x1  }
0x236: {  	v3 =	vadd.f32 v4, v3;
	v4 =	vmul.f32 v7, v7;
	v7 =	vsub.f32 v61, v62;
	_ =	sdelay $0x1  }
0x237: {  	v2 =	vsub.f32 v2, v5;
	v3 =	vadd.f32 v4, v3;
	v4 =	vmul.f32 v7, v7  }
0x238: {  	vm15 =	vgt.s32 v6, $0x0;
	vm14 =	vgt.s32 v63, $0x0  }
0x239: {  	v2 =	vmul.f32 v2, v2;
	vm0 =	vmand vm15, vm14;
	v3 =	vadd.f32 v4, v3  }
0x23a: {  	v4 =	vnsel vm0, $0x0, v6  }
0x23b: {  	v2 =	vadd.f32 v2, v3  }
0x23c: {  	v3 =	vsel vm0, $0x3F800000, v1  }
0x23d: {  	v2 =	vmul.f32 v3, v2  }
0x23e: {  	s28 =	simm.s32 $0x10;
	s26 =	simm.s32 $0x80  }
0x23f: {  	s28 =	sand.u32 $0x70, s28;
	s29 =	sand.u32 $0x3C00, s26;
	[tilespmem:v4+s16+$0x0] =	vst.idx.add.f32.msk $0xffff, v2  }
0x240: {  	s29 =	sor.u32 s28, s29;
	[tilespmem:v4+s17+$0x0] =	vst.idx.add.f32.msk $0xffff, v3  }
0x241: {  	v2 =	vld [tilespmem:s29+$0x9200]  }
0x242: {  	v3 =	vld [tilespmem:s29+$0xD000]  }
0x243: {  	v4 =	vld [tilespmem:s29+$0x9000]  }
0x244: {  	s28 =	simm.s32 $0x20;
	v5 =	vld [tilespmem:s29+$0x9080]  }
.LBB2_14:
0x245: {  	p2 =	sne.s32 s28, $0x7F0;
	v6 =	vld [tilespmem:s29+$0xD080]  }
0x246: {  	v7 =	vld [tilespmem:s29+$0x9100]  }
0x247: {  	v8 =	vld [tilespmem:s29+$0xD100]  }
0x248: {  	v9 =	vld [tilespmem:s29+$0x9180]  }
0x249: {  	v10 =	vld [tilespmem:s29+$0xD180]  }
0x24a: {  	s24 =	sadd.s32 $0x10, s24;
	v3 =	vsub.f32 v4, v3;
	v4 =	vsub.f32 v5, v6;
	v5 =	vld [tilespmem:s29+$0xD200]  }
0x24b: {  	s25 =	sadd.s32 $0x10, s25;
	v6 =	vld [tilespmem:s24+$0x0]  }
0x24c: {  	v3 =	vmul.f32 v3, v3;
	v4 =	vmul.f32 v4, v4;
	v7 =	vsub.f32 v7, v8;
	v8 =	vld [tilespmem:s25+$0x0];
	_ =	sdelay $0x1  }
0x24d: {  	v3 =	vadd.f32 v4, v3;
	v4 =	vmul.f32 v7, v7;
	v7 =	vsub.f32 v9, v10;
	_ =	sdelay $0x1  }
0x24e: {  	v2 =	vsub.f32 v2, v5;
	v3 =	vadd.f32 v4, v3;
	v4 =	vmul.f32 v7, v7  }
0x24f: {  	vm1 =	vgt.s32 v6, $0x0;
	vm0 =	vgt.s32 v8, $0x0  }
0x250: {  	v2 =	vmul.f32 v2, v2;
	v3 =	vadd.f32 v4, v3;
	vm0 =	vmand vm1, vm0  }
0x251: {  	v4 =	vnsel vm0, $0x0, v6  }
0x252: {  	v2 =	vadd.f32 v2, v3  }
0x253: {  	v3 =	vsel vm0, $0x3F800000, v1  }
0x254: {  	v2 =	vmul.f32 v3, v2  }
0x255: {  	s26 =	sadd.s32 $0x80, s26  }
0x256: {  	s30 =	sand.u32 $0x3C00, s26;
	s29 =	sand.u32 $0x70, s28;
	[tilespmem:v4+s16+$0x0] =	vst.idx.add.f32.msk $0xffff, v2  }
.Ltmp8:
0x257: {  	s29 =	sor.u32 s29, s30;
	[tilespmem:v4+s17+$0x0] =	vst.idx.add.f32.msk $0xffff, v3;
	(pc) =	sbr.rel @p2 .LBB2_14-.Ltmp8, $4  }
0x258: {  	v2 =	vld [tilespmem:s29+$0x9200]  }
0x259: {  	v3 =	vld [tilespmem:s29+$0xD000]  }
0x25a: {  	v4 =	vld [tilespmem:s29+$0x9000]  }
0x25b: {  	s28 =	sadd.s32 $0x10, s28;
	v5 =	vld [tilespmem:s29+$0x9080]  }
0x25c: {  	v6 =	vld [tilespmem:s29+$0xD080]  }
0x25d: {  	v7 =	vld [tilespmem:s29+$0x9100]  }
0x25e: {  	v8 =	vld [tilespmem:s29+$0xD100]  }
0x25f: {  	v9 =	vld [tilespmem:s29+$0x9180]  }
0x260: {  	v10 =	vld [tilespmem:s29+$0xD180];
	s25 =	sadd.s32 $0x10, s25  }
0x261: {  	v59 =	vld [tilespmem:s25+$0x0];
	v3 =	vsub.f32 v4, v3;
	v4 =	vsub.f32 v5, v6  }
0x262: {  	s24 =	sadd.s32 $0x10, s24;
	v5 =	vld [tilespmem:s29+$0xD200]  }
0x263: {  	v6 =	vld [tilespmem:s24+$0x0];
	v3 =	vmul.f32 v3, v3;
	v7 =	vsub.f32 v7, v8;
	v4 =	vmul.f32 v4, v4;
	_ =	sdelay $0x1  }
0x264: {  	v3 =	vadd.f32 v4, v3;
	v4 =	vmul.f32 v7, v7;
	v7 =	vsub.f32 v9, v10;
	_ =	sdelay $0x1  }
0x265: {  	v2 =	vsub.f32 v2, v5;
	v3 =	vadd.f32 v4, v3;
	v4 =	vmul.f32 v7, v7  }
0x266: {  	vm0 =	vgt.s32 v59, $0x0;
	vm1 =	vgt.s32 v6, $0x0  }
0x267: {  	vm0 =	vmand vm1, vm0;
	v2 =	vmul.f32 v2, v2;
	v3 =	vadd.f32 v4, v3  }
0x268: {  	v4 =	vnsel vm0, $0x0, v6  }
0x269: {  	v2 =	vadd.f32 v2, v3  }
0x26a: {  	v3 =	vsel vm0, $0x3F800000, v1  }
0x26b: {  	v2 =	vmul.f32 v3, v2;
	_ =	sdelay $0x1  }
0x26c: {  	[tilespmem:v4+s16+$0x0] =	vst.idx.add.f32.msk $0xffff, v2  }
0x26d: {  	[tilespmem:v4+s17+$0x0] =	vst.idx.add.f32.msk $0xffff, v3  }
0x26e: {  	_ =	swait.ge [sflag:s15], $0x4000  }
0x26f: {  	[sflag:s15] =	ssyncset.done $0x0  }
0x270: {  	[sflag:s15] =	ssyncadd.s32 $0xFFFFC000  }
0x271: {  	_ =	swait.ge [sflag:s15], $0x4000  }
0x272: {  	[sflag:s15] =	ssyncset.done $0x0  }
0x273: {  	[sflag:s15] =	ssyncadd.s32 $0xFFFFC000  }
0x274: {  	_ =	swait.ge [sflag:s15], $0x800  }
0x275: {  	[sflag:s15] =	ssyncset.done $0x0  }
0x276: {  	[sflag:s15] =	ssyncadd.s32 $0xFFFFF800  }
0x277: {  	s26 =	simm.s32 $0x0;
	_ =	swait.ge [sflag:s15], $0x800  }
0x278: {  	s30 =	sand.u32 $0x70, s26;
	s24 =	sand.u32 $0x3C00, s26;
	[sflag:s15] =	ssyncset.done $0x0  }
0x279: {  	s25 =	sor.u32 s30, s24;
	[sflag:s15] =	ssyncadd.s32 $0xFFFFF800  }
0x27a: {  	v2 =	vld [tilespmem:s25+$0x200]  }
0x27b: {  	v3 =	vld [tilespmem:s25+$0x4000]  }
0x27c: {  	v4 =	vld [tilespmem:s25+$0x0]  }
0x27d: {  	v5 =	vld [tilespmem:s25+$0x80]  }
0x27e: {  	v6 =	vld [tilespmem:s25+$0x4080]  }
0x27f: {  	v7 =	vld [tilespmem:s25+$0x100]  }
0x280: {  	v60 =	vld [tilespmem:s25+$0x4100]  }
0x281: {  	v61 =	vld [tilespmem:s25+$0x180]  }
0x282: {  	v62 =	vld [tilespmem:s25+$0x4180]  }
0x283: {  	s24 =	simm.s32 $0x8000;
	v3 =	vsub.f32 v4, v3;
	v4 =	vsub.f32 v5, v6;
	v5 =	vld [tilespmem:s25+$0x4200]  }
0x284: {  	s25 =	simm.s32 $0x8800;
	v6 =	vld [tilespmem:s24+$0x0]  }
0x285: {  	v7 =	vsub.f32 v7, v60;
	v63 =	vld [tilespmem:s25+$0x0];
	v3 =	vmul.f32 v3, v3;
	v4 =	vmul.f32 v4, v4;
	_ =	sdelay $0x1  }
0x286: {  	v3 =	vadd.f32 v4, v3;
	v4 =	vmul.f32 v7, v7;
	v7 =	vsub.f32 v61, v62;
	_ =	sdelay $0x1  }
0x287: {  	v2 =	vsub.f32 v2, v5;
	v3 =	vadd.f32 v4, v3;
	v4 =	vmul.f32 v7, v7  }
0x288: {  	vm15 =	vgt.s32 v6, $0x0;
	vm14 =	vgt.s32 v63, $0x0  }
0x289: {  	v2 =	vmul.f32 v2, v2;
	vm0 =	vmand vm15, vm14;
	v3 =	vadd.f32 v4, v3  }
0x28a: {  	v4 =	vnsel vm0, $0x0, v6  }
0x28b: {  	v2 =	vadd.f32 v2, v3  }
0x28c: {  	v3 =	vsel vm0, $0x3F800000, v1  }
0x28d: {  	v2 =	vmul.f32 v3, v2  }
0x28e: {  	s28 =	simm.s32 $0x10;
	s26 =	simm.s32 $0x80  }
0x28f: {  	s28 =	sand.u32 $0x70, s28;
	s29 =	sand.u32 $0x3C00, s26;
	[tilespmem:v4+s16+$0x0] =	vst.idx.add.f32.msk $0xffff, v2  }
0x290: {  	s29 =	sor.u32 s28, s29;
	[tilespmem:v4+s17+$0x0] =	vst.idx.add.f32.msk $0xffff, v3  }
0x291: {  	v2 =	vld [tilespmem:s29+$0x200]  }
0x292: {  	v3 =	vld [tilespmem:s29+$0x4000]  }
0x293: {  	v4 =	vld [tilespmem:s29+$0x0]  }
0x294: {  	s28 =	simm.s32 $0x20;
	v5 =	vld [tilespmem:s29+$0x80]  }
.LBB2_16:
0x295: {  	p2 =	sne.s32 s28, $0x7F0;
	v6 =	vld [tilespmem:s29+$0x4080]  }
0x296: {  	v7 =	vld [tilespmem:s29+$0x100]  }
0x297: {  	v8 =	vld [tilespmem:s29+$0x4100]  }
0x298: {  	v9 =	vld [tilespmem:s29+$0x180]  }
0x299: {  	v10 =	vld [tilespmem:s29+$0x4180]  }
0x29a: {  	s24 =	sadd.s32 $0x10, s24;
	v3 =	vsub.f32 v4, v3;
	v4 =	vsub.f32 v5, v6;
	v5 =	vld [tilespmem:s29+$0x4200]  }
0x29b: {  	s25 =	sadd.s32 $0x10, s25;
	v6 =	vld [tilespmem:s24+$0x0]  }
0x29c: {  	v3 =	vmul.f32 v3, v3;
	v4 =	vmul.f32 v4, v4;
	v7 =	vsub.f32 v7, v8;
	v8 =	vld [tilespmem:s25+$0x0];
	_ =	sdelay $0x1  }
0x29d: {  	v3 =	vadd.f32 v4, v3;
	v4 =	vmul.f32 v7, v7;
	v7 =	vsub.f32 v9, v10;
	_ =	sdelay $0x1  }
0x29e: {  	v2 =	vsub.f32 v2, v5;
	v3 =	vadd.f32 v4, v3;
	v4 =	vmul.f32 v7, v7  }
0x29f: {  	vm1 =	vgt.s32 v6, $0x0;
	vm0 =	vgt.s32 v8, $0x0  }
0x2a0: {  	v2 =	vmul.f32 v2, v2;
	v3 =	vadd.f32 v4, v3;
	vm0 =	vmand vm1, vm0  }
0x2a1: {  	v4 =	vnsel vm0, $0x0, v6  }
0x2a2: {  	v2 =	vadd.f32 v2, v3  }
0x2a3: {  	v3 =	vsel vm0, $0x3F800000, v1  }
0x2a4: {  	v2 =	vmul.f32 v3, v2  }
0x2a5: {  	s26 =	sadd.s32 $0x80, s26  }
0x2a6: {  	s30 =	sand.u32 $0x3C00, s26;
	s29 =	sand.u32 $0x70, s28;
	[tilespmem:v4+s16+$0x0] =	vst.idx.add.f32.msk $0xffff, v2  }
.Ltmp9:
0x2a7: {  	s29 =	sor.u32 s29, s30;
	[tilespmem:v4+s17+$0x0] =	vst.idx.add.f32.msk $0xffff, v3;
	(pc) =	sbr.rel @p2 .LBB2_16-.Ltmp9, $4  }
0x2a8: {  	v2 =	vld [tilespmem:s29+$0x200]  }
0x2a9: {  	v3 =	vld [tilespmem:s29+$0x4000]  }
0x2aa: {  	v4 =	vld [tilespmem:s29+$0x0]  }
0x2ab: {  	s28 =	sadd.s32 $0x10, s28;
	v5 =	vld [tilespmem:s29+$0x80]  }
0x2ac: {  	v6 =	vld [tilespmem:s29+$0x4080]  }
0x2ad: {  	v7 =	vld [tilespmem:s29+$0x100]  }
0x2ae: {  	v8 =	vld [tilespmem:s29+$0x4100]  }
0x2af: {  	v9 =	vld [tilespmem:s29+$0x180]  }
0x2b0: {  	v10 =	vld [tilespmem:s29+$0x4180]  }
0x2b1: {  	v57 =	vld [tilespmem:s29+$0x4200];
	s24 =	sadd.s32 $0x10, s24;
	v3 =	vsub.f32 v4, v3;
	v56 =	vsub.f32 v5, v6  }
0x2b2: {  	s30 =	sadd.s32 $0x10, s25;
	v58 =	vld [tilespmem:s24+$0x0]  }
0x2b3: {  	v59 =	vld [tilespmem:s30+$0x0];
	v3 =	vmul.f32 v3, v3;
	v7 =	vsub.f32 v7, v8;
	v4 =	vmul.f32 v56, v56;
	_ =	sdelay $0x1  }
0x2b4: {  	v61 =	vsub.f32 v9, v10;
	v60 =	vmul.f32 v7, v7;
	v3 =	vadd.f32 v4, v3;
	_ =	sdelay $0x1  }
0x2b5: {  	v2 =	vsub.f32 v2, v57;
	v62 =	vmul.f32 v61, v61;
	v3 =	vadd.f32 v60, v3  }
0x2b6: {  	vm0 =	vgt.s32 v59, $0x0;
	vm1 =	vgt.s32 v58, $0x0  }
0x2b7: {  	v2 =	vmul.f32 v2, v2;
	vm0 =	vmand vm1, vm0;
	v3 =	vadd.f32 v62, v3  }
0x2b8: {  	v63 =	vnsel vm0, $0x0, v58  }
0x2b9: {  	v2 =	vadd.f32 v2, v3  }
.Ltmp10:
0x2ba: {  	v3 =	vsel vm0, $0x3F800000, v1;
	(pc) =	sbr.rel @p0 .LBB2_21-.Ltmp10, $3  }
0x2bb: {  	v2 =	vmul.f32 v3, v2;
	_ =	sdelay $0x1  }
0x2bc: {  	[tilespmem:v63+s16+$0x0] =	vst.idx.add.f32.msk $0xffff, v2  }
0x2bd: {  	[tilespmem:v63+s17+$0x0] =	vst.idx.add.f32.msk $0xffff, v3  }
0x2be: {  	_ =	swait.ge [sflag:s19], $0x4000  }
0x2bf: {  	[sflag:s19] =	ssyncset.done $0x0  }
0x2c0: {  	[sflag:s19] =	ssyncadd.s32 $0xFFFFC000  }
0x2c1: {  	_ =	swait.ge [sflag:s19], $0x4000  }
0x2c2: {  	[sflag:s19] =	ssyncset.done $0x0  }
0x2c3: {  	[sflag:s19] =	ssyncadd.s32 $0xFFFFC000  }
0x2c4: {  	_ =	swait.ge [sflag:s19], $0x800  }
0x2c5: {  	[sflag:s19] =	ssyncset.done $0x0  }
0x2c6: {  	[sflag:s19] =	ssyncadd.s32 $0xFFFFF800  }
0x2c7: {  	s24 =	simm.s32 $0x0;
	_ =	swait.ge [sflag:s19], $0x800  }
0x2c8: {  	s25 =	sand.u32 $0x70, s24;
	s24 =	sand.u32 $0x3C00, s24;
	[sflag:s19] =	ssyncset.done $0x0  }
0x2c9: {  	s25 =	sor.u32 s25, s24;
	[sflag:s19] =	ssyncadd.s32 $0xFFFFF800  }
0x2ca: {  	v2 =	vld [tilespmem:s25+$0x12200]  }
0x2cb: {  	v3 =	vld [tilespmem:s25+$0x16000]  }
0x2cc: {  	v4 =	vld [tilespmem:s25+$0x12000]  }
0x2cd: {  	v5 =	vld [tilespmem:s25+$0x12080]  }
0x2ce: {  	v6 =	vld [tilespmem:s25+$0x16080]  }
0x2cf: {  	v7 =	vld [tilespmem:s25+$0x12100]  }
0x2d0: {  	v8 =	vld [tilespmem:s25+$0x16100]  }
0x2d1: {  	v9 =	vld [tilespmem:s25+$0x12180]  }
0x2d2: {  	v10 =	vld [tilespmem:s25+$0x16180]  }
0x2d3: {  	s24 =	simm.s32 $0x1A000;
	v3 =	vsub.f32 v4, v3;
	v4 =	vsub.f32 v5, v6;
	v5 =	vld [tilespmem:s25+$0x16200]  }
0x2d4: {  	s25 =	simm.s32 $0x1A800;
	v6 =	vld [tilespmem:s24+$0x0]  }
0x2d5: {  	v7 =	vsub.f32 v7, v8;
	v63 =	vld [tilespmem:s25+$0x0];
	v3 =	vmul.f32 v3, v3;
	v4 =	vmul.f32 v4, v4;
	_ =	sdelay $0x1  }
0x2d6: {  	v3 =	vadd.f32 v4, v3;
	v4 =	vmul.f32 v7, v7;
	v7 =	vsub.f32 v9, v10;
	_ =	sdelay $0x1  }
0x2d7: {  	v2 =	vsub.f32 v2, v5;
	v3 =	vadd.f32 v4, v3;
	v4 =	vmul.f32 v7, v7  }
0x2d8: {  	vm1 =	vgt.s32 v6, $0x0;
	vm0 =	vgt.s32 v63, $0x0  }
0x2d9: {  	v2 =	vmul.f32 v2, v2;
	vm0 =	vmand vm1, vm0;
	v3 =	vadd.f32 v4, v3  }
0x2da: {  	v4 =	vnsel vm0, $0x0, v6  }
0x2db: {  	v2 =	vadd.f32 v2, v3  }
0x2dc: {  	v3 =	vsel vm0, $0x3F800000, v1  }
0x2dd: {  	v2 =	vmul.f32 v3, v2  }
0x2de: {  	s28 =	simm.s32 $0x10;
	s26 =	simm.s32 $0x80  }
0x2df: {  	s28 =	sand.u32 $0x70, s28;
	s29 =	sand.u32 $0x3C00, s26;
	[tilespmem:v4+s16+$0x0] =	vst.idx.add.f32.msk $0xffff, v2  }
0x2e0: {  	s29 =	sor.u32 s28, s29;
	[tilespmem:v4+s17+$0x0] =	vst.idx.add.f32.msk $0xffff, v3  }
0x2e1: {  	v2 =	vld [tilespmem:s29+$0x12200]  }
0x2e2: {  	v3 =	vld [tilespmem:s29+$0x16000]  }
0x2e3: {  	v4 =	vld [tilespmem:s29+$0x12000]  }
0x2e4: {  	s28 =	simm.s32 $0x20;
	v5 =	vld [tilespmem:s29+$0x12080]  }
.LBB2_19:
0x2e5: {  	p2 =	seq.s32 s28, $0x7F0;
	v6 =	vld [tilespmem:s29+$0x16080]  }
0x2e6: {  	v7 =	vld [tilespmem:s29+$0x12100]  }
0x2e7: {  	v8 =	vld [tilespmem:s29+$0x16100]  }
0x2e8: {  	v9 =	vld [tilespmem:s29+$0x12180]  }
0x2e9: {  	v10 =	vld [tilespmem:s29+$0x16180]  }
0x2ea: {  	s24 =	sadd.s32 $0x10, s24;
	v3 =	vsub.f32 v4, v3;
	v4 =	vsub.f32 v5, v6;
	v5 =	vld [tilespmem:s29+$0x16200]  }
0x2eb: {  	s25 =	sadd.s32 $0x10, s25;
	v6 =	vld [tilespmem:s24+$0x0]  }
0x2ec: {  	v3 =	vmul.f32 v3, v3;
	v4 =	vmul.f32 v4, v4;
	v7 =	vsub.f32 v7, v8;
	v8 =	vld [tilespmem:s25+$0x0];
	_ =	sdelay $0x1  }
0x2ed: {  	v3 =	vadd.f32 v4, v3;
	v4 =	vmul.f32 v7, v7;
	v7 =	vsub.f32 v9, v10;
	_ =	sdelay $0x1  }
0x2ee: {  	v2 =	vsub.f32 v2, v5;
	v3 =	vadd.f32 v4, v3;
	v4 =	vmul.f32 v7, v7  }
0x2ef: {  	vm1 =	vgt.s32 v6, $0x0;
	vm0 =	vgt.s32 v8, $0x0  }
0x2f0: {  	v2 =	vmul.f32 v2, v2;
	v3 =	vadd.f32 v4, v3;
	vm0 =	vmand vm1, vm0  }
0x2f1: {  	v4 =	vnsel vm0, $0x0, v6  }
0x2f2: {  	v2 =	vadd.f32 v2, v3  }
0x2f3: {  	v3 =	vsel vm0, $0x3F800000, v1  }
0x2f4: {  	v2 =	vmul.f32 v3, v2  }
0x2f5: {  	s26 =	sadd.s32 $0x80, s26  }
0x2f6: {  	s30 =	sand.u32 $0x3C00, s26;
	s29 =	sand.u32 $0x70, s28;
	[tilespmem:v4+s16+$0x0] =	vst.idx.add.f32.msk $0xffff, v2  }
.Ltmp11:
0x2f7: {  	s29 =	sor.u32 s29, s30;
	[tilespmem:v4+s17+$0x0] =	vst.idx.add.f32.msk $0xffff, v3;
	(pc) =	sbr.rel @!p2 .LBB2_19-.Ltmp11, $4  }
0x2f8: {  	v2 =	vld [tilespmem:s29+$0x12200]  }
0x2f9: {  	v3 =	vld [tilespmem:s29+$0x16000]  }
0x2fa: {  	v4 =	vld [tilespmem:s29+$0x12000]  }
0x2fb: {  	s28 =	sadd.s32 $0x10, s28;
	v5 =	vld [tilespmem:s29+$0x12080]  }
0x2fc: {  	v6 =	vld [tilespmem:s29+$0x16080]  }
0x2fd: {  	v7 =	vld [tilespmem:s29+$0x12100]  }
0x2fe: {  	v8 =	vld [tilespmem:s29+$0x16100]  }
0x2ff: {  	v9 =	vld [tilespmem:s29+$0x12180]  }
0x300: {  	v10 =	vld [tilespmem:s29+$0x16180]  }
0x301: {  	v57 =	vld [tilespmem:s29+$0x16200];
	s24 =	sadd.s32 $0x10, s24;
	v3 =	vsub.f32 v4, v3;
	v56 =	vsub.f32 v5, v6  }
0x302: {  	s30 =	sadd.s32 $0x10, s25;
	v58 =	vld [tilespmem:s24+$0x0]  }
0x303: {  	v59 =	vld [tilespmem:s30+$0x0];
	v3 =	vmul.f32 v3, v3;
	v7 =	vsub.f32 v7, v8;
	v4 =	vmul.f32 v56, v56;
	_ =	sdelay $0x1  }
0x304: {  	v61 =	vsub.f32 v9, v10;
	v60 =	vmul.f32 v7, v7;
	v3 =	vadd.f32 v4, v3;
	_ =	sdelay $0x1  }
0x305: {  	v2 =	vsub.f32 v2, v57;
	v62 =	vmul.f32 v61, v61;
	v3 =	vadd.f32 v60, v3  }
0x306: {  	vm0 =	vgt.s32 v59, $0x0;
	vm1 =	vgt.s32 v58, $0x0  }
0x307: {  	v2 =	vmul.f32 v2, v2;
	vm0 =	vmand vm1, vm0;
	v3 =	vadd.f32 v62, v3  }
0x308: {  	v63 =	vnsel vm0, $0x0, v58  }
0x309: {  	v2 =	vadd.f32 v2, v3  }
.Ltmp12:
0x30a: {  	v3 =	vsel vm0, $0x3F800000, v1;
	(pc) =	sbr.rel .LBB2_25-.Ltmp12, $3  }
0x30b: {  	v2 =	vmul.f32 v3, v2;
	_ =	sdelay $0x1  }
0x30c: {  	[tilespmem:v63+s16+$0x0] =	vst.idx.add.f32.msk $0xffff, v2  }
0x30d: {  	[tilespmem:v63+s17+$0x0] =	vst.idx.add.f32.msk $0xffff, v3  }
.LBB2_21:
.Ltmp13:
0x30e: {  	(pc) =	sbr.rel @p1 .LBB2_25-.Ltmp13, $1  }
0x30f: {  	_ =	sdelay $0x3  }
0x310: {  	s26 =	simm.s32 $0x0;
	s24 =	rddreg [dreg:$0x18];
	s25 =	simm.s32 $0x1B000  }
0x311: {  	[tilespmem:s25], [sflag:$0x4] =	stream.linear.gather [hbm4b:s24+s26], $0xC00, $0x38;
	[tilespmem:$0x1D300] =	vst v63  }
0x312: {  	_ =	swait.ge [sflag:s22], $0xC00  }
0x313: {  	[sflag:s22] =	ssyncset.done $0x0  }
0x314: {  	s25 =	simm.s32 $0x1BC00;
	s24 =	rddreg [dreg:$0x19];
	[sflag:s22] =	ssyncadd.s32 $0xFFFFF400  }
0x315: {  	[tilespmem:s25], [sflag:$0x4] =	stream.linear.gather [hbm4b:s24+s26], $0xC00, $0x38;
	[tilespmem:$0x1D300] =	vst v63  }
0x316: {  	_ =	swait.ge [sflag:s22], $0xC00  }
0x317: {  	[sflag:s22] =	ssyncset.done $0x0  }
0x318: {  	s24 =	simm.s32 $0x1C800;
	s25 =	rddreg [dreg:$0x1a];
	[sflag:s22] =	ssyncadd.s32 $0xFFFFF400  }
0x319: {  	[tilespmem:s24], [sflag:$0x4] =	stream.linear.gather [hbm4b:s25+s26], $0x120, $0x38;
	[tilespmem:$0x1D300] =	vst v63  }
0x31a: {  	_ =	swait.ge [sflag:s22], $0x120  }
0x31b: {  	[sflag:s22] =	ssyncset.done $0x0  }
0x31c: {  	s25 =	simm.s32 $0x1C980;
	s28 =	rddreg [dreg:$0x1b];
	[sflag:s22] =	ssyncadd.s32 $0xFFFFFEE0  }
0x31d: {  	[tilespmem:s25], [sflag:$0x4] =	stream.linear.gather [hbm4b:s28+s26], $0x120, $0x38;
	[tilespmem:$0x1D300] =	vst v63  }
0x31e: {  	_ =	swait.ge [sflag:s22], $0x120  }
0x31f: {  	s29 =	sand.u32 $0xC00, s26;
	s28 =	sand.u32 $0x70, s26;
	[sflag:s22] =	ssyncset.done $0x0  }
0x320: {  	s28 =	sor.u32 s28, s29;
	[sflag:s22] =	ssyncadd.s32 $0xFFFFFEE0  }
0x321: {  	v2 =	vld [tilespmem:s28+$0x1B200]  }
0x322: {  	v3 =	vld [tilespmem:s28+$0x1BC00]  }
0x323: {  	v4 =	vld [tilespmem:s28+$0x1B000]  }
0x324: {  	v5 =	vld [tilespmem:s28+$0x1B080]  }
0x325: {  	v6 =	vld [tilespmem:s28+$0x1BC80]  }
0x326: {  	s26 =	sor.u32 s29, s26;
	v7 =	vld [tilespmem:s28+$0x1B100]  }
0x327: {  	s26 =	sor.u32 $0x180, s26;
	v8 =	vld [tilespmem:s28+$0x1BD00]  }
0x328: {  	v9 =	vld [tilespmem:s26+$0x1B000]  }
0x329: {  	v10 =	vld [tilespmem:s26+$0x1BC00]  }
0x32a: {  	v63 =	vld [tilespmem:s25+$0x0];
	v3 =	vsub.f32 v4, v3;
	v4 =	vsub.f32 v5, v6  }
0x32b: {  	v5 =	vld [tilespmem:s28+$0x1BE00]  }
0x32c: {  	v6 =	vld [tilespmem:s24+$0x0];
	v7 =	vsub.f32 v7, v8;
	v3 =	vmul.f32 v3, v3;
	v4 =	vmul.f32 v4, v4;
	_ =	sdelay $0x1  }
0x32d: {  	v3 =	vadd.f32 v4, v3;
	v4 =	vmul.f32 v7, v7;
	v7 =	vsub.f32 v9, v10;
	_ =	sdelay $0x1  }
0x32e: {  	v2 =	vsub.f32 v2, v5;
	v3 =	vadd.f32 v4, v3;
	v4 =	vmul.f32 v7, v7  }
0x32f: {  	vm0 =	vgt.s32 v63, $0x0;
	vm1 =	vgt.s32 v6, $0x0  }
0x330: {  	vm0 =	vmand vm1, vm0;
	v2 =	vmul.f32 v2, v2;
	v3 =	vadd.f32 v4, v3  }
0x331: {  	s2 =	smov.u32 s14;
	s14 =	smov.u32 s13;
	s13 =	smov.u32 s12;
	v4 =	vnsel vm0, $0x0, v6  }
0x332: {  	s12 =	smov.u32 s11;
	s11 =	smov.u32 s7;
	s7 =	smov.u32 s6;
	v2 =	vadd.f32 v2, v3  }
0x333: {  	s6 =	smov.u32 s5;
	s5 =	smov.u32 s4;
	s4 =	smov.u32 s3;
	v3 =	vsel vm0, $0x3F800000, v1  }
0x334: {  	s3 =	smov.u32 s1;
	s1 =	smov.u32 s21;
	s21 =	smov.u32 s0;
	v2 =	vmul.f32 v3, v2  }
0x335: {  	s0 =	smov.u32 s20;
	s26 =	simm.s32 $0x10;
	s28 =	simm.s32 $0x80  }
0x336: {  	s20 =	smov.u32 s31;
	s29 =	sand.u32 $0x70, s26;
	s31 =	sand.u32 $0xC00, s28;
	[tilespmem:v4+s16+$0x0] =	vst.idx.add.f32.msk $0xffff, v2  }
0x337: {  	s30 =	sor.u32 s29, s31;
	[tilespmem:v4+s17+$0x0] =	vst.idx.add.f32.msk $0xffff, v3  }
0x338: {  	v2 =	vld [tilespmem:s30+$0x1B200]  }
0x339: {  	v3 =	vld [tilespmem:s30+$0x1BC00]  }
0x33a: {  	v4 =	vld [tilespmem:s30+$0x1B000]  }
0x33b: {  	s29 =	simm.s32 $0x20;
	v5 =	vld [tilespmem:s30+$0x1B080]  }
.LBB2_23:
0x33c: {  	p2 =	sne.s32 s29, $0x110;
	v6 =	vld [tilespmem:s30+$0x1BC80]  }
0x33d: {  	s31 =	sor.u32 s31, s26;
	s26 =	smov.u32 s29;
	v7 =	vld [tilespmem:s30+$0x1B100]  }
0x33e: {  	s31 =	sor.u32 $0x180, s31;
	v8 =	vld [tilespmem:s30+$0x1BD00]  }
0x33f: {  	v9 =	vld [tilespmem:s31+$0x1B000]  }
0x340: {  	v10 =	vld [tilespmem:s31+$0x1BC00]  }
0x341: {  	v3 =	vsub.f32 v4, v3;
	s24 =	sadd.s32 $0x10, s24;
	v4 =	vsub.f32 v5, v6;
	v5 =	vld [tilespmem:s30+$0x1BE00]  }
0x342: {  	s25 =	sadd.s32 $0x10, s25;
	v6 =	vld [tilespmem:s24+$0x0]  }
0x343: {  	v3 =	vmul.f32 v3, v3;
	v4 =	vmul.f32 v4, v4;
	v7 =	vsub.f32 v7, v8;
	v8 =	vld [tilespmem:s25+$0x0];
	_ =	sdelay $0x1  }
0x344: {  	v3 =	vadd.f32 v4, v3;
	v4 =	vmul.f32 v7, v7;
	v7 =	vsub.f32 v9, v10;
	_ =	sdelay $0x1  }
0x345: {  	v2 =	vsub.f32 v2, v5;
	v3 =	vadd.f32 v4, v3;
	v4 =	vmul.f32 v7, v7  }
0x346: {  	vm1 =	vgt.s32 v6, $0x0;
	vm0 =	vgt.s32 v8, $0x0  }
0x347: {  	v2 =	vmul.f32 v2, v2;
	v3 =	vadd.f32 v4, v3;
	vm0 =	vmand vm1, vm0  }
0x348: {  	v4 =	vnsel vm0, $0x0, v6  }
0x349: {  	v2 =	vadd.f32 v2, v3  }
0x34a: {  	v3 =	vsel vm0, $0x3F800000, v1  }
0x34b: {  	v2 =	vmul.f32 v3, v2  }
0x34c: {  	s28 =	sadd.s32 $0x80, s28  }
0x34d: {  	s31 =	sand.u32 $0xC00, s28;
	s30 =	sand.u32 $0x70, s29;
	[tilespmem:v4+s16+$0x0] =	vst.idx.add.f32.msk $0xffff, v2  }
.Ltmp14:
0x34e: {  	s30 =	sor.u32 s30, s31;
	[tilespmem:v4+s17+$0x0] =	vst.idx.add.f32.msk $0xffff, v3;
	(pc) =	sbr.rel @p2 .LBB2_23-.Ltmp14, $4  }
0x34f: {  	v2 =	vld [tilespmem:s30+$0x1B200]  }
0x350: {  	v3 =	vld [tilespmem:s30+$0x1BC00]  }
0x351: {  	v4 =	vld [tilespmem:s30+$0x1B000]  }
0x352: {  	s29 =	sadd.s32 $0x10, s29;
	v5 =	vld [tilespmem:s30+$0x1B080]  }
.Ltmp15:
0x353: {  	_ = 	snop;
	(pc) =	sbr.rel .LBB2_24-.Ltmp15, $1  }
0x354: {  	_ =	sdelay $0x3  }
.LBB2_26:
0x355: {  	_ =	sfence.sel $0x180000  }
0x356: {  	[bflag:$0x0] =	sbarrier.arrive $0xFFFF  }
0x357: {  	_ =	strace $0x90000047  }
0x358: {  	s0 =	stileid.u32;
	[bflag:$0x2] =	sbarrier.arrive $0xFFFF  }
0x359: {  	p0 =	sne.s32 s0, $0x0;
	s0 =	rddreg [dreg:$0x5]  }
0x35a: {  	s0 =	sadd.s32 @!p0 $0x100000, s0  }
0x35b: {  	[sflag:s0] =	ssyncadd.tile.s32 @!p0 $0x1;
	_ =	shalt  }
.Lfunc_end2:
_tile_overlayer_lowered:
.L_overlay_start_2:
0x35c: {  	(tag) =	ssettag $0x2  }
0x35d: {  	s0 =	rddreg [dreg:$0x0];
	s2 =	stileid.u32  }
0x35e: {  	s1 =	rddreg [dreg:$0x1];
	p0 =	sne.s32 s2, $0x0  }
0x35f: {  	s3 =	rddreg [dreg:$0x2];
	[bflag:$0x3] =	sbarrier.arrive $0xFFFF;
	s2 =	simm.s32 @!p0 $0x1C04  }
0x360: {  	[timem:s3], [sflag:s2] =	dma.local @!p0 [hbm:s0], s1  }
0x361: {  	s0 =	simm.s32 @!p0 $0x4  }
0x362: {  	_ =	swait.ge @!p0 [sflag:s0], s1  }
0x363: {  	s1 =	ssub.s32 @!p0 $0x0, s1;
	[sflag:s0] =	ssyncset.done @!p0 $0x0  }
0x364: {  	[sflag:s0] =	ssyncadd.s32 @!p0 s1  }
0x365: {  	[bflag:$0x3] =	sbarrier.arrive $0xFFFF  }
0x366: {  	_ =	shalt  }

</sc_bundles>
